<compile_context>
chip_gen: v7x
topology: tpu7x:2x2x1
jax: 0.10.2.dev20260603
libtpu: 0.0.44.dev20260713+nightly
codegen_flags: <defaults>
</compile_context>

<pallas_src>
import dataclasses

import jax
import jax.numpy as jnp
from jax import lax
from jax.experimental import pallas as pl
from jax.experimental.pallas import tpu as pltpu
from jax.experimental.pallas import tpu_sc as plsc


_NW = 32
_G = 4
_W = 50 * _G
_SB = 16
_SBR = _G * _SB
_SBW = _W * _SB


def _sc_embed(w4, rows2d, colb2d, batch, seq, dim):
    mesh = plsc.VectorSubcoreMesh(core_axis_name="c", subcore_axis_name="s")
    rows_per_worker = batch // _NW
    n_sb = rows_per_worker // _SBR

    cp = pltpu.CompilerParams()
    if "needs_layout_passes" in pltpu.CompilerParams.__dataclass_fields__:
        cp = dataclasses.replace(cp, needs_layout_passes=False)

    @pl.kernel(
        out_type=jax.ShapeDtypeStruct((batch, seq, dim), jnp.float32),
        mesh=mesh,
        compiler_params=cp,
        scratch_types=[
            pltpu.VMEM((_SBR, seq), jnp.int32),
            pltpu.VMEM((_SBW,), jnp.int32),
            pltpu.VMEM((_SBR, seq), jnp.int32),
            pltpu.VMEM((_SBW,), jnp.int32),
            pltpu.VMEM((_W, 128), jnp.float32),
            pltpu.VMEM((_W, 128), jnp.float32),
            pltpu.VMEM((_W, dim), jnp.float32),
            pltpu.VMEM((_W, dim), jnp.float32),
            pltpu.SemaphoreType.DMA,
            pltpu.SemaphoreType.DMA,
            pltpu.SemaphoreType.DMA,
            pltpu.SemaphoreType.DMA,
        ],
    )
    def k(w4_hbm, rows_hbm, colb_hbm, out_hbm, rslab, rlist, cbv, cbflat,
          fa, fb, oa, ob, gsa, gsb, ssa, ssb):
        wid = lax.axis_index("s") * 2 + lax.axis_index("c")
        row_base = wid * rows_per_worker

        def gather(c, fbuf, gsem):
            return pltpu.make_async_copy(
                w4_hbm.at[rlist.at[pl.ds(c * _W, _W)]], fbuf, gsem
            )

        def stores(s, c, obuf, ssem):
            dst_row = row_base + (s * _SB + c) * _G
            return [
                pltpu.make_async_copy(
                    obuf.at[pl.ds(gg * seq, seq)],
                    out_hbm.at[dst_row + gg],
                    ssem,
                )
                for gg in range(_G)
            ]

        def extract(c, fbuf, obuf):
            @pl.loop(0, _W // 16)
            def _(g):
                vec = cbflat[pl.ds(c * _W + g * 16, 16)]
                for k in range(16):
                    j = g * 16 + k
                    cb = vec[k]
                    obuf[j, pl.ds(0, 16)] = fbuf[j, pl.ds(cb, 16)]
                    obuf[j, pl.ds(16, 16)] = fbuf[j, pl.ds(cb + 16, 16)]

            gt = _W - 16
            vec = cbflat[pl.ds(c * _W + gt, 16)]
            for k in range(16):
                j = gt + k
                cb = vec[k]
                obuf[j, pl.ds(0, 16)] = fbuf[j, pl.ds(cb, 16)]
                obuf[j, pl.ds(16, 16)] = fbuf[j, pl.ds(cb + 16, 16)]

        def do_half(s, c, fbuf, obuf, gsem, ssem, first_thresh):
            gather(c, fbuf, gsem).wait()
            gc = s * _SB + c

            @pl.when(gc >= first_thresh)
            def _():
                for cp_ in stores(0, 0, obuf, ssem):
                    cp_.wait()

            extract(c, fbuf, obuf)
            for cp_ in stores(s, c, obuf, ssem):
                cp_.start()

        @pl.loop(0, n_sb)
        def _(s):
            sb_row = row_base + s * _SBR
            pltpu.sync_copy(rows_hbm.at[pl.ds(sb_row, _SBR)], rslab)
            pltpu.sync_copy(colb_hbm.at[pl.ds(sb_row, _SBR)], cbv)

            @pl.loop(0, _SBR)
            def _(r):
                for off in (0, 16, 32, seq - 16):
                    rlist[pl.ds(r * seq + off, 16)] = rslab[r, pl.ds(off, 16)]
                    cbflat[pl.ds(r * seq + off, 16)] = cbv[r, pl.ds(off, 16)]

            gather(0, fa, gsa).start()

            @pl.loop(0, _SB // 2)
            def _(it):
                c0 = 2 * it
                gather(c0 + 1, fb, gsb).start()
                do_half(s, c0, fa, oa, gsa, ssa, 2)

                @pl.when(it < _SB // 2 - 1)
                def _():
                    gather(c0 + 2, fa, gsa).start()

                do_half(s, c0 + 1, fb, ob, gsb, ssb, 3)

        for cp_ in stores(0, 0, oa, ssa):
            cp_.wait()
        for cp_ in stores(0, 0, ob, ssb):
            cp_.wait()

    return k(w4, rows2d, colb2d)


def kernel(token_ids, weight):
    b, s = token_ids.shape
    dim = weight.shape[1]
    ids = token_ids.astype(jnp.int32)
    rows2d = ids >> 2
    colb2d = (ids & 3) << 5
    w4 = weight.reshape(-1, 128)
    return _sc_embed(w4, rows2d, colb2d, b, s, dim)

# --- scband reference (transcript-rebuilt; emitter-appended) ---
"""Pipeline reference for scband-embedding-79362405695737 (READ-ONLY COPY).

The authoritative reference and input builder live on the scoring server;
editing this copy changes nothing except your own understanding.
"""

import jax, jax.numpy as jnp
import numpy as np

NUM_EMBEDDINGS = 1000000
EMBEDDING_DIM = 32

def setup_inputs(seed: int = 0) -> dict:
    key = jax.random.key(seed)
    k_idx, k_w = jax.random.split(key)
    token_ids = jax.random.randint(k_idx, (16384, 50), 0, NUM_EMBEDDINGS, dtype=jnp.int64 if jax.config.jax_enable_x64 else jnp.int32)
    # trunc_normal_(std=0.02): approximate with truncated normal in [-2,2] scaled by std
    weight = jax.random.truncated_normal(k_w, -2.0, 2.0, (NUM_EMBEDDINGS, EMBEDDING_DIM), dtype=jnp.float32) * 0.02
    return {"token_ids": token_ids, "weight": weight}

def reference(token_ids, weight):
    # Faithful translation of: return self.weight[token_ids]
    return jnp.take(weight, token_ids, axis=0)

if __name__ == "__main__":
    import jax
    _d = setup_inputs()
    print(jax.jit(kernel)(*tuple(_d.values())))

</pallas_src>

<mosaic_0001>
#map = affine_map<(d0, d1) -> (0, 0)>
#map1 = affine_map<(d0, d1) -> (0, 0, 0)>
module attributes {stable_mosaic.version = 14 : i64} {
  func.func @k(%arg0: i32, %arg1: i32, %arg2: memref<250000x128xf32, #tpu.memory_space<hbm>>, %arg3: memref<16384x50xi32, #tpu.memory_space<hbm>>, %arg4: memref<16384x50xi32, #tpu.memory_space<hbm>>, %arg5: memref<16384x50x32xf32, #tpu.memory_space<hbm>>, %arg6: memref<64x50xi32, #tpu.memory_space<vmem>>, %arg7: memref<3200xi32, #tpu.memory_space<vmem>>, %arg8: memref<64x50xi32, #tpu.memory_space<vmem>>, %arg9: memref<3200xi32, #tpu.memory_space<vmem>>, %arg10: memref<200x128xf32, #tpu.memory_space<vmem>>, %arg11: memref<200x128xf32, #tpu.memory_space<vmem>>, %arg12: memref<200x32xf32, #tpu.memory_space<vmem>>, %arg13: memref<200x32xf32, #tpu.memory_space<vmem>>, %arg14: memref<!tpu.dma_semaphore, #tpu.memory_space<semaphore_mem>>, %arg15: memref<!tpu.dma_semaphore, #tpu.memory_space<semaphore_mem>>, %arg16: memref<!tpu.dma_semaphore, #tpu.memory_space<semaphore_mem>>, %arg17: memref<!tpu.dma_semaphore, #tpu.memory_space<semaphore_mem>>) attributes {dimension_semantics = [#tpu.dimension_semantics<core_parallel>, #tpu.dimension_semantics<subcore_parallel>], iteration_bounds = array<i64: 2, 16>, scalar_prefetch = 0 : i64, scratch_operands = 12 : i64, tpu.core_type = #tpu.core_type<sc_vector_subcore>, window_params = [{transform_indices = #map}, {transform_indices = #map}, {transform_indices = #map}, {transform_indices = #map1}]} {
    %mul3A = arith.constant 2 : i32
    %mul3A_0 = arith.muli %arg1, %mul3A : i32
    %add3A = arith.addi %mul3A_0, %arg0 : i32
    %mul3A_1 = arith.constant 512 : i32
    %mul3A_2 = arith.muli %add3A, %mul3A_1 : i32
    %scan3A = arith.constant 0 : i32
    %scan3A_3 = arith.constant 8 : i32
    %scan3A_4 = arith.addi %scan3A, %scan3A_3 : i32
    %scan3A_5 = arith.constant 1 : i32
    scf.for %scan3A_138 = %scan3A to %scan3A_4 step %scan3A_5  : i32 {
      %mul3A_139 = arith.constant 1 : i32
      %mul3A_140 = arith.muli %scan3A_138, %mul3A_139 : i32
      %add3A_141 = arith.constant 0 : i32
      %add3A_142 = arith.addi %add3A_141, %mul3A_140 : i32
      %mul3A_143 = arith.constant 64 : i32
      %mul3A_144 = arith.muli %add3A_142, %mul3A_143 : i32
      %add3A_145 = arith.addi %mul3A_2, %mul3A_144 : i32
      "tpu.region"() ({
        %run_scoped3A = tpu.sem_alloc : memref<!tpu.dma_semaphore, #tpu.memory_space<semaphore_mem>>
        %dma_start3A_160 = arith.constant 0 : i32
        %dma_start3A_161 = tpu.memref_slice %arg3[%add3A_145, %dma_start3A_160] : memref<16384x50xi32, #tpu.memory_space<hbm>> -> memref<64x50xi32, #tpu.memory_space<hbm>>
        %dma_start3A_162 = arith.constant 0 : i32
        %dma_start3A_163 = tpu.memref_slice %arg3[%add3A_145, %dma_start3A_162] : memref<16384x50xi32, #tpu.memory_space<hbm>> -> memref<64x50xi32, #tpu.memory_space<hbm>>
        tpu.enqueue_dma source(%dma_start3A_163 : memref<64x50xi32, #tpu.memory_space<hbm>>) target(%arg6 : memref<64x50xi32, #tpu.memory_space<vmem>>) target_semaphore(%run_scoped3A : memref<!tpu.dma_semaphore, #tpu.memory_space<semaphore_mem>>)
        %dma_wait3A_164 = arith.constant 0 : i32
        %dma_wait3A_165 = tpu.memref_slice %arg3[%add3A_145, %dma_wait3A_164] : memref<16384x50xi32, #tpu.memory_space<hbm>> -> memref<64x50xi32, #tpu.memory_space<hbm>>
        %dma_wait3A_166 = arith.constant 0 : i32
        %dma_wait3A_167 = tpu.memref_slice %arg3[%add3A_145, %dma_wait3A_166] : memref<16384x50xi32, #tpu.memory_space<hbm>> -> memref<64x50xi32, #tpu.memory_space<hbm>>
        tpu.wait_dma2 semaphore(%run_scoped3A : memref<!tpu.dma_semaphore, #tpu.memory_space<semaphore_mem>>) src(%dma_wait3A_167 : memref<64x50xi32, #tpu.memory_space<hbm>>) dst(%arg6 : memref<64x50xi32, #tpu.memory_space<vmem>>)
        tpu.yield
      }) : () -> ()
      "tpu.region"() ({
        %run_scoped3A = tpu.sem_alloc : memref<!tpu.dma_semaphore, #tpu.memory_space<semaphore_mem>>
        %dma_start3A_160 = arith.constant 0 : i32
        %dma_start3A_161 = tpu.memref_slice %arg4[%add3A_145, %dma_start3A_160] : memref<16384x50xi32, #tpu.memory_space<hbm>> -> memref<64x50xi32, #tpu.memory_space<hbm>>
        %dma_start3A_162 = arith.constant 0 : i32
        %dma_start3A_163 = tpu.memref_slice %arg4[%add3A_145, %dma_start3A_162] : memref<16384x50xi32, #tpu.memory_space<hbm>> -> memref<64x50xi32, #tpu.memory_space<hbm>>
        tpu.enqueue_dma source(%dma_start3A_163 : memref<64x50xi32, #tpu.memory_space<hbm>>) target(%arg8 : memref<64x50xi32, #tpu.memory_space<vmem>>) target_semaphore(%run_scoped3A : memref<!tpu.dma_semaphore, #tpu.memory_space<semaphore_mem>>)
        %dma_wait3A_164 = arith.constant 0 : i32
        %dma_wait3A_165 = tpu.memref_slice %arg4[%add3A_145, %dma_wait3A_164] : memref<16384x50xi32, #tpu.memory_space<hbm>> -> memref<64x50xi32, #tpu.memory_space<hbm>>
        %dma_wait3A_166 = arith.constant 0 : i32
        %dma_wait3A_167 = tpu.memref_slice %arg4[%add3A_145, %dma_wait3A_166] : memref<16384x50xi32, #tpu.memory_space<hbm>> -> memref<64x50xi32, #tpu.memory_space<hbm>>
        tpu.wait_dma2 semaphore(%run_scoped3A : memref<!tpu.dma_semaphore, #tpu.memory_space<semaphore_mem>>) src(%dma_wait3A_167 : memref<64x50xi32, #tpu.memory_space<hbm>>) dst(%arg8 : memref<64x50xi32, #tpu.memory_space<vmem>>)
        tpu.yield
      }) : () -> ()
      %scan3A_146 = arith.constant 0 : i32
      %scan3A_147 = arith.constant 64 : i32
      %scan3A_148 = arith.addi %scan3A_146, %scan3A_147 : i32
      %scan3A_149 = arith.constant 1 : i32
      scf.for %scan3A_160 = %scan3A_146 to %scan3A_148 step %scan3A_149  : i32 {
        %mul3A_161 = arith.constant 1 : i32
        %mul3A_162 = arith.muli %scan3A_160, %mul3A_161 : i32
        %add3A_163 = arith.constant 0 : i32
        %add3A_164 = arith.addi %add3A_163, %mul3A_162 : i32
        %get3A = arith.index_cast %add3A_164 : i32 to index
        %get3A_165 = arith.constant 0 : index
        %get3A_166 = tpu.vector_load %arg6[%get3A, %get3A_165] {strides = array<i32>} : memref<64x50xi32, #tpu.memory_space<vmem>>, vector<16xi32>,
        %mul3A_167 = arith.constant 50 : i32
        %mul3A_168 = arith.muli %add3A_164, %mul3A_167 : i32
        %add3A_169 = arith.constant 0 : i32
        %add3A_170 = arith.addi %mul3A_168, %add3A_169 : i32
        %swap3A = arith.index_cast %add3A_170 : i32 to index
        %swap3A_171 = tpu.vector_load %arg7[%swap3A] {strides = array<i32>} : memref<3200xi32, #tpu.memory_space<vmem>>, vector<16xi32>,
        tpu.vector_store %arg7[%swap3A], %get3A_166 {strides = array<i32>} : memref<3200xi32, #tpu.memory_space<vmem>>, vector<16xi32>,
        %get3A_172 = arith.index_cast %add3A_164 : i32 to index
        %get3A_173 = arith.constant 0 : index
        %get3A_174 = tpu.vector_load %arg8[%get3A_172, %get3A_173] {strides = array<i32>} : memref<64x50xi32, #tpu.memory_space<vmem>>, vector<16xi32>,
        %mul3A_175 = arith.constant 50 : i32
        %mul3A_176 = arith.muli %add3A_164, %mul3A_175 : i32
        %add3A_177 = arith.constant 0 : i32
        %add3A_178 = arith.addi %mul3A_176, %add3A_177 : i32
        %swap3A_179 = arith.index_cast %add3A_178 : i32 to index
        %swap3A_180 = tpu.vector_load %arg9[%swap3A_179] {strides = array<i32>} : memref<3200xi32, #tpu.memory_space<vmem>>, vector<16xi32>,
        tpu.vector_store %arg9[%swap3A_179], %get3A_174 {strides = array<i32>} : memref<3200xi32, #tpu.memory_space<vmem>>, vector<16xi32>,
        %get3A_181 = arith.index_cast %add3A_164 : i32 to index
        %get3A_182 = arith.constant 16 : index
        %get3A_183 = tpu.vector_load %arg6[%get3A_181, %get3A_182] {strides = array<i32>} : memref<64x50xi32, #tpu.memory_space<vmem>>, vector<16xi32>,
        %mul3A_184 = arith.constant 50 : i32
        %mul3A_185 = arith.muli %add3A_164, %mul3A_184 : i32
        %add3A_186 = arith.constant 16 : i32
        %add3A_187 = arith.addi %mul3A_185, %add3A_186 : i32
        %swap3A_188 = arith.index_cast %add3A_187 : i32 to index
        %swap3A_189 = tpu.vector_load %arg7[%swap3A_188] {strides = array<i32>} : memref<3200xi32, #tpu.memory_space<vmem>>, vector<16xi32>,
        tpu.vector_store %arg7[%swap3A_188], %get3A_183 {strides = array<i32>} : memref<3200xi32, #tpu.memory_space<vmem>>, vector<16xi32>,
        %get3A_190 = arith.index_cast %add3A_164 : i32 to index
        %get3A_191 = arith.constant 16 : index
        %get3A_192 = tpu.vector_load %arg8[%get3A_190, %get3A_191] {strides = array<i32>} : memref<64x50xi32, #tpu.memory_space<vmem>>, vector<16xi32>,
        %mul3A_193 = arith.constant 50 : i32
        %mul3A_194 = arith.muli %add3A_164, %mul3A_193 : i32
        %add3A_195 = arith.constant 16 : i32
        %add3A_196 = arith.addi %mul3A_194, %add3A_195 : i32
        %swap3A_197 = arith.index_cast %add3A_196 : i32 to index
        %swap3A_198 = tpu.vector_load %arg9[%swap3A_197] {strides = array<i32>} : memref<3200xi32, #tpu.memory_space<vmem>>, vector<16xi32>,
        tpu.vector_store %arg9[%swap3A_197], %get3A_192 {strides = array<i32>} : memref<3200xi32, #tpu.memory_space<vmem>>, vector<16xi32>,
        %get3A_199 = arith.index_cast %add3A_164 : i32 to index
        %get3A_200 = arith.constant 32 : index
        %get3A_201 = tpu.vector_load %arg6[%get3A_199, %get3A_200] {strides = array<i32>} : memref<64x50xi32, #tpu.memory_space<vmem>>, vector<16xi32>,
        %mul3A_202 = arith.constant 50 : i32
        %mul3A_203 = arith.muli %add3A_164, %mul3A_202 : i32
        %add3A_204 = arith.constant 32 : i32
        %add3A_205 = arith.addi %mul3A_203, %add3A_204 : i32
        %swap3A_206 = arith.index_cast %add3A_205 : i32 to index
        %swap3A_207 = tpu.vector_load %arg7[%swap3A_206] {strides = array<i32>} : memref<3200xi32, #tpu.memory_space<vmem>>, vector<16xi32>,
        tpu.vector_store %arg7[%swap3A_206], %get3A_201 {strides = array<i32>} : memref<3200xi32, #tpu.memory_space<vmem>>, vector<16xi32>,
        %get3A_208 = arith.index_cast %add3A_164 : i32 to index
        %get3A_209 = arith.constant 32 : index
        %get3A_210 = tpu.vector_load %arg8[%get3A_208, %get3A_209] {strides = array<i32>} : memref<64x50xi32, #tpu.memory_space<vmem>>, vector<16xi32>,
        %mul3A_211 = arith.constant 50 : i32
        %mul3A_212 = arith.muli %add3A_164, %mul3A_211 : i32
        %add3A_213 = arith.constant 32 : i32
        %add3A_214 = arith.addi %mul3A_212, %add3A_213 : i32
        %swap3A_215 = arith.index_cast %add3A_214 : i32 to index
        %swap3A_216 = tpu.vector_load %arg9[%swap3A_215] {strides = array<i32>} : memref<3200xi32, #tpu.memory_space<vmem>>, vector<16xi32>,
        tpu.vector_store %arg9[%swap3A_215], %get3A_210 {strides = array<i32>} : memref<3200xi32, #tpu.memory_space<vmem>>, vector<16xi32>,
        %get3A_217 = arith.index_cast %add3A_164 : i32 to index
        %get3A_218 = arith.constant 34 : index
        %get3A_219 = tpu.vector_load %arg6[%get3A_217, %get3A_218] {strides = array<i32>} : memref<64x50xi32, #tpu.memory_space<vmem>>, vector<16xi32>,
        %mul3A_220 = arith.constant 50 : i32
        %mul3A_221 = arith.muli %add3A_164, %mul3A_220 : i32
        %add3A_222 = arith.constant 34 : i32
        %add3A_223 = arith.addi %mul3A_221, %add3A_222 : i32
        %swap3A_224 = arith.index_cast %add3A_223 : i32 to index
        %swap3A_225 = tpu.vector_load %arg7[%swap3A_224] {strides = array<i32>} : memref<3200xi32, #tpu.memory_space<vmem>>, vector<16xi32>,
        tpu.vector_store %arg7[%swap3A_224], %get3A_219 {strides = array<i32>} : memref<3200xi32, #tpu.memory_space<vmem>>, vector<16xi32>,
        %get3A_226 = arith.index_cast %add3A_164 : i32 to index
        %get3A_227 = arith.constant 34 : index
        %get3A_228 = tpu.vector_load %arg8[%get3A_226, %get3A_227] {strides = array<i32>} : memref<64x50xi32, #tpu.memory_space<vmem>>, vector<16xi32>,
        %mul3A_229 = arith.constant 50 : i32
        %mul3A_230 = arith.muli %add3A_164, %mul3A_229 : i32
        %add3A_231 = arith.constant 34 : i32
        %add3A_232 = arith.addi %mul3A_230, %add3A_231 : i32
        %swap3A_233 = arith.index_cast %add3A_232 : i32 to index
        %swap3A_234 = tpu.vector_load %arg9[%swap3A_233] {strides = array<i32>} : memref<3200xi32, #tpu.memory_space<vmem>>, vector<16xi32>,
        tpu.vector_store %arg9[%swap3A_233], %get3A_228 {strides = array<i32>} : memref<3200xi32, #tpu.memory_space<vmem>>, vector<16xi32>,
      }
      %scan3A_150 = arith.constant 64 : i32
      %dma_start3A = arith.constant 0 : i32
      %dma_start3A_151 = tpu.memref_slice %arg7[%dma_start3A] : memref<3200xi32, #tpu.memory_space<vmem>> -> memref<200xi32, #tpu.memory_space<vmem>>
      %dma_start3A_152 = arith.constant 0 : i32
      %dma_start3A_153 = arith.constant 0 : i32
      %dma_start3A_154 = tpu.memref_slice %arg2[%dma_start3A_152, %dma_start3A_153] : memref<250000x128xf32, #tpu.memory_space<hbm>> -> memref<250000x128xf32, #tpu.memory_space<hbm>>
      tpu.enqueue_indirect_dma source(%dma_start3A_154 : memref<250000x128xf32, #tpu.memory_space<hbm>>) target(%arg10 : memref<200x128xf32, #tpu.memory_space<vmem>>) offsets(%dma_start3A_151 : memref<200xi32, #tpu.memory_space<vmem>>) semaphore(%arg14 : memref<!tpu.dma_semaphore, #tpu.memory_space<semaphore_mem>>)
      %scan3A_155 = arith.constant 0 : i32
      %scan3A_156 = arith.constant 8 : i32
      %scan3A_157 = arith.addi %scan3A_155, %scan3A_156 : i32
      %scan3A_158 = arith.constant 1 : i32
      scf.for %scan3A_160 = %scan3A_155 to %scan3A_157 step %scan3A_158  : i32 {
        %mul3A_161 = arith.constant 1 : i32
        %mul3A_162 = arith.muli %scan3A_160, %mul3A_161 : i32
        %add3A_163 = arith.constant 0 : i32
        %add3A_164 = arith.addi %add3A_163, %mul3A_162 : i32
        %mul3A_165 = arith.constant 2 : i32
        %mul3A_166 = arith.muli %mul3A_165, %add3A_164 : i32
        %add3A_167 = arith.constant 1 : i32
        %add3A_168 = arith.addi %mul3A_166, %add3A_167 : i32
        %mul3A_169 = arith.constant 200 : i32
        %mul3A_170 = arith.muli %add3A_168, %mul3A_169 : i32
        %dma_start3A_171 = tpu.memref_slice %arg7[%mul3A_170] : memref<3200xi32, #tpu.memory_space<vmem>> -> memref<200xi32, #tpu.memory_space<vmem>>
        %dma_start3A_172 = arith.constant 0 : i32
        %dma_start3A_173 = arith.constant 0 : i32
        %dma_start3A_174 = tpu.memref_slice %arg2[%dma_start3A_172, %dma_start3A_173] : memref<250000x128xf32, #tpu.memory_space<hbm>> -> memref<250000x128xf32, #tpu.memory_space<hbm>>
        tpu.enqueue_indirect_dma source(%dma_start3A_174 : memref<250000x128xf32, #tpu.memory_space<hbm>>) target(%arg11 : memref<200x128xf32, #tpu.memory_space<vmem>>) offsets(%dma_start3A_171 : memref<200xi32, #tpu.memory_space<vmem>>) semaphore(%arg15 : memref<!tpu.dma_semaphore, #tpu.memory_space<semaphore_mem>>)
        %mul3A_175 = arith.constant 200 : i32
        %mul3A_176 = arith.muli %mul3A_166, %mul3A_175 : i32
        %dma_wait3A_177 = tpu.memref_slice %arg7[%mul3A_176] : memref<3200xi32, #tpu.memory_space<vmem>> -> memref<200xi32, #tpu.memory_space<vmem>>
        %dma_wait3A_178 = arith.constant 0 : i32
        %dma_wait3A_179 = arith.constant 0 : i32
        %dma_wait3A_180 = tpu.memref_slice %arg2[%dma_wait3A_178, %dma_wait3A_179] : memref<250000x128xf32, #tpu.memory_space<hbm>> -> memref<250000x128xf32, #tpu.memory_space<hbm>>
        tpu.wait_indirect_dma semaphore(%arg14 : memref<!tpu.dma_semaphore, #tpu.memory_space<semaphore_mem>>) src(%dma_wait3A_180 : memref<250000x128xf32, #tpu.memory_space<hbm>>) dst(%arg10 : memref<200x128xf32, #tpu.memory_space<vmem>>)
        %mul3A_181 = arith.constant 16 : i32
        %mul3A_182 = arith.muli %add3A_142, %mul3A_181 : i32
        %add3A_183 = arith.addi %mul3A_182, %mul3A_166 : i32
        %ge3A = arith.constant 2 : i32
        %ge3A_184 = arith.cmpi sge, %add3A_183, %ge3A : i32
        %convert_element_type3A = arith.extui %ge3A_184 : i1 to i32
        %cond3A = arith.constant 0 : i32
        %cond3A_185 = arith.cmpi ne, %convert_element_type3A, %cond3A : i32
        scf.if %cond3A_185 {
          %add3A_1004 = arith.constant 0 : i32
          %add3A_1005 = arith.addi %mul3A_2, %add3A_1004 : i32
          %add3A_1006 = arith.constant 0 : i32
          %add3A_1007 = arith.addi %add3A_1005, %add3A_1006 : i32
          %add3A_1008 = arith.constant 1 : i32
          %add3A_1009 = arith.addi %add3A_1005, %add3A_1008 : i32
          %add3A_1010 = arith.constant 2 : i32
          %add3A_1011 = arith.addi %add3A_1005, %add3A_1010 : i32
          %add3A_1012 = arith.constant 3 : i32
          %add3A_1013 = arith.addi %add3A_1005, %add3A_1012 : i32
          %dma_wait3A_1014 = arith.constant 0 : i32
          %dma_wait3A_1015 = arith.constant 0 : i32
          %dma_wait3A_1016 = tpu.memref_slice %arg12[%dma_wait3A_1014, %dma_wait3A_1015] : memref<200x32xf32, #tpu.memory_space<vmem>> -> memref<50x32xf32, #tpu.memory_space<vmem>>
          %dma_wait3A_1017 = arith.constant 0 : i32
          %dma_wait3A_1018 = arith.constant 0 : i32
          %dma_wait3A_1019 = tpu.memref_slice %arg5[%add3A_1007, %dma_wait3A_1017, %dma_wait3A_1018] : memref<16384x50x32xf32, #tpu.memory_space<hbm>> -> memref<1x50x32xf32, #tpu.memory_space<hbm>>
          %dma_wait3A_1020 = tpu.memref_squeeze %dma_wait3A_1019 : memref<1x50x32xf32, #tpu.memory_space<hbm>> -> memref<50x32xf32, #tpu.memory_space<hbm>>
          %dma_wait3A_1021 = arith.constant 0 : i32
          %dma_wait3A_1022 = arith.constant 0 : i32
          %dma_wait3A_1023 = tpu.memref_slice %arg5[%add3A_1007, %dma_wait3A_1021, %dma_wait3A_1022] : memref<16384x50x32xf32, #tpu.memory_space<hbm>> -> memref<1x50x32xf32, #tpu.memory_space<hbm>>
          %dma_wait3A_1024 = tpu.memref_squeeze %dma_wait3A_1023 : memref<1x50x32xf32, #tpu.memory_space<hbm>> -> memref<50x32xf32, #tpu.memory_space<hbm>>
          %dma_wait3A_1025 = arith.constant 0 : i32
          %dma_wait3A_1026 = arith.constant 0 : i32
          %dma_wait3A_1027 = tpu.memref_slice %arg12[%dma_wait3A_1025, %dma_wait3A_1026] : memref<200x32xf32, #tpu.memory_space<vmem>> -> memref<50x32xf32, #tpu.memory_space<vmem>>
          tpu.wait_dma2 semaphore(%arg16 : memref<!tpu.dma_semaphore, #tpu.memory_space<semaphore_mem>>) src(%dma_wait3A_1027 : memref<50x32xf32, #tpu.memory_space<vmem>>) dst(%dma_wait3A_1024 : memref<50x32xf32, #tpu.memory_space<hbm>>)
          %dma_wait3A_1028 = arith.constant 50 : i32
          %dma_wait3A_1029 = arith.constant 0 : i32
          %dma_wait3A_1030 = tpu.memref_slice %arg12[%dma_wait3A_1028, %dma_wait3A_1029] : memref<200x32xf32, #tpu.memory_space<vmem>> -> memref<50x32xf32, #tpu.memory_space<vmem>>
          %dma_wait3A_1031 = arith.constant 0 : i32
          %dma_wait3A_1032 = arith.constant 0 : i32
          %dma_wait3A_1033 = tpu.memref_slice %arg5[%add3A_1009, %dma_wait3A_1031, %dma_wait3A_1032] : memref<16384x50x32xf32, #tpu.memory_space<hbm>> -> memref<1x50x32xf32, #tpu.memory_space<hbm>>
          %dma_wait3A_1034 = tpu.memref_squeeze %dma_wait3A_1033 : memref<1x50x32xf32, #tpu.memory_space<hbm>> -> memref<50x32xf32, #tpu.memory_space<hbm>>
          %dma_wait3A_1035 = arith.constant 0 : i32
          %dma_wait3A_1036 = arith.constant 0 : i32
          %dma_wait3A_1037 = tpu.memref_slice %arg5[%add3A_1009, %dma_wait3A_1035, %dma_wait3A_1036] : memref<16384x50x32xf32, #tpu.memory_space<hbm>> -> memref<1x50x32xf32, #tpu.memory_space<hbm>>
          %dma_wait3A_1038 = tpu.memref_squeeze %dma_wait3A_1037 : memref<1x50x32xf32, #tpu.memory_space<hbm>> -> memref<50x32xf32, #tpu.memory_space<hbm>>
          %dma_wait3A_1039 = arith.constant 50 : i32
          %dma_wait3A_1040 = arith.constant 0 : i32
          %dma_wait3A_1041 = tpu.memref_slice %arg12[%dma_wait3A_1039, %dma_wait3A_1040] : memref<200x32xf32, #tpu.memory_space<vmem>> -> memref<50x32xf32, #tpu.memory_space<vmem>>
          tpu.wait_dma2 semaphore(%arg16 : memref<!tpu.dma_semaphore, #tpu.memory_space<semaphore_mem>>) src(%dma_wait3A_1041 : memref<50x32xf32, #tpu.memory_space<vmem>>) dst(%dma_wait3A_1038 : memref<50x32xf32, #tpu.memory_space<hbm>>)
          %dma_wait3A_1042 = arith.constant 100 : i32
          %dma_wait3A_1043 = arith.constant 0 : i32
          %dma_wait3A_1044 = tpu.memref_slice %arg12[%dma_wait3A_1042, %dma_wait3A_1043] : memref<200x32xf32, #tpu.memory_space<vmem>> -> memref<50x32xf32, #tpu.memory_space<vmem>>
          %dma_wait3A_1045 = arith.constant 0 : i32
          %dma_wait3A_1046 = arith.constant 0 : i32
          %dma_wait3A_1047 = tpu.memref_slice %arg5[%add3A_1011, %dma_wait3A_1045, %dma_wait3A_1046] : memref<16384x50x32xf32, #tpu.memory_space<hbm>> -> memref<1x50x32xf32, #tpu.memory_space<hbm>>
          %dma_wait3A_1048 = tpu.memref_squeeze %dma_wait3A_1047 : memref<1x50x32xf32, #tpu.memory_space<hbm>> -> memref<50x32xf32, #tpu.memory_space<hbm>>
          %dma_wait3A_1049 = arith.constant 0 : i32
          %dma_wait3A_1050 = arith.constant 0 : i32
          %dma_wait3A_1051 = tpu.memref_slice %arg5[%add3A_1011, %dma_wait3A_1049, %dma_wait3A_1050] : memref<16384x50x32xf32, #tpu.memory_space<hbm>> -> memref<1x50x32xf32, #tpu.memory_space<hbm>>
          %dma_wait3A_1052 = tpu.memref_squeeze %dma_wait3A_1051 : memref<1x50x32xf32, #tpu.memory_space<hbm>> -> memref<50x32xf32, #tpu.memory_space<hbm>>
          %dma_wait3A_1053 = arith.constant 100 : i32
          %dma_wait3A_1054 = arith.constant 0 : i32
          %dma_wait3A_1055 = tpu.memref_slice %arg12[%dma_wait3A_1053, %dma_wait3A_1054] : memref<200x32xf32, #tpu.memory_space<vmem>> -> memref<50x32xf32, #tpu.memory_space<vmem>>
          tpu.wait_dma2 semaphore(%arg16 : memref<!tpu.dma_semaphore, #tpu.memory_space<semaphore_mem>>) src(%dma_wait3A_1055 : memref<50x32xf32, #tpu.memory_space<vmem>>) dst(%dma_wait3A_1052 : memref<50x32xf32, #tpu.memory_space<hbm>>)
          %dma_wait3A_1056 = arith.constant 150 : i32
          %dma_wait3A_1057 = arith.constant 0 : i32
          %dma_wait3A_1058 = tpu.memref_slice %arg12[%dma_wait3A_1056, %dma_wait3A_1057] : memref<200x32xf32, #tpu.memory_space<vmem>> -> memref<50x32xf32, #tpu.memory_space<vmem>>
          %dma_wait3A_1059 = arith.constant 0 : i32
          %dma_wait3A_1060 = arith.constant 0 : i32
          %dma_wait3A_1061 = tpu.memref_slice %arg5[%add3A_1013, %dma_wait3A_1059, %dma_wait3A_1060] : memref<16384x50x32xf32, #tpu.memory_space<hbm>> -> memref<1x50x32xf32, #tpu.memory_space<hbm>>
          %dma_wait3A_1062 = tpu.memref_squeeze %dma_wait3A_1061 : memref<1x50x32xf32, #tpu.memory_space<hbm>> -> memref<50x32xf32, #tpu.memory_space<hbm>>
          %dma_wait3A_1063 = arith.constant 0 : i32
          %dma_wait3A_1064 = arith.constant 0 : i32
          %dma_wait3A_1065 = tpu.memref_slice %arg5[%add3A_1013, %dma_wait3A_1063, %dma_wait3A_1064] : memref<16384x50x32xf32, #tpu.memory_space<hbm>> -> memref<1x50x32xf32, #tpu.memory_space<hbm>>
          %dma_wait3A_1066 = tpu.memref_squeeze %dma_wait3A_1065 : memref<1x50x32xf32, #tpu.memory_space<hbm>> -> memref<50x32xf32, #tpu.memory_space<hbm>>
          %dma_wait3A_1067 = arith.constant 150 : i32
          %dma_wait3A_1068 = arith.constant 0 : i32
          %dma_wait3A_1069 = tpu.memref_slice %arg12[%dma_wait3A_1067, %dma_wait3A_1068] : memref<200x32xf32, #tpu.memory_space<vmem>> -> memref<50x32xf32, #tpu.memory_space<vmem>>
          tpu.wait_dma2 semaphore(%arg16 : memref<!tpu.dma_semaphore, #tpu.memory_space<semaphore_mem>>) src(%dma_wait3A_1069 : memref<50x32xf32, #tpu.memory_space<vmem>>) dst(%dma_wait3A_1066 : memref<50x32xf32, #tpu.memory_space<hbm>>)
        } else {
        }
        %scan3A_186 = arith.constant 0 : i32
        %scan3A_187 = arith.constant 12 : i32
        %scan3A_188 = arith.addi %scan3A_186, %scan3A_187 : i32
        %scan3A_189 = arith.constant 1 : i32
        scf.for %scan3A_1004 = %scan3A_186 to %scan3A_188 step %scan3A_189  : i32 {
          %mul3A_1005 = arith.constant 1 : i32
          %mul3A_1006 = arith.muli %scan3A_1004, %mul3A_1005 : i32
          %add3A_1007 = arith.constant 0 : i32
          %add3A_1008 = arith.addi %add3A_1007, %mul3A_1006 : i32
          %mul3A_1009 = arith.constant 200 : i32
          %mul3A_1010 = arith.muli %mul3A_166, %mul3A_1009 : i32
          %mul3A_1011 = arith.constant 16 : i32
          %mul3A_1012 = arith.muli %add3A_1008, %mul3A_1011 : i32
          %add3A_1013 = arith.addi %mul3A_1010, %mul3A_1012 : i32
          %get3A_1014 = arith.index_cast %add3A_1013 : i32 to index
          %get3A_1015 = tpu.vector_load %arg9[%get3A_1014] {strides = array<i32>} : memref<3200xi32, #tpu.memory_space<vmem>>, vector<16xi32>,
          %mul3A_1016 = arith.constant 16 : i32
          %mul3A_1017 = arith.muli %add3A_1008, %mul3A_1016 : i32
          %add3A_1018 = arith.constant 0 : i32
          %add3A_1019 = arith.addi %mul3A_1017, %add3A_1018 : i32
          %slice3A_1020 = vector.extract_strided_slice %get3A_1015 {offsets = [0], sizes = [1], strides = [1]} : vector<16xi32> to vector<1xi32>
          %squeeze3A_1021 = vector.extract %slice3A_1020[0] : i32 from vector<1xi32>
          %get3A_1022 = arith.index_cast %add3A_1019 : i32 to index
          %get3A_1023 = arith.index_cast %squeeze3A_1021 : i32 to index
          %get3A_1024 = tpu.vector_load %arg10[%get3A_1022, %get3A_1023] {strides = array<i32>} : memref<200x128xf32, #tpu.memory_space<vmem>>, vector<16xf32>,
          %swap3A_1025 = arith.index_cast %add3A_1019 : i32 to index
          %swap3A_1026 = arith.constant 0 : index
          %swap3A_1027 = tpu.vector_load %arg12[%swap3A_1025, %swap3A_1026] {strides = array<i32>} : memref<200x32xf32, #tpu.memory_space<vmem>>, vector<16xf32>,
          tpu.vector_store %arg12[%swap3A_1025, %swap3A_1026], %get3A_1024 {strides = array<i32>} : memref<200x32xf32, #tpu.memory_space<vmem>>, vector<16xf32>,
          %add3A_1028 = arith.constant 16 : i32
          %add3A_1029 = arith.addi %squeeze3A_1021, %add3A_1028 : i32
          %get3A_1030 = arith.index_cast %add3A_1019 : i32 to index
          %get3A_1031 = arith.index_cast %add3A_1029 : i32 to index
          %get3A_1032 = tpu.vector_load %arg10[%get3A_1030, %get3A_1031] {strides = array<i32>} : memref<200x128xf32, #tpu.memory_space<vmem>>, vector<16xf32>,
          %swap3A_1033 = arith.index_cast %add3A_1019 : i32 to index
          %swap3A_1034 = arith.constant 16 : index
          %swap3A_1035 = tpu.vector_load %arg12[%swap3A_1033, %swap3A_1034] {strides = array<i32>} : memref<200x32xf32, #tpu.memory_space<vmem>>, vector<16xf32>,
          tpu.vector_store %arg12[%swap3A_1033, %swap3A_1034], %get3A_1032 {strides = array<i32>} : memref<200x32xf32, #tpu.memory_space<vmem>>, vector<16xf32>,
          %mul3A_1036 = arith.constant 16 : i32
          %mul3A_1037 = arith.muli %add3A_1008, %mul3A_1036 : i32
          %add3A_1038 = arith.constant 1 : i32
          %add3A_1039 = arith.addi %mul3A_1037, %add3A_1038 : i32
          %slice3A_1040 = vector.extract_strided_slice %get3A_1015 {offsets = [1], sizes = [1], strides = [1]} : vector<16xi32> to vector<1xi32>
          %squeeze3A_1041 = vector.extract %slice3A_1040[0] : i32 from vector<1xi32>
          %get3A_1042 = arith.index_cast %add3A_1039 : i32 to index
          %get3A_1043 = arith.index_cast %squeeze3A_1041 : i32 to index
          %get3A_1044 = tpu.vector_load %arg10[%get3A_1042, %get3A_1043] {strides = array<i32>} : memref<200x128xf32, #tpu.memory_space<vmem>>, vector<16xf32>,
          %swap3A_1045 = arith.index_cast %add3A_1039 : i32 to index
          %swap3A_1046 = arith.constant 0 : index
          %swap3A_1047 = tpu.vector_load %arg12[%swap3A_1045, %swap3A_1046] {strides = array<i32>} : memref<200x32xf32, #tpu.memory_space<vmem>>, vector<16xf32>,
          tpu.vector_store %arg12[%swap3A_1045, %swap3A_1046], %get3A_1044 {strides = array<i32>} : memref<200x32xf32, #tpu.memory_space<vmem>>, vector<16xf32>,
          %add3A_1048 = arith.constant 16 : i32
          %add3A_1049 = arith.addi %squeeze3A_1041, %add3A_1048 : i32
          %get3A_1050 = arith.index_cast %add3A_1039 : i32 to index
          %get3A_1051 = arith.index_cast %add3A_1049 : i32 to index
          %get3A_1052 = tpu.vector_load %arg10[%get3A_1050, %get3A_1051] {strides = array<i32>} : memref<200x128xf32, #tpu.memory_space<vmem>>, vector<16xf32>,
          %swap3A_1053 = arith.index_cast %add3A_1039 : i32 to index
          %swap3A_1054 = arith.constant 16 : index
          %swap3A_1055 = tpu.vector_load %arg12[%swap3A_1053, %swap3A_1054] {strides = array<i32>} : memref<200x32xf32, #tpu.memory_space<vmem>>, vector<16xf32>,
          tpu.vector_store %arg12[%swap3A_1053, %swap3A_1054], %get3A_1052 {strides = array<i32>} : memref<200x32xf32, #tpu.memory_space<vmem>>, vector<16xf32>,
          %mul3A_1056 = arith.constant 16 : i32
          %mul3A_1057 = arith.muli %add3A_1008, %mul3A_1056 : i32
          %add3A_1058 = arith.constant 2 : i32
          %add3A_1059 = arith.addi %mul3A_1057, %add3A_1058 : i32
          %slice3A_1060 = vector.extract_strided_slice %get3A_1015 {offsets = [2], sizes = [1], strides = [1]} : vector<16xi32> to vector<1xi32>
          %squeeze3A_1061 = vector.extract %slice3A_1060[0] : i32 from vector<1xi32>
          %get3A_1062 = arith.index_cast %add3A_1059 : i32 to index
          %get3A_1063 = arith.index_cast %squeeze3A_1061 : i32 to index
          %get3A_1064 = tpu.vector_load %arg10[%get3A_1062, %get3A_1063] {strides = array<i32>} : memref<200x128xf32, #tpu.memory_space<vmem>>, vector<16xf32>,
          %swap3A_1065 = arith.index_cast %add3A_1059 : i32 to index
          %swap3A_1066 = arith.constant 0 : index
          %swap3A_1067 = tpu.vector_load %arg12[%swap3A_1065, %swap3A_1066] {strides = array<i32>} : memref<200x32xf32, #tpu.memory_space<vmem>>, vector<16xf32>,
          tpu.vector_store %arg12[%swap3A_1065, %swap3A_1066], %get3A_1064 {strides = array<i32>} : memref<200x32xf32, #tpu.memory_space<vmem>>, vector<16xf32>,
          %add3A_1068 = arith.constant 16 : i32
          %add3A_1069 = arith.addi %squeeze3A_1061, %add3A_1068 : i32
          %get3A_1070 = arith.index_cast %add3A_1059 : i32 to index
          %get3A_1071 = arith.index_cast %add3A_1069 : i32 to index
          %get3A_1072 = tpu.vector_load %arg10[%get3A_1070, %get3A_1071] {strides = array<i32>} : memref<200x128xf32, #tpu.memory_space<vmem>>, vector<16xf32>,
          %swap3A_1073 = arith.index_cast %add3A_1059 : i32 to index
          %swap3A_1074 = arith.constant 16 : index
          %swap3A_1075 = tpu.vector_load %arg12[%swap3A_1073, %swap3A_1074] {strides = array<i32>} : memref<200x32xf32, #tpu.memory_space<vmem>>, vector<16xf32>,
          tpu.vector_store %arg12[%swap3A_1073, %swap3A_1074], %get3A_1072 {strides = array<i32>} : memref<200x32xf32, #tpu.memory_space<vmem>>, vector<16xf32>,
          %mul3A_1076 = arith.constant 16 : i32
          %mul3A_1077 = arith.muli %add3A_1008, %mul3A_1076 : i32
          %add3A_1078 = arith.constant 3 : i32
          %add3A_1079 = arith.addi %mul3A_1077, %add3A_1078 : i32
          %slice3A_1080 = vector.extract_strided_slice %get3A_1015 {offsets = [3], sizes = [1], strides = [1]} : vector<16xi32> to vector<1xi32>
          %squeeze3A_1081 = vector.extract %slice3A_1080[0] : i32 from vector<1xi32>
          %get3A_1082 = arith.index_cast %add3A_1079 : i32 to index
          %get3A_1083 = arith.index_cast %squeeze3A_1081 : i32 to index
          %get3A_1084 = tpu.vector_load %arg10[%get3A_1082, %get3A_1083] {strides = array<i32>} : memref<200x128xf32, #tpu.memory_space<vmem>>, vector<16xf32>,
          %swap3A_1085 = arith.index_cast %add3A_1079 : i32 to index
          %swap3A_1086 = arith.constant 0 : index
          %swap3A_1087 = tpu.vector_load %arg12[%swap3A_1085, %swap3A_1086] {strides = array<i32>} : memref<200x32xf32, #tpu.memory_space<vmem>>, vector<16xf32>,
          tpu.vector_store %arg12[%swap3A_1085, %swap3A_1086], %get3A_1084 {strides = array<i32>} : memref<200x32xf32, #tpu.memory_space<vmem>>, vector<16xf32>,
          %add3A_1088 = arith.constant 16 : i32
          %add3A_1089 = arith.addi %squeeze3A_1081, %add3A_1088 : i32
          %get3A_1090 = arith.index_cast %add3A_1079 : i32 to index
          %get3A_1091 = arith.index_cast %add3A_1089 : i32 to index
          %get3A_1092 = tpu.vector_load %arg10[%get3A_1090, %get3A_1091] {strides = array<i32>} : memref<200x128xf32, #tpu.memory_space<vmem>>, vector<16xf32>,
          %swap3A_1093 = arith.index_cast %add3A_1079 : i32 to index
          %swap3A_1094 = arith.constant 16 : index
          %swap3A_1095 = tpu.vector_load %arg12[%swap3A_1093, %swap3A_1094] {strides = array<i32>} : memref<200x32xf32, #tpu.memory_space<vmem>>, vector<16xf32>,
          tpu.vector_store %arg12[%swap3A_1093, %swap3A_1094], %get3A_1092 {strides = array<i32>} : memref<200x32xf32, #tpu.memory_space<vmem>>, vector<16xf32>,
          %mul3A_1096 = arith.constant 16 : i32
          %mul3A_1097 = arith.muli %add3A_1008, %mul3A_1096 : i32
          %add3A_1098 = arith.constant 4 : i32
          %add3A_1099 = arith.addi %mul3A_1097, %add3A_1098 : i32
          %slice3A_1100 = vector.extract_strided_slice %get3A_1015 {offsets = [4], sizes = [1], strides = [1]} : vector<16xi32> to vector<1xi32>
          %squeeze3A_1101 = vector.extract %slice3A_1100[0] : i32 from vector<1xi32>
          %get3A_1102 = arith.index_cast %add3A_1099 : i32 to index
          %get3A_1103 = arith.index_cast %squeeze3A_1101 : i32 to index
          %get3A_1104 = tpu.vector_load %arg10[%get3A_1102, %get3A_1103] {strides = array<i32>} : memref<200x128xf32, #tpu.memory_space<vmem>>, vector<16xf32>,
          %swap3A_1105 = arith.index_cast %add3A_1099 : i32 to index
          %swap3A_1106 = arith.constant 0 : index
          %swap3A_1107 = tpu.vector_load %arg12[%swap3A_1105, %swap3A_1106] {strides = array<i32>} : memref<200x32xf32, #tpu.memory_space<vmem>>, vector<16xf32>,
          tpu.vector_store %arg12[%swap3A_1105, %swap3A_1106], %get3A_1104 {strides = array<i32>} : memref<200x32xf32, #tpu.memory_space<vmem>>, vector<16xf32>,
          %add3A_1108 = arith.constant 16 : i32
          %add3A_1109 = arith.addi %squeeze3A_1101, %add3A_1108 : i32
          %get3A_1110 = arith.index_cast %add3A_1099 : i32 to index
          %get3A_1111 = arith.index_cast %add3A_1109 : i32 to index
          %get3A_1112 = tpu.vector_load %arg10[%get3A_1110, %get3A_1111] {strides = array<i32>} : memref<200x128xf32, #tpu.memory_space<vmem>>, vector<16xf32>,
          %swap3A_1113 = arith.index_cast %add3A_1099 : i32 to index
          %swap3A_1114 = arith.constant 16 : index
          %swap3A_1115 = tpu.vector_load %arg12[%swap3A_1113, %swap3A_1114] {strides = array<i32>} : memref<200x32xf32, #tpu.memory_space<vmem>>, vector<16xf32>,
          tpu.vector_store %arg12[%swap3A_1113, %swap3A_1114], %get3A_1112 {strides = array<i32>} : memref<200x32xf32, #tpu.memory_space<vmem>>, vector<16xf32>,
          %mul3A_1116 = arith.constant 16 : i32
          %mul3A_1117 = arith.muli %add3A_1008, %mul3A_1116 : i32
          %add3A_1118 = arith.constant 5 : i32
          %add3A_1119 = arith.addi %mul3A_1117, %add3A_1118 : i32
          %slice3A_1120 = vector.extract_strided_slice %get3A_1015 {offsets = [5], sizes = [1], strides = [1]} : vector<16xi32> to vector<1xi32>
          %squeeze3A_1121 = vector.extract %slice3A_1120[0] : i32 from vector<1xi32>
          %get3A_1122 = arith.index_cast %add3A_1119 : i32 to index
          %get3A_1123 = arith.index_cast %squeeze3A_1121 : i32 to index
          %get3A_1124 = tpu.vector_load %arg10[%get3A_1122, %get3A_1123] {strides = array<i32>} : memref<200x128xf32, #tpu.memory_space<vmem>>, vector<16xf32>,
          %swap3A_1125 = arith.index_cast %add3A_1119 : i32 to index
          %swap3A_1126 = arith.constant 0 : index
          %swap3A_1127 = tpu.vector_load %arg12[%swap3A_1125, %swap3A_1126] {strides = array<i32>} : memref<200x32xf32, #tpu.memory_space<vmem>>, vector<16xf32>,
          tpu.vector_store %arg12[%swap3A_1125, %swap3A_1126], %get3A_1124 {strides = array<i32>} : memref<200x32xf32, #tpu.memory_space<vmem>>, vector<16xf32>,
          %add3A_1128 = arith.constant 16 : i32
          %add3A_1129 = arith.addi %squeeze3A_1121, %add3A_1128 : i32
          %get3A_1130 = arith.index_cast %add3A_1119 : i32 to index
          %get3A_1131 = arith.index_cast %add3A_1129 : i32 to index
          %get3A_1132 = tpu.vector_load %arg10[%get3A_1130, %get3A_1131] {strides = array<i32>} : memref<200x128xf32, #tpu.memory_space<vmem>>, vector<16xf32>,
          %swap3A_1133 = arith.index_cast %add3A_1119 : i32 to index
          %swap3A_1134 = arith.constant 16 : index
          %swap3A_1135 = tpu.vector_load %arg12[%swap3A_1133, %swap3A_1134] {strides = array<i32>} : memref<200x32xf32, #tpu.memory_space<vmem>>, vector<16xf32>,
          tpu.vector_store %arg12[%swap3A_1133, %swap3A_1134], %get3A_1132 {strides = array<i32>} : memref<200x32xf32, #tpu.memory_space<vmem>>, vector<16xf32>,
          %mul3A_1136 = arith.constant 16 : i32
          %mul3A_1137 = arith.muli %add3A_1008, %mul3A_1136 : i32
          %add3A_1138 = arith.constant 6 : i32
          %add3A_1139 = arith.addi %mul3A_1137, %add3A_1138 : i32
          %slice3A_1140 = vector.extract_strided_slice %get3A_1015 {offsets = [6], sizes = [1], strides = [1]} : vector<16xi32> to vector<1xi32>
          %squeeze3A_1141 = vector.extract %slice3A_1140[0] : i32 from vector<1xi32>
          %get3A_1142 = arith.index_cast %add3A_1139 : i32 to index
          %get3A_1143 = arith.index_cast %squeeze3A_1141 : i32 to index
          %get3A_1144 = tpu.vector_load %arg10[%get3A_1142, %get3A_1143] {strides = array<i32>} : memref<200x128xf32, #tpu.memory_space<vmem>>, vector<16xf32>,
          %swap3A_1145 = arith.index_cast %add3A_1139 : i32 to index
          %swap3A_1146 = arith.constant 0 : index
          %swap3A_1147 = tpu.vector_load %arg12[%swap3A_1145, %swap3A_1146] {strides = array<i32>} : memref<200x32xf32, #tpu.memory_space<vmem>>, vector<16xf32>,
          tpu.vector_store %arg12[%swap3A_1145, %swap3A_1146], %get3A_1144 {strides = array<i32>} : memref<200x32xf32, #tpu.memory_space<vmem>>, vector<16xf32>,
          %add3A_1148 = arith.constant 16 : i32
          %add3A_1149 = arith.addi %squeeze3A_1141, %add3A_1148 : i32
          %get3A_1150 = arith.index_cast %add3A_1139 : i32 to index
          %get3A_1151 = arith.index_cast %add3A_1149 : i32 to index
          %get3A_1152 = tpu.vector_load %arg10[%get3A_1150, %get3A_1151] {strides = array<i32>} : memref<200x128xf32, #tpu.memory_space<vmem>>, vector<16xf32>,
          %swap3A_1153 = arith.index_cast %add3A_1139 : i32 to index
          %swap3A_1154 = arith.constant 16 : index
          %swap3A_1155 = tpu.vector_load %arg12[%swap3A_1153, %swap3A_1154] {strides = array<i32>} : memref<200x32xf32, #tpu.memory_space<vmem>>, vector<16xf32>,
          tpu.vector_store %arg12[%swap3A_1153, %swap3A_1154], %get3A_1152 {strides = array<i32>} : memref<200x32xf32, #tpu.memory_space<vmem>>, vector<16xf32>,
          %mul3A_1156 = arith.constant 16 : i32
          %mul3A_1157 = arith.muli %add3A_1008, %mul3A_1156 : i32
          %add3A_1158 = arith.constant 7 : i32
          %add3A_1159 = arith.addi %mul3A_1157, %add3A_1158 : i32
          %slice3A_1160 = vector.extract_strided_slice %get3A_1015 {offsets = [7], sizes = [1], strides = [1]} : vector<16xi32> to vector<1xi32>
          %squeeze3A_1161 = vector.extract %slice3A_1160[0] : i32 from vector<1xi32>
          %get3A_1162 = arith.index_cast %add3A_1159 : i32 to index
          %get3A_1163 = arith.index_cast %squeeze3A_1161 : i32 to index
          %get3A_1164 = tpu.vector_load %arg10[%get3A_1162, %get3A_1163] {strides = array<i32>} : memref<200x128xf32, #tpu.memory_space<vmem>>, vector<16xf32>,
          %swap3A_1165 = arith.index_cast %add3A_1159 : i32 to index
          %swap3A_1166 = arith.constant 0 : index
          %swap3A_1167 = tpu.vector_load %arg12[%swap3A_1165, %swap3A_1166] {strides = array<i32>} : memref<200x32xf32, #tpu.memory_space<vmem>>, vector<16xf32>,
          tpu.vector_store %arg12[%swap3A_1165, %swap3A_1166], %get3A_1164 {strides = array<i32>} : memref<200x32xf32, #tpu.memory_space<vmem>>, vector<16xf32>,
          %add3A_1168 = arith.constant 16 : i32
          %add3A_1169 = arith.addi %squeeze3A_1161, %add3A_1168 : i32
          %get3A_1170 = arith.index_cast %add3A_1159 : i32 to index
          %get3A_1171 = arith.index_cast %add3A_1169 : i32 to index
          %get3A_1172 = tpu.vector_load %arg10[%get3A_1170, %get3A_1171] {strides = array<i32>} : memref<200x128xf32, #tpu.memory_space<vmem>>, vector<16xf32>,
          %swap3A_1173 = arith.index_cast %add3A_1159 : i32 to index
          %swap3A_1174 = arith.constant 16 : index
          %swap3A_1175 = tpu.vector_load %arg12[%swap3A_1173, %swap3A_1174] {strides = array<i32>} : memref<200x32xf32, #tpu.memory_space<vmem>>, vector<16xf32>,
          tpu.vector_store %arg12[%swap3A_1173, %swap3A_1174], %get3A_1172 {strides = array<i32>} : memref<200x32xf32, #tpu.memory_space<vmem>>, vector<16xf32>,
          %mul3A_1176 = arith.constant 16 : i32
          %mul3A_1177 = arith.muli %add3A_1008, %mul3A_1176 : i32
          %add3A_1178 = arith.constant 8 : i32
          %add3A_1179 = arith.addi %mul3A_1177, %add3A_1178 : i32
          %slice3A_1180 = vector.extract_strided_slice %get3A_1015 {offsets = [8], sizes = [1], strides = [1]} : vector<16xi32> to vector<1xi32>
          %squeeze3A_1181 = vector.extract %slice3A_1180[0] : i32 from vector<1xi32>
          %get3A_1182 = arith.index_cast %add3A_1179 : i32 to index
          %get3A_1183 = arith.index_cast %squeeze3A_1181 : i32 to index
          %get3A_1184 = tpu.vector_load %arg10[%get3A_1182, %get3A_1183] {strides = array<i32>} : memref<200x128xf32, #tpu.memory_space<vmem>>, vector<16xf32>,
          %swap3A_1185 = arith.index_cast %add3A_1179 : i32 to index
          %swap3A_1186 = arith.constant 0 : index
          %swap3A_1187 = tpu.vector_load %arg12[%swap3A_1185, %swap3A_1186] {strides = array<i32>} : memref<200x32xf32, #tpu.memory_space<vmem>>, vector<16xf32>,
          tpu.vector_store %arg12[%swap3A_1185, %swap3A_1186], %get3A_1184 {strides = array<i32>} : memref<200x32xf32, #tpu.memory_space<vmem>>, vector<16xf32>,
          %add3A_1188 = arith.constant 16 : i32
          %add3A_1189 = arith.addi %squeeze3A_1181, %add3A_1188 : i32
          %get3A_1190 = arith.index_cast %add3A_1179 : i32 to index
          %get3A_1191 = arith.index_cast %add3A_1189 : i32 to index
          %get3A_1192 = tpu.vector_load %arg10[%get3A_1190, %get3A_1191] {strides = array<i32>} : memref<200x128xf32, #tpu.memory_space<vmem>>, vector<16xf32>,
          %swap3A_1193 = arith.index_cast %add3A_1179 : i32 to index
          %swap3A_1194 = arith.constant 16 : index
          %swap3A_1195 = tpu.vector_load %arg12[%swap3A_1193, %swap3A_1194] {strides = array<i32>} : memref<200x32xf32, #tpu.memory_space<vmem>>, vector<16xf32>,
          tpu.vector_store %arg12[%swap3A_1193, %swap3A_1194], %get3A_1192 {strides = array<i32>} : memref<200x32xf32, #tpu.memory_space<vmem>>, vector<16xf32>,
          %mul3A_1196 = arith.constant 16 : i32
          %mul3A_1197 = arith.muli %add3A_1008, %mul3A_1196 : i32
          %add3A_1198 = arith.constant 9 : i32
          %add3A_1199 = arith.addi %mul3A_1197, %add3A_1198 : i32
          %slice3A_1200 = vector.extract_strided_slice %get3A_1015 {offsets = [9], sizes = [1], strides = [1]} : vector<16xi32> to vector<1xi32>
          %squeeze3A_1201 = vector.extract %slice3A_1200[0] : i32 from vector<1xi32>
          %get3A_1202 = arith.index_cast %add3A_1199 : i32 to index
          %get3A_1203 = arith.index_cast %squeeze3A_1201 : i32 to index
          %get3A_1204 = tpu.vector_load %arg10[%get3A_1202, %get3A_1203] {strides = array<i32>} : memref<200x128xf32, #tpu.memory_space<vmem>>, vector<16xf32>,
          %swap3A_1205 = arith.index_cast %add3A_1199 : i32 to index
          %swap3A_1206 = arith.constant 0 : index
          %swap3A_1207 = tpu.vector_load %arg12[%swap3A_1205, %swap3A_1206] {strides = array<i32>} : memref<200x32xf32, #tpu.memory_space<vmem>>, vector<16xf32>,
          tpu.vector_store %arg12[%swap3A_1205, %swap3A_1206], %get3A_1204 {strides = array<i32>} : memref<200x32xf32, #tpu.memory_space<vmem>>, vector<16xf32>,
          %add3A_1208 = arith.constant 16 : i32
          %add3A_1209 = arith.addi %squeeze3A_1201, %add3A_1208 : i32
          %get3A_1210 = arith.index_cast %add3A_1199 : i32 to index
          %get3A_1211 = arith.index_cast %add3A_1209 : i32 to index
          %get3A_1212 = tpu.vector_load %arg10[%get3A_1210, %get3A_1211] {strides = array<i32>} : memref<200x128xf32, #tpu.memory_space<vmem>>, vector<16xf32>,
          %swap3A_1213 = arith.index_cast %add3A_1199 : i32 to index
          %swap3A_1214 = arith.constant 16 : index
          %swap3A_1215 = tpu.vector_load %arg12[%swap3A_1213, %swap3A_1214] {strides = array<i32>} : memref<200x32xf32, #tpu.memory_space<vmem>>, vector<16xf32>,
          tpu.vector_store %arg12[%swap3A_1213, %swap3A_1214], %get3A_1212 {strides = array<i32>} : memref<200x32xf32, #tpu.memory_space<vmem>>, vector<16xf32>,
          %mul3A_1216 = arith.constant 16 : i32
          %mul3A_1217 = arith.muli %add3A_1008, %mul3A_1216 : i32
          %add3A_1218 = arith.constant 10 : i32
          %add3A_1219 = arith.addi %mul3A_1217, %add3A_1218 : i32
          %slice3A_1220 = vector.extract_strided_slice %get3A_1015 {offsets = [10], sizes = [1], strides = [1]} : vector<16xi32> to vector<1xi32>
          %squeeze3A_1221 = vector.extract %slice3A_1220[0] : i32 from vector<1xi32>
          %get3A_1222 = arith.index_cast %add3A_1219 : i32 to index
          %get3A_1223 = arith.index_cast %squeeze3A_1221 : i32 to index
          %get3A_1224 = tpu.vector_load %arg10[%get3A_1222, %get3A_1223] {strides = array<i32>} : memref<200x128xf32, #tpu.memory_space<vmem>>, vector<16xf32>,
          %swap3A_1225 = arith.index_cast %add3A_1219 : i32 to index
          %swap3A_1226 = arith.constant 0 : index
          %swap3A_1227 = tpu.vector_load %arg12[%swap3A_1225, %swap3A_1226] {strides = array<i32>} : memref<200x32xf32, #tpu.memory_space<vmem>>, vector<16xf32>,
          tpu.vector_store %arg12[%swap3A_1225, %swap3A_1226], %get3A_1224 {strides = array<i32>} : memref<200x32xf32, #tpu.memory_space<vmem>>, vector<16xf32>,
          %add3A_1228 = arith.constant 16 : i32
          %add3A_1229 = arith.addi %squeeze3A_1221, %add3A_1228 : i32
          %get3A_1230 = arith.index_cast %add3A_1219 : i32 to index
          %get3A_1231 = arith.index_cast %add3A_1229 : i32 to index
          %get3A_1232 = tpu.vector_load %arg10[%get3A_1230, %get3A_1231] {strides = array<i32>} : memref<200x128xf32, #tpu.memory_space<vmem>>, vector<16xf32>,
          %swap3A_1233 = arith.index_cast %add3A_1219 : i32 to index
          %swap3A_1234 = arith.constant 16 : index
          %swap3A_1235 = tpu.vector_load %arg12[%swap3A_1233, %swap3A_1234] {strides = array<i32>} : memref<200x32xf32, #tpu.memory_space<vmem>>, vector<16xf32>,
          tpu.vector_store %arg12[%swap3A_1233, %swap3A_1234], %get3A_1232 {strides = array<i32>} : memref<200x32xf32, #tpu.memory_space<vmem>>, vector<16xf32>,
          %mul3A_1236 = arith.constant 16 : i32
          %mul3A_1237 = arith.muli %add3A_1008, %mul3A_1236 : i32
          %add3A_1238 = arith.constant 11 : i32
          %add3A_1239 = arith.addi %mul3A_1237, %add3A_1238 : i32
          %slice3A_1240 = vector.extract_strided_slice %get3A_1015 {offsets = [11], sizes = [1], strides = [1]} : vector<16xi32> to vector<1xi32>
          %squeeze3A_1241 = vector.extract %slice3A_1240[0] : i32 from vector<1xi32>
          %get3A_1242 = arith.index_cast %add3A_1239 : i32 to index
          %get3A_1243 = arith.index_cast %squeeze3A_1241 : i32 to index
          %get3A_1244 = tpu.vector_load %arg10[%get3A_1242, %get3A_1243] {strides = array<i32>} : memref<200x128xf32, #tpu.memory_space<vmem>>, vector<16xf32>,
          %swap3A_1245 = arith.index_cast %add3A_1239 : i32 to index
          %swap3A_1246 = arith.constant 0 : index
          %swap3A_1247 = tpu.vector_load %arg12[%swap3A_1245, %swap3A_1246] {strides = array<i32>} : memref<200x32xf32, #tpu.memory_space<vmem>>, vector<16xf32>,
          tpu.vector_store %arg12[%swap3A_1245, %swap3A_1246], %get3A_1244 {strides = array<i32>} : memref<200x32xf32, #tpu.memory_space<vmem>>, vector<16xf32>,
          %add3A_1248 = arith.constant 16 : i32
          %add3A_1249 = arith.addi %squeeze3A_1241, %add3A_1248 : i32
          %get3A_1250 = arith.index_cast %add3A_1239 : i32 to index
          %get3A_1251 = arith.index_cast %add3A_1249 : i32 to index
          %get3A_1252 = tpu.vector_load %arg10[%get3A_1250, %get3A_1251] {strides = array<i32>} : memref<200x128xf32, #tpu.memory_space<vmem>>, vector<16xf32>,
          %swap3A_1253 = arith.index_cast %add3A_1239 : i32 to index
          %swap3A_1254 = arith.constant 16 : index
          %swap3A_1255 = tpu.vector_load %arg12[%swap3A_1253, %swap3A_1254] {strides = array<i32>} : memref<200x32xf32, #tpu.memory_space<vmem>>, vector<16xf32>,
          tpu.vector_store %arg12[%swap3A_1253, %swap3A_1254], %get3A_1252 {strides = array<i32>} : memref<200x32xf32, #tpu.memory_space<vmem>>, vector<16xf32>,
          %mul3A_1256 = arith.constant 16 : i32
          %mul3A_1257 = arith.muli %add3A_1008, %mul3A_1256 : i32
          %add3A_1258 = arith.constant 12 : i32
          %add3A_1259 = arith.addi %mul3A_1257, %add3A_1258 : i32
          %slice3A_1260 = vector.extract_strided_slice %get3A_1015 {offsets = [12], sizes = [1], strides = [1]} : vector<16xi32> to vector<1xi32>
          %squeeze3A_1261 = vector.extract %slice3A_1260[0] : i32 from vector<1xi32>
          %get3A_1262 = arith.index_cast %add3A_1259 : i32 to index
          %get3A_1263 = arith.index_cast %squeeze3A_1261 : i32 to index
          %get3A_1264 = tpu.vector_load %arg10[%get3A_1262, %get3A_1263] {strides = array<i32>} : memref<200x128xf32, #tpu.memory_space<vmem>>, vector<16xf32>,
          %swap3A_1265 = arith.index_cast %add3A_1259 : i32 to index
          %swap3A_1266 = arith.constant 0 : index
          %swap3A_1267 = tpu.vector_load %arg12[%swap3A_1265, %swap3A_1266] {strides = array<i32>} : memref<200x32xf32, #tpu.memory_space<vmem>>, vector<16xf32>,
          tpu.vector_store %arg12[%swap3A_1265, %swap3A_1266], %get3A_1264 {strides = array<i32>} : memref<200x32xf32, #tpu.memory_space<vmem>>, vector<16xf32>,
          %add3A_1268 = arith.constant 16 : i32
          %add3A_1269 = arith.addi %squeeze3A_1261, %add3A_1268 : i32
          %get3A_1270 = arith.index_cast %add3A_1259 : i32 to index
          %get3A_1271 = arith.index_cast %add3A_1269 : i32 to index
          %get3A_1272 = tpu.vector_load %arg10[%get3A_1270, %get3A_1271] {strides = array<i32>} : memref<200x128xf32, #tpu.memory_space<vmem>>, vector<16xf32>,
          %swap3A_1273 = arith.index_cast %add3A_1259 : i32 to index
          %swap3A_1274 = arith.constant 16 : index
          %swap3A_1275 = tpu.vector_load %arg12[%swap3A_1273, %swap3A_1274] {strides = array<i32>} : memref<200x32xf32, #tpu.memory_space<vmem>>, vector<16xf32>,
          tpu.vector_store %arg12[%swap3A_1273, %swap3A_1274], %get3A_1272 {strides = array<i32>} : memref<200x32xf32, #tpu.memory_space<vmem>>, vector<16xf32>,
          %mul3A_1276 = arith.constant 16 : i32
          %mul3A_1277 = arith.muli %add3A_1008, %mul3A_1276 : i32
          %add3A_1278 = arith.constant 13 : i32
          %add3A_1279 = arith.addi %mul3A_1277, %add3A_1278 : i32
          %slice3A_1280 = vector.extract_strided_slice %get3A_1015 {offsets = [13], sizes = [1], strides = [1]} : vector<16xi32> to vector<1xi32>
          %squeeze3A_1281 = vector.extract %slice3A_1280[0] : i32 from vector<1xi32>
          %get3A_1282 = arith.index_cast %add3A_1279 : i32 to index
          %get3A_1283 = arith.index_cast %squeeze3A_1281 : i32 to index
          %get3A_1284 = tpu.vector_load %arg10[%get3A_1282, %get3A_1283] {strides = array<i32>} : memref<200x128xf32, #tpu.memory_space<vmem>>, vector<16xf32>,
          %swap3A_1285 = arith.index_cast %add3A_1279 : i32 to index
          %swap3A_1286 = arith.constant 0 : index
          %swap3A_1287 = tpu.vector_load %arg12[%swap3A_1285, %swap3A_1286] {strides = array<i32>} : memref<200x32xf32, #tpu.memory_space<vmem>>, vector<16xf32>,
          tpu.vector_store %arg12[%swap3A_1285, %swap3A_1286], %get3A_1284 {strides = array<i32>} : memref<200x32xf32, #tpu.memory_space<vmem>>, vector<16xf32>,
          %add3A_1288 = arith.constant 16 : i32
          %add3A_1289 = arith.addi %squeeze3A_1281, %add3A_1288 : i32
          %get3A_1290 = arith.index_cast %add3A_1279 : i32 to index
          %get3A_1291 = arith.index_cast %add3A_1289 : i32 to index
          %get3A_1292 = tpu.vector_load %arg10[%get3A_1290, %get3A_1291] {strides = array<i32>} : memref<200x128xf32, #tpu.memory_space<vmem>>, vector<16xf32>,
          %swap3A_1293 = arith.index_cast %add3A_1279 : i32 to index
          %swap3A_1294 = arith.constant 16 : index
          %swap3A_1295 = tpu.vector_load %arg12[%swap3A_1293, %swap3A_1294] {strides = array<i32>} : memref<200x32xf32, #tpu.memory_space<vmem>>, vector<16xf32>,
          tpu.vector_store %arg12[%swap3A_1293, %swap3A_1294], %get3A_1292 {strides = array<i32>} : memref<200x32xf32, #tpu.memory_space<vmem>>, vector<16xf32>,
          %mul3A_1296 = arith.constant 16 : i32
          %mul3A_1297 = arith.muli %add3A_1008, %mul3A_1296 : i32
          %add3A_1298 = arith.constant 14 : i32
          %add3A_1299 = arith.addi %mul3A_1297, %add3A_1298 : i32
          %slice3A_1300 = vector.extract_strided_slice %get3A_1015 {offsets = [14], sizes = [1], strides = [1]} : vector<16xi32> to vector<1xi32>
          %squeeze3A_1301 = vector.extract %slice3A_1300[0] : i32 from vector<1xi32>
          %get3A_1302 = arith.index_cast %add3A_1299 : i32 to index
          %get3A_1303 = arith.index_cast %squeeze3A_1301 : i32 to index
          %get3A_1304 = tpu.vector_load %arg10[%get3A_1302, %get3A_1303] {strides = array<i32>} : memref<200x128xf32, #tpu.memory_space<vmem>>, vector<16xf32>,
          %swap3A_1305 = arith.index_cast %add3A_1299 : i32 to index
          %swap3A_1306 = arith.constant 0 : index
          %swap3A_1307 = tpu.vector_load %arg12[%swap3A_1305, %swap3A_1306] {strides = array<i32>} : memref<200x32xf32, #tpu.memory_space<vmem>>, vector<16xf32>,
          tpu.vector_store %arg12[%swap3A_1305, %swap3A_1306], %get3A_1304 {strides = array<i32>} : memref<200x32xf32, #tpu.memory_space<vmem>>, vector<16xf32>,
          %add3A_1308 = arith.constant 16 : i32
          %add3A_1309 = arith.addi %squeeze3A_1301, %add3A_1308 : i32
          %get3A_1310 = arith.index_cast %add3A_1299 : i32 to index
          %get3A_1311 = arith.index_cast %add3A_1309 : i32 to index
          %get3A_1312 = tpu.vector_load %arg10[%get3A_1310, %get3A_1311] {strides = array<i32>} : memref<200x128xf32, #tpu.memory_space<vmem>>, vector<16xf32>,
          %swap3A_1313 = arith.index_cast %add3A_1299 : i32 to index
          %swap3A_1314 = arith.constant 16 : index
          %swap3A_1315 = tpu.vector_load %arg12[%swap3A_1313, %swap3A_1314] {strides = array<i32>} : memref<200x32xf32, #tpu.memory_space<vmem>>, vector<16xf32>,
          tpu.vector_store %arg12[%swap3A_1313, %swap3A_1314], %get3A_1312 {strides = array<i32>} : memref<200x32xf32, #tpu.memory_space<vmem>>, vector<16xf32>,
          %mul3A_1316 = arith.constant 16 : i32
          %mul3A_1317 = arith.muli %add3A_1008, %mul3A_1316 : i32
          %add3A_1318 = arith.constant 15 : i32
          %add3A_1319 = arith.addi %mul3A_1317, %add3A_1318 : i32
          %slice3A_1320 = vector.extract_strided_slice %get3A_1015 {offsets = [15], sizes = [1], strides = [1]} : vector<16xi32> to vector<1xi32>
          %squeeze3A_1321 = vector.extract %slice3A_1320[0] : i32 from vector<1xi32>
          %get3A_1322 = arith.index_cast %add3A_1319 : i32 to index
          %get3A_1323 = arith.index_cast %squeeze3A_1321 : i32 to index
          %get3A_1324 = tpu.vector_load %arg10[%get3A_1322, %get3A_1323] {strides = array<i32>} : memref<200x128xf32, #tpu.memory_space<vmem>>, vector<16xf32>,
          %swap3A_1325 = arith.index_cast %add3A_1319 : i32 to index
          %swap3A_1326 = arith.constant 0 : index
          %swap3A_1327 = tpu.vector_load %arg12[%swap3A_1325, %swap3A_1326] {strides = array<i32>} : memref<200x32xf32, #tpu.memory_space<vmem>>, vector<16xf32>,
          tpu.vector_store %arg12[%swap3A_1325, %swap3A_1326], %get3A_1324 {strides = array<i32>} : memref<200x32xf32, #tpu.memory_space<vmem>>, vector<16xf32>,
          %add3A_1328 = arith.constant 16 : i32
          %add3A_1329 = arith.addi %squeeze3A_1321, %add3A_1328 : i32
          %get3A_1330 = arith.index_cast %add3A_1319 : i32 to index
          %get3A_1331 = arith.index_cast %add3A_1329 : i32 to index
          %get3A_1332 = tpu.vector_load %arg10[%get3A_1330, %get3A_1331] {strides = array<i32>} : memref<200x128xf32, #tpu.memory_space<vmem>>, vector<16xf32>,
          %swap3A_1333 = arith.index_cast %add3A_1319 : i32 to index
          %swap3A_1334 = arith.constant 16 : index
          %swap3A_1335 = tpu.vector_load %arg12[%swap3A_1333, %swap3A_1334] {strides = array<i32>} : memref<200x32xf32, #tpu.memory_space<vmem>>, vector<16xf32>,
          tpu.vector_store %arg12[%swap3A_1333, %swap3A_1334], %get3A_1332 {strides = array<i32>} : memref<200x32xf32, #tpu.memory_space<vmem>>, vector<16xf32>,
        }
        %scan3A_190 = arith.constant 12 : i32
        %mul3A_191 = arith.constant 200 : i32
        %mul3A_192 = arith.muli %mul3A_166, %mul3A_191 : i32
        %add3A_193 = arith.constant 184 : i32
        %add3A_194 = arith.addi %mul3A_192, %add3A_193 : i32
        %get3A = arith.index_cast %add3A_194 : i32 to index
        %get3A_195 = tpu.vector_load %arg9[%get3A] {strides = array<i32>} : memref<3200xi32, #tpu.memory_space<vmem>>, vector<16xi32>,
        %slice3A = vector.extract_strided_slice %get3A_195 {offsets = [0], sizes = [1], strides = [1]} : vector<16xi32> to vector<1xi32>
        %squeeze3A = vector.extract %slice3A[0] : i32 from vector<1xi32>
        %get3A_196 = arith.constant 184 : i32
        %get3A_197 = arith.index_cast %get3A_196 : i32 to index
        %get3A_198 = arith.index_cast %squeeze3A : i32 to index
        %get3A_199 = tpu.vector_load %arg10[%get3A_197, %get3A_198] {strides = array<i32>} : memref<200x128xf32, #tpu.memory_space<vmem>>, vector<16xf32>,
        %swap3A = arith.constant 184 : i32
        %swap3A_200 = arith.index_cast %swap3A : i32 to index
        %swap3A_201 = arith.constant 0 : index
        %swap3A_202 = tpu.vector_load %arg12[%swap3A_200, %swap3A_201] {strides = array<i32>} : memref<200x32xf32, #tpu.memory_space<vmem>>, vector<16xf32>,
        tpu.vector_store %arg12[%swap3A_200, %swap3A_201], %get3A_199 {strides = array<i32>} : memref<200x32xf32, #tpu.memory_space<vmem>>, vector<16xf32>,
        %add3A_203 = arith.constant 16 : i32
        %add3A_204 = arith.addi %squeeze3A, %add3A_203 : i32
        %get3A_205 = arith.constant 184 : i32
        %get3A_206 = arith.index_cast %get3A_205 : i32 to index
        %get3A_207 = arith.index_cast %add3A_204 : i32 to index
        %get3A_208 = tpu.vector_load %arg10[%get3A_206, %get3A_207] {strides = array<i32>} : memref<200x128xf32, #tpu.memory_space<vmem>>, vector<16xf32>,
        %swap3A_209 = arith.constant 184 : i32
        %swap3A_210 = arith.index_cast %swap3A_209 : i32 to index
        %swap3A_211 = arith.constant 16 : index
        %swap3A_212 = tpu.vector_load %arg12[%swap3A_210, %swap3A_211] {strides = array<i32>} : memref<200x32xf32, #tpu.memory_space<vmem>>, vector<16xf32>,
        tpu.vector_store %arg12[%swap3A_210, %swap3A_211], %get3A_208 {strides = array<i32>} : memref<200x32xf32, #tpu.memory_space<vmem>>, vector<16xf32>,
        %slice3A_213 = vector.extract_strided_slice %get3A_195 {offsets = [1], sizes = [1], strides = [1]} : vector<16xi32> to vector<1xi32>
        %squeeze3A_214 = vector.extract %slice3A_213[0] : i32 from vector<1xi32>
        %get3A_215 = arith.constant 185 : i32
        %get3A_216 = arith.index_cast %get3A_215 : i32 to index
        %get3A_217 = arith.index_cast %squeeze3A_214 : i32 to index
        %get3A_218 = tpu.vector_load %arg10[%get3A_216, %get3A_217] {strides = array<i32>} : memref<200x128xf32, #tpu.memory_space<vmem>>, vector<16xf32>,
        %swap3A_219 = arith.constant 185 : i32
        %swap3A_220 = arith.index_cast %swap3A_219 : i32 to index
        %swap3A_221 = arith.constant 0 : index
        %swap3A_222 = tpu.vector_load %arg12[%swap3A_220, %swap3A_221] {strides = array<i32>} : memref<200x32xf32, #tpu.memory_space<vmem>>, vector<16xf32>,
        tpu.vector_store %arg12[%swap3A_220, %swap3A_221], %get3A_218 {strides = array<i32>} : memref<200x32xf32, #tpu.memory_space<vmem>>, vector<16xf32>,
        %add3A_223 = arith.constant 16 : i32
        %add3A_224 = arith.addi %squeeze3A_214, %add3A_223 : i32
        %get3A_225 = arith.constant 185 : i32
        %get3A_226 = arith.index_cast %get3A_225 : i32 to index
        %get3A_227 = arith.index_cast %add3A_224 : i32 to index
        %get3A_228 = tpu.vector_load %arg10[%get3A_226, %get3A_227] {strides = array<i32>} : memref<200x128xf32, #tpu.memory_space<vmem>>, vector<16xf32>,
        %swap3A_229 = arith.constant 185 : i32
        %swap3A_230 = arith.index_cast %swap3A_229 : i32 to index
        %swap3A_231 = arith.constant 16 : index
        %swap3A_232 = tpu.vector_load %arg12[%swap3A_230, %swap3A_231] {strides = array<i32>} : memref<200x32xf32, #tpu.memory_space<vmem>>, vector<16xf32>,
        tpu.vector_store %arg12[%swap3A_230, %swap3A_231], %get3A_228 {strides = array<i32>} : memref<200x32xf32, #tpu.memory_space<vmem>>, vector<16xf32>,
        %slice3A_233 = vector.extract_strided_slice %get3A_195 {offsets = [2], sizes = [1], strides = [1]} : vector<16xi32> to vector<1xi32>
        %squeeze3A_234 = vector.extract %slice3A_233[0] : i32 from vector<1xi32>
        %get3A_235 = arith.constant 186 : i32
        %get3A_236 = arith.index_cast %get3A_235 : i32 to index
        %get3A_237 = arith.index_cast %squeeze3A_234 : i32 to index
        %get3A_238 = tpu.vector_load %arg10[%get3A_236, %get3A_237] {strides = array<i32>} : memref<200x128xf32, #tpu.memory_space<vmem>>, vector<16xf32>,
        %swap3A_239 = arith.constant 186 : i32
        %swap3A_240 = arith.index_cast %swap3A_239 : i32 to index
        %swap3A_241 = arith.constant 0 : index
        %swap3A_242 = tpu.vector_load %arg12[%swap3A_240, %swap3A_241] {strides = array<i32>} : memref<200x32xf32, #tpu.memory_space<vmem>>, vector<16xf32>,
        tpu.vector_store %arg12[%swap3A_240, %swap3A_241], %get3A_238 {strides = array<i32>} : memref<200x32xf32, #tpu.memory_space<vmem>>, vector<16xf32>,
        %add3A_243 = arith.constant 16 : i32
        %add3A_244 = arith.addi %squeeze3A_234, %add3A_243 : i32
        %get3A_245 = arith.constant 186 : i32
        %get3A_246 = arith.index_cast %get3A_245 : i32 to index
        %get3A_247 = arith.index_cast %add3A_244 : i32 to index
        %get3A_248 = tpu.vector_load %arg10[%get3A_246, %get3A_247] {strides = array<i32>} : memref<200x128xf32, #tpu.memory_space<vmem>>, vector<16xf32>,
        %swap3A_249 = arith.constant 186 : i32
        %swap3A_250 = arith.index_cast %swap3A_249 : i32 to index
        %swap3A_251 = arith.constant 16 : index
        %swap3A_252 = tpu.vector_load %arg12[%swap3A_250, %swap3A_251] {strides = array<i32>} : memref<200x32xf32, #tpu.memory_space<vmem>>, vector<16xf32>,
        tpu.vector_store %arg12[%swap3A_250, %swap3A_251], %get3A_248 {strides = array<i32>} : memref<200x32xf32, #tpu.memory_space<vmem>>, vector<16xf32>,
        %slice3A_253 = vector.extract_strided_slice %get3A_195 {offsets = [3], sizes = [1], strides = [1]} : vector<16xi32> to vector<1xi32>
        %squeeze3A_254 = vector.extract %slice3A_253[0] : i32 from vector<1xi32>
        %get3A_255 = arith.constant 187 : i32
        %get3A_256 = arith.index_cast %get3A_255 : i32 to index
        %get3A_257 = arith.index_cast %squeeze3A_254 : i32 to index
        %get3A_258 = tpu.vector_load %arg10[%get3A_256, %get3A_257] {strides = array<i32>} : memref<200x128xf32, #tpu.memory_space<vmem>>, vector<16xf32>,
        %swap3A_259 = arith.constant 187 : i32
        %swap3A_260 = arith.index_cast %swap3A_259 : i32 to index
        %swap3A_261 = arith.constant 0 : index
        %swap3A_262 = tpu.vector_load %arg12[%swap3A_260, %swap3A_261] {strides = array<i32>} : memref<200x32xf32, #tpu.memory_space<vmem>>, vector<16xf32>,
        tpu.vector_store %arg12[%swap3A_260, %swap3A_261], %get3A_258 {strides = array<i32>} : memref<200x32xf32, #tpu.memory_space<vmem>>, vector<16xf32>,
        %add3A_263 = arith.constant 16 : i32
        %add3A_264 = arith.addi %squeeze3A_254, %add3A_263 : i32
        %get3A_265 = arith.constant 187 : i32
        %get3A_266 = arith.index_cast %get3A_265 : i32 to index
        %get3A_267 = arith.index_cast %add3A_264 : i32 to index
        %get3A_268 = tpu.vector_load %arg10[%get3A_266, %get3A_267] {strides = array<i32>} : memref<200x128xf32, #tpu.memory_space<vmem>>, vector<16xf32>,
        %swap3A_269 = arith.constant 187 : i32
        %swap3A_270 = arith.index_cast %swap3A_269 : i32 to index
        %swap3A_271 = arith.constant 16 : index
        %swap3A_272 = tpu.vector_load %arg12[%swap3A_270, %swap3A_271] {strides = array<i32>} : memref<200x32xf32, #tpu.memory_space<vmem>>, vector<16xf32>,
        tpu.vector_store %arg12[%swap3A_270, %swap3A_271], %get3A_268 {strides = array<i32>} : memref<200x32xf32, #tpu.memory_space<vmem>>, vector<16xf32>,
        %slice3A_273 = vector.extract_strided_slice %get3A_195 {offsets = [4], sizes = [1], strides = [1]} : vector<16xi32> to vector<1xi32>
        %squeeze3A_274 = vector.extract %slice3A_273[0] : i32 from vector<1xi32>
        %get3A_275 = arith.constant 188 : i32
        %get3A_276 = arith.index_cast %get3A_275 : i32 to index
        %get3A_277 = arith.index_cast %squeeze3A_274 : i32 to index
        %get3A_278 = tpu.vector_load %arg10[%get3A_276, %get3A_277] {strides = array<i32>} : memref<200x128xf32, #tpu.memory_space<vmem>>, vector<16xf32>,
        %swap3A_279 = arith.constant 188 : i32
        %swap3A_280 = arith.index_cast %swap3A_279 : i32 to index
        %swap3A_281 = arith.constant 0 : index
        %swap3A_282 = tpu.vector_load %arg12[%swap3A_280, %swap3A_281] {strides = array<i32>} : memref<200x32xf32, #tpu.memory_space<vmem>>, vector<16xf32>,
        tpu.vector_store %arg12[%swap3A_280, %swap3A_281], %get3A_278 {strides = array<i32>} : memref<200x32xf32, #tpu.memory_space<vmem>>, vector<16xf32>,
        %add3A_283 = arith.constant 16 : i32
        %add3A_284 = arith.addi %squeeze3A_274, %add3A_283 : i32
        %get3A_285 = arith.constant 188 : i32
        %get3A_286 = arith.index_cast %get3A_285 : i32 to index
        %get3A_287 = arith.index_cast %add3A_284 : i32 to index
        %get3A_288 = tpu.vector_load %arg10[%get3A_286, %get3A_287] {strides = array<i32>} : memref<200x128xf32, #tpu.memory_space<vmem>>, vector<16xf32>,
        %swap3A_289 = arith.constant 188 : i32
        %swap3A_290 = arith.index_cast %swap3A_289 : i32 to index
        %swap3A_291 = arith.constant 16 : index
        %swap3A_292 = tpu.vector_load %arg12[%swap3A_290, %swap3A_291] {strides = array<i32>} : memref<200x32xf32, #tpu.memory_space<vmem>>, vector<16xf32>,
        tpu.vector_store %arg12[%swap3A_290, %swap3A_291], %get3A_288 {strides = array<i32>} : memref<200x32xf32, #tpu.memory_space<vmem>>, vector<16xf32>,
        %slice3A_293 = vector.extract_strided_slice %get3A_195 {offsets = [5], sizes = [1], strides = [1]} : vector<16xi32> to vector<1xi32>
        %squeeze3A_294 = vector.extract %slice3A_293[0] : i32 from vector<1xi32>
        %get3A_295 = arith.constant 189 : i32
        %get3A_296 = arith.index_cast %get3A_295 : i32 to index
        %get3A_297 = arith.index_cast %squeeze3A_294 : i32 to index
        %get3A_298 = tpu.vector_load %arg10[%get3A_296, %get3A_297] {strides = array<i32>} : memref<200x128xf32, #tpu.memory_space<vmem>>, vector<16xf32>,
        %swap3A_299 = arith.constant 189 : i32
        %swap3A_300 = arith.index_cast %swap3A_299 : i32 to index
        %swap3A_301 = arith.constant 0 : index
        %swap3A_302 = tpu.vector_load %arg12[%swap3A_300, %swap3A_301] {strides = array<i32>} : memref<200x32xf32, #tpu.memory_space<vmem>>, vector<16xf32>,
        tpu.vector_store %arg12[%swap3A_300, %swap3A_301], %get3A_298 {strides = array<i32>} : memref<200x32xf32, #tpu.memory_space<vmem>>, vector<16xf32>,
        %add3A_303 = arith.constant 16 : i32
        %add3A_304 = arith.addi %squeeze3A_294, %add3A_303 : i32
        %get3A_305 = arith.constant 189 : i32
        %get3A_306 = arith.index_cast %get3A_305 : i32 to index
        %get3A_307 = arith.index_cast %add3A_304 : i32 to index
        %get3A_308 = tpu.vector_load %arg10[%get3A_306, %get3A_307] {strides = array<i32>} : memref<200x128xf32, #tpu.memory_space<vmem>>, vector<16xf32>,
        %swap3A_309 = arith.constant 189 : i32
        %swap3A_310 = arith.index_cast %swap3A_309 : i32 to index
        %swap3A_311 = arith.constant 16 : index
        %swap3A_312 = tpu.vector_load %arg12[%swap3A_310, %swap3A_311] {strides = array<i32>} : memref<200x32xf32, #tpu.memory_space<vmem>>, vector<16xf32>,
        tpu.vector_store %arg12[%swap3A_310, %swap3A_311], %get3A_308 {strides = array<i32>} : memref<200x32xf32, #tpu.memory_space<vmem>>, vector<16xf32>,
        %slice3A_313 = vector.extract_strided_slice %get3A_195 {offsets = [6], sizes = [1], strides = [1]} : vector<16xi32> to vector<1xi32>
        %squeeze3A_314 = vector.extract %slice3A_313[0] : i32 from vector<1xi32>
        %get3A_315 = arith.constant 190 : i32
        %get3A_316 = arith.index_cast %get3A_315 : i32 to index
        %get3A_317 = arith.index_cast %squeeze3A_314 : i32 to index
        %get3A_318 = tpu.vector_load %arg10[%get3A_316, %get3A_317] {strides = array<i32>} : memref<200x128xf32, #tpu.memory_space<vmem>>, vector<16xf32>,
        %swap3A_319 = arith.constant 190 : i32
        %swap3A_320 = arith.index_cast %swap3A_319 : i32 to index
        %swap3A_321 = arith.constant 0 : index
        %swap3A_322 = tpu.vector_load %arg12[%swap3A_320, %swap3A_321] {strides = array<i32>} : memref<200x32xf32, #tpu.memory_space<vmem>>, vector<16xf32>,
        tpu.vector_store %arg12[%swap3A_320, %swap3A_321], %get3A_318 {strides = array<i32>} : memref<200x32xf32, #tpu.memory_space<vmem>>, vector<16xf32>,
        %add3A_323 = arith.constant 16 : i32
        %add3A_324 = arith.addi %squeeze3A_314, %add3A_323 : i32
        %get3A_325 = arith.constant 190 : i32
        %get3A_326 = arith.index_cast %get3A_325 : i32 to index
        %get3A_327 = arith.index_cast %add3A_324 : i32 to index
        %get3A_328 = tpu.vector_load %arg10[%get3A_326, %get3A_327] {strides = array<i32>} : memref<200x128xf32, #tpu.memory_space<vmem>>, vector<16xf32>,
        %swap3A_329 = arith.constant 190 : i32
        %swap3A_330 = arith.index_cast %swap3A_329 : i32 to index
        %swap3A_331 = arith.constant 16 : index
        %swap3A_332 = tpu.vector_load %arg12[%swap3A_330, %swap3A_331] {strides = array<i32>} : memref<200x32xf32, #tpu.memory_space<vmem>>, vector<16xf32>,
        tpu.vector_store %arg12[%swap3A_330, %swap3A_331], %get3A_328 {strides = array<i32>} : memref<200x32xf32, #tpu.memory_space<vmem>>, vector<16xf32>,
        %slice3A_333 = vector.extract_strided_slice %get3A_195 {offsets = [7], sizes = [1], strides = [1]} : vector<16xi32> to vector<1xi32>
        %squeeze3A_334 = vector.extract %slice3A_333[0] : i32 from vector<1xi32>
        %get3A_335 = arith.constant 191 : i32
        %get3A_336 = arith.index_cast %get3A_335 : i32 to index
        %get3A_337 = arith.index_cast %squeeze3A_334 : i32 to index
        %get3A_338 = tpu.vector_load %arg10[%get3A_336, %get3A_337] {strides = array<i32>} : memref<200x128xf32, #tpu.memory_space<vmem>>, vector<16xf32>,
        %swap3A_339 = arith.constant 191 : i32
        %swap3A_340 = arith.index_cast %swap3A_339 : i32 to index
        %swap3A_341 = arith.constant 0 : index
        %swap3A_342 = tpu.vector_load %arg12[%swap3A_340, %swap3A_341] {strides = array<i32>} : memref<200x32xf32, #tpu.memory_space<vmem>>, vector<16xf32>,
        tpu.vector_store %arg12[%swap3A_340, %swap3A_341], %get3A_338 {strides = array<i32>} : memref<200x32xf32, #tpu.memory_space<vmem>>, vector<16xf32>,
        %add3A_343 = arith.constant 16 : i32
        %add3A_344 = arith.addi %squeeze3A_334, %add3A_343 : i32
        %get3A_345 = arith.constant 191 : i32
        %get3A_346 = arith.index_cast %get3A_345 : i32 to index
        %get3A_347 = arith.index_cast %add3A_344 : i32 to index
        %get3A_348 = tpu.vector_load %arg10[%get3A_346, %get3A_347] {strides = array<i32>} : memref<200x128xf32, #tpu.memory_space<vmem>>, vector<16xf32>,
        %swap3A_349 = arith.constant 191 : i32
        %swap3A_350 = arith.index_cast %swap3A_349 : i32 to index
        %swap3A_351 = arith.constant 16 : index
        %swap3A_352 = tpu.vector_load %arg12[%swap3A_350, %swap3A_351] {strides = array<i32>} : memref<200x32xf32, #tpu.memory_space<vmem>>, vector<16xf32>,
        tpu.vector_store %arg12[%swap3A_350, %swap3A_351], %get3A_348 {strides = array<i32>} : memref<200x32xf32, #tpu.memory_space<vmem>>, vector<16xf32>,
        %slice3A_353 = vector.extract_strided_slice %get3A_195 {offsets = [8], sizes = [1], strides = [1]} : vector<16xi32> to vector<1xi32>
        %squeeze3A_354 = vector.extract %slice3A_353[0] : i32 from vector<1xi32>
        %get3A_355 = arith.constant 192 : i32
        %get3A_356 = arith.index_cast %get3A_355 : i32 to index
        %get3A_357 = arith.index_cast %squeeze3A_354 : i32 to index
        %get3A_358 = tpu.vector_load %arg10[%get3A_356, %get3A_357] {strides = array<i32>} : memref<200x128xf32, #tpu.memory_space<vmem>>, vector<16xf32>,
        %swap3A_359 = arith.constant 192 : i32
        %swap3A_360 = arith.index_cast %swap3A_359 : i32 to index
        %swap3A_361 = arith.constant 0 : index
        %swap3A_362 = tpu.vector_load %arg12[%swap3A_360, %swap3A_361] {strides = array<i32>} : memref<200x32xf32, #tpu.memory_space<vmem>>, vector<16xf32>,
        tpu.vector_store %arg12[%swap3A_360, %swap3A_361], %get3A_358 {strides = array<i32>} : memref<200x32xf32, #tpu.memory_space<vmem>>, vector<16xf32>,
        %add3A_363 = arith.constant 16 : i32
        %add3A_364 = arith.addi %squeeze3A_354, %add3A_363 : i32
        %get3A_365 = arith.constant 192 : i32
        %get3A_366 = arith.index_cast %get3A_365 : i32 to index
        %get3A_367 = arith.index_cast %add3A_364 : i32 to index
        %get3A_368 = tpu.vector_load %arg10[%get3A_366, %get3A_367] {strides = array<i32>} : memref<200x128xf32, #tpu.memory_space<vmem>>, vector<16xf32>,
        %swap3A_369 = arith.constant 192 : i32
        %swap3A_370 = arith.index_cast %swap3A_369 : i32 to index
        %swap3A_371 = arith.constant 16 : index
        %swap3A_372 = tpu.vector_load %arg12[%swap3A_370, %swap3A_371] {strides = array<i32>} : memref<200x32xf32, #tpu.memory_space<vmem>>, vector<16xf32>,
        tpu.vector_store %arg12[%swap3A_370, %swap3A_371], %get3A_368 {strides = array<i32>} : memref<200x32xf32, #tpu.memory_space<vmem>>, vector<16xf32>,
        %slice3A_373 = vector.extract_strided_slice %get3A_195 {offsets = [9], sizes = [1], strides = [1]} : vector<16xi32> to vector<1xi32>
        %squeeze3A_374 = vector.extract %slice3A_373[0] : i32 from vector<1xi32>
        %get3A_375 = arith.constant 193 : i32
        %get3A_376 = arith.index_cast %get3A_375 : i32 to index
        %get3A_377 = arith.index_cast %squeeze3A_374 : i32 to index
        %get3A_378 = tpu.vector_load %arg10[%get3A_376, %get3A_377] {strides = array<i32>} : memref<200x128xf32, #tpu.memory_space<vmem>>, vector<16xf32>,
        %swap3A_379 = arith.constant 193 : i32
        %swap3A_380 = arith.index_cast %swap3A_379 : i32 to index
        %swap3A_381 = arith.constant 0 : index
        %swap3A_382 = tpu.vector_load %arg12[%swap3A_380, %swap3A_381] {strides = array<i32>} : memref<200x32xf32, #tpu.memory_space<vmem>>, vector<16xf32>,
        tpu.vector_store %arg12[%swap3A_380, %swap3A_381], %get3A_378 {strides = array<i32>} : memref<200x32xf32, #tpu.memory_space<vmem>>, vector<16xf32>,
        %add3A_383 = arith.constant 16 : i32
        %add3A_384 = arith.addi %squeeze3A_374, %add3A_383 : i32
        %get3A_385 = arith.constant 193 : i32
        %get3A_386 = arith.index_cast %get3A_385 : i32 to index
        %get3A_387 = arith.index_cast %add3A_384 : i32 to index
        %get3A_388 = tpu.vector_load %arg10[%get3A_386, %get3A_387] {strides = array<i32>} : memref<200x128xf32, #tpu.memory_space<vmem>>, vector<16xf32>,
        %swap3A_389 = arith.constant 193 : i32
        %swap3A_390 = arith.index_cast %swap3A_389 : i32 to index
        %swap3A_391 = arith.constant 16 : index
        %swap3A_392 = tpu.vector_load %arg12[%swap3A_390, %swap3A_391] {strides = array<i32>} : memref<200x32xf32, #tpu.memory_space<vmem>>, vector<16xf32>,
        tpu.vector_store %arg12[%swap3A_390, %swap3A_391], %get3A_388 {strides = array<i32>} : memref<200x32xf32, #tpu.memory_space<vmem>>, vector<16xf32>,
        %slice3A_393 = vector.extract_strided_slice %get3A_195 {offsets = [10], sizes = [1], strides = [1]} : vector<16xi32> to vector<1xi32>
        %squeeze3A_394 = vector.extract %slice3A_393[0] : i32 from vector<1xi32>
        %get3A_395 = arith.constant 194 : i32
        %get3A_396 = arith.index_cast %get3A_395 : i32 to index
        %get3A_397 = arith.index_cast %squeeze3A_394 : i32 to index
        %get3A_398 = tpu.vector_load %arg10[%get3A_396, %get3A_397] {strides = array<i32>} : memref<200x128xf32, #tpu.memory_space<vmem>>, vector<16xf32>,
        %swap3A_399 = arith.constant 194 : i32
        %swap3A_400 = arith.index_cast %swap3A_399 : i32 to index
        %swap3A_401 = arith.constant 0 : index
        %swap3A_402 = tpu.vector_load %arg12[%swap3A_400, %swap3A_401] {strides = array<i32>} : memref<200x32xf32, #tpu.memory_space<vmem>>, vector<16xf32>,
        tpu.vector_store %arg12[%swap3A_400, %swap3A_401], %get3A_398 {strides = array<i32>} : memref<200x32xf32, #tpu.memory_space<vmem>>, vector<16xf32>,
        %add3A_403 = arith.constant 16 : i32
        %add3A_404 = arith.addi %squeeze3A_394, %add3A_403 : i32
        %get3A_405 = arith.constant 194 : i32
        %get3A_406 = arith.index_cast %get3A_405 : i32 to index
        %get3A_407 = arith.index_cast %add3A_404 : i32 to index
        %get3A_408 = tpu.vector_load %arg10[%get3A_406, %get3A_407] {strides = array<i32>} : memref<200x128xf32, #tpu.memory_space<vmem>>, vector<16xf32>,
        %swap3A_409 = arith.constant 194 : i32
        %swap3A_410 = arith.index_cast %swap3A_409 : i32 to index
        %swap3A_411 = arith.constant 16 : index
        %swap3A_412 = tpu.vector_load %arg12[%swap3A_410, %swap3A_411] {strides = array<i32>} : memref<200x32xf32, #tpu.memory_space<vmem>>, vector<16xf32>,
        tpu.vector_store %arg12[%swap3A_410, %swap3A_411], %get3A_408 {strides = array<i32>} : memref<200x32xf32, #tpu.memory_space<vmem>>, vector<16xf32>,
        %slice3A_413 = vector.extract_strided_slice %get3A_195 {offsets = [11], sizes = [1], strides = [1]} : vector<16xi32> to vector<1xi32>
        %squeeze3A_414 = vector.extract %slice3A_413[0] : i32 from vector<1xi32>
        %get3A_415 = arith.constant 195 : i32
        %get3A_416 = arith.index_cast %get3A_415 : i32 to index
        %get3A_417 = arith.index_cast %squeeze3A_414 : i32 to index
        %get3A_418 = tpu.vector_load %arg10[%get3A_416, %get3A_417] {strides = array<i32>} : memref<200x128xf32, #tpu.memory_space<vmem>>, vector<16xf32>,
        %swap3A_419 = arith.constant 195 : i32
        %swap3A_420 = arith.index_cast %swap3A_419 : i32 to index
        %swap3A_421 = arith.constant 0 : index
        %swap3A_422 = tpu.vector_load %arg12[%swap3A_420, %swap3A_421] {strides = array<i32>} : memref<200x32xf32, #tpu.memory_space<vmem>>, vector<16xf32>,
        tpu.vector_store %arg12[%swap3A_420, %swap3A_421], %get3A_418 {strides = array<i32>} : memref<200x32xf32, #tpu.memory_space<vmem>>, vector<16xf32>,
        %add3A_423 = arith.constant 16 : i32
        %add3A_424 = arith.addi %squeeze3A_414, %add3A_423 : i32
        %get3A_425 = arith.constant 195 : i32
        %get3A_426 = arith.index_cast %get3A_425 : i32 to index
        %get3A_427 = arith.index_cast %add3A_424 : i32 to index
        %get3A_428 = tpu.vector_load %arg10[%get3A_426, %get3A_427] {strides = array<i32>} : memref<200x128xf32, #tpu.memory_space<vmem>>, vector<16xf32>,
        %swap3A_429 = arith.constant 195 : i32
        %swap3A_430 = arith.index_cast %swap3A_429 : i32 to index
        %swap3A_431 = arith.constant 16 : index
        %swap3A_432 = tpu.vector_load %arg12[%swap3A_430, %swap3A_431] {strides = array<i32>} : memref<200x32xf32, #tpu.memory_space<vmem>>, vector<16xf32>,
        tpu.vector_store %arg12[%swap3A_430, %swap3A_431], %get3A_428 {strides = array<i32>} : memref<200x32xf32, #tpu.memory_space<vmem>>, vector<16xf32>,
        %slice3A_433 = vector.extract_strided_slice %get3A_195 {offsets = [12], sizes = [1], strides = [1]} : vector<16xi32> to vector<1xi32>
        %squeeze3A_434 = vector.extract %slice3A_433[0] : i32 from vector<1xi32>
        %get3A_435 = arith.constant 196 : i32
        %get3A_436 = arith.index_cast %get3A_435 : i32 to index
        %get3A_437 = arith.index_cast %squeeze3A_434 : i32 to index
        %get3A_438 = tpu.vector_load %arg10[%get3A_436, %get3A_437] {strides = array<i32>} : memref<200x128xf32, #tpu.memory_space<vmem>>, vector<16xf32>,
        %swap3A_439 = arith.constant 196 : i32
        %swap3A_440 = arith.index_cast %swap3A_439 : i32 to index
        %swap3A_441 = arith.constant 0 : index
        %swap3A_442 = tpu.vector_load %arg12[%swap3A_440, %swap3A_441] {strides = array<i32>} : memref<200x32xf32, #tpu.memory_space<vmem>>, vector<16xf32>,
        tpu.vector_store %arg12[%swap3A_440, %swap3A_441], %get3A_438 {strides = array<i32>} : memref<200x32xf32, #tpu.memory_space<vmem>>, vector<16xf32>,
        %add3A_443 = arith.constant 16 : i32
        %add3A_444 = arith.addi %squeeze3A_434, %add3A_443 : i32
        %get3A_445 = arith.constant 196 : i32
        %get3A_446 = arith.index_cast %get3A_445 : i32 to index
        %get3A_447 = arith.index_cast %add3A_444 : i32 to index
        %get3A_448 = tpu.vector_load %arg10[%get3A_446, %get3A_447] {strides = array<i32>} : memref<200x128xf32, #tpu.memory_space<vmem>>, vector<16xf32>,
        %swap3A_449 = arith.constant 196 : i32
        %swap3A_450 = arith.index_cast %swap3A_449 : i32 to index
        %swap3A_451 = arith.constant 16 : index
        %swap3A_452 = tpu.vector_load %arg12[%swap3A_450, %swap3A_451] {strides = array<i32>} : memref<200x32xf32, #tpu.memory_space<vmem>>, vector<16xf32>,
        tpu.vector_store %arg12[%swap3A_450, %swap3A_451], %get3A_448 {strides = array<i32>} : memref<200x32xf32, #tpu.memory_space<vmem>>, vector<16xf32>,
        %slice3A_453 = vector.extract_strided_slice %get3A_195 {offsets = [13], sizes = [1], strides = [1]} : vector<16xi32> to vector<1xi32>
        %squeeze3A_454 = vector.extract %slice3A_453[0] : i32 from vector<1xi32>
        %get3A_455 = arith.constant 197 : i32
        %get3A_456 = arith.index_cast %get3A_455 : i32 to index
        %get3A_457 = arith.index_cast %squeeze3A_454 : i32 to index
        %get3A_458 = tpu.vector_load %arg10[%get3A_456, %get3A_457] {strides = array<i32>} : memref<200x128xf32, #tpu.memory_space<vmem>>, vector<16xf32>,
        %swap3A_459 = arith.constant 197 : i32
        %swap3A_460 = arith.index_cast %swap3A_459 : i32 to index
        %swap3A_461 = arith.constant 0 : index
        %swap3A_462 = tpu.vector_load %arg12[%swap3A_460, %swap3A_461] {strides = array<i32>} : memref<200x32xf32, #tpu.memory_space<vmem>>, vector<16xf32>,
        tpu.vector_store %arg12[%swap3A_460, %swap3A_461], %get3A_458 {strides = array<i32>} : memref<200x32xf32, #tpu.memory_space<vmem>>, vector<16xf32>,
        %add3A_463 = arith.constant 16 : i32
        %add3A_464 = arith.addi %squeeze3A_454, %add3A_463 : i32
        %get3A_465 = arith.constant 197 : i32
        %get3A_466 = arith.index_cast %get3A_465 : i32 to index
        %get3A_467 = arith.index_cast %add3A_464 : i32 to index
        %get3A_468 = tpu.vector_load %arg10[%get3A_466, %get3A_467] {strides = array<i32>} : memref<200x128xf32, #tpu.memory_space<vmem>>, vector<16xf32>,
        %swap3A_469 = arith.constant 197 : i32
        %swap3A_470 = arith.index_cast %swap3A_469 : i32 to index
        %swap3A_471 = arith.constant 16 : index
        %swap3A_472 = tpu.vector_load %arg12[%swap3A_470, %swap3A_471] {strides = array<i32>} : memref<200x32xf32, #tpu.memory_space<vmem>>, vector<16xf32>,
        tpu.vector_store %arg12[%swap3A_470, %swap3A_471], %get3A_468 {strides = array<i32>} : memref<200x32xf32, #tpu.memory_space<vmem>>, vector<16xf32>,
        %slice3A_473 = vector.extract_strided_slice %get3A_195 {offsets = [14], sizes = [1], strides = [1]} : vector<16xi32> to vector<1xi32>
        %squeeze3A_474 = vector.extract %slice3A_473[0] : i32 from vector<1xi32>
        %get3A_475 = arith.constant 198 : i32
        %get3A_476 = arith.index_cast %get3A_475 : i32 to index
        %get3A_477 = arith.index_cast %squeeze3A_474 : i32 to index
        %get3A_478 = tpu.vector_load %arg10[%get3A_476, %get3A_477] {strides = array<i32>} : memref<200x128xf32, #tpu.memory_space<vmem>>, vector<16xf32>,
        %swap3A_479 = arith.constant 198 : i32
        %swap3A_480 = arith.index_cast %swap3A_479 : i32 to index
        %swap3A_481 = arith.constant 0 : index
        %swap3A_482 = tpu.vector_load %arg12[%swap3A_480, %swap3A_481] {strides = array<i32>} : memref<200x32xf32, #tpu.memory_space<vmem>>, vector<16xf32>,
        tpu.vector_store %arg12[%swap3A_480, %swap3A_481], %get3A_478 {strides = array<i32>} : memref<200x32xf32, #tpu.memory_space<vmem>>, vector<16xf32>,
        %add3A_483 = arith.constant 16 : i32
        %add3A_484 = arith.addi %squeeze3A_474, %add3A_483 : i32
        %get3A_485 = arith.constant 198 : i32
        %get3A_486 = arith.index_cast %get3A_485 : i32 to index
        %get3A_487 = arith.index_cast %add3A_484 : i32 to index
        %get3A_488 = tpu.vector_load %arg10[%get3A_486, %get3A_487] {strides = array<i32>} : memref<200x128xf32, #tpu.memory_space<vmem>>, vector<16xf32>,
        %swap3A_489 = arith.constant 198 : i32
        %swap3A_490 = arith.index_cast %swap3A_489 : i32 to index
        %swap3A_491 = arith.constant 16 : index
        %swap3A_492 = tpu.vector_load %arg12[%swap3A_490, %swap3A_491] {strides = array<i32>} : memref<200x32xf32, #tpu.memory_space<vmem>>, vector<16xf32>,
        tpu.vector_store %arg12[%swap3A_490, %swap3A_491], %get3A_488 {strides = array<i32>} : memref<200x32xf32, #tpu.memory_space<vmem>>, vector<16xf32>,
        %slice3A_493 = vector.extract_strided_slice %get3A_195 {offsets = [15], sizes = [1], strides = [1]} : vector<16xi32> to vector<1xi32>
        %squeeze3A_494 = vector.extract %slice3A_493[0] : i32 from vector<1xi32>
        %get3A_495 = arith.constant 199 : i32
        %get3A_496 = arith.index_cast %get3A_495 : i32 to index
        %get3A_497 = arith.index_cast %squeeze3A_494 : i32 to index
        %get3A_498 = tpu.vector_load %arg10[%get3A_496, %get3A_497] {strides = array<i32>} : memref<200x128xf32, #tpu.memory_space<vmem>>, vector<16xf32>,
        %swap3A_499 = arith.constant 199 : i32
        %swap3A_500 = arith.index_cast %swap3A_499 : i32 to index
        %swap3A_501 = arith.constant 0 : index
        %swap3A_502 = tpu.vector_load %arg12[%swap3A_500, %swap3A_501] {strides = array<i32>} : memref<200x32xf32, #tpu.memory_space<vmem>>, vector<16xf32>,
        tpu.vector_store %arg12[%swap3A_500, %swap3A_501], %get3A_498 {strides = array<i32>} : memref<200x32xf32, #tpu.memory_space<vmem>>, vector<16xf32>,
        %add3A_503 = arith.constant 16 : i32
        %add3A_504 = arith.addi %squeeze3A_494, %add3A_503 : i32
        %get3A_505 = arith.constant 199 : i32
        %get3A_506 = arith.index_cast %get3A_505 : i32 to index
        %get3A_507 = arith.index_cast %add3A_504 : i32 to index
        %get3A_508 = tpu.vector_load %arg10[%get3A_506, %get3A_507] {strides = array<i32>} : memref<200x128xf32, #tpu.memory_space<vmem>>, vector<16xf32>,
        %swap3A_509 = arith.constant 199 : i32
        %swap3A_510 = arith.index_cast %swap3A_509 : i32 to index
        %swap3A_511 = arith.constant 16 : index
        %swap3A_512 = tpu.vector_load %arg12[%swap3A_510, %swap3A_511] {strides = array<i32>} : memref<200x32xf32, #tpu.memory_space<vmem>>, vector<16xf32>,
        tpu.vector_store %arg12[%swap3A_510, %swap3A_511], %get3A_508 {strides = array<i32>} : memref<200x32xf32, #tpu.memory_space<vmem>>, vector<16xf32>,
        %mul3A_513 = arith.constant 16 : i32
        %mul3A_514 = arith.muli %add3A_142, %mul3A_513 : i32
        %add3A_515 = arith.addi %mul3A_514, %mul3A_166 : i32
        %mul3A_516 = arith.constant 4 : i32
        %mul3A_517 = arith.muli %add3A_515, %mul3A_516 : i32
        %add3A_518 = arith.addi %mul3A_2, %mul3A_517 : i32
        %add3A_519 = arith.constant 0 : i32
        %add3A_520 = arith.addi %add3A_518, %add3A_519 : i32
        %add3A_521 = arith.constant 1 : i32
        %add3A_522 = arith.addi %add3A_518, %add3A_521 : i32
        %add3A_523 = arith.constant 2 : i32
        %add3A_524 = arith.addi %add3A_518, %add3A_523 : i32
        %add3A_525 = arith.constant 3 : i32
        %add3A_526 = arith.addi %add3A_518, %add3A_525 : i32
        %dma_start3A_527 = arith.constant 0 : i32
        %dma_start3A_528 = arith.constant 0 : i32
        %dma_start3A_529 = tpu.memref_slice %arg12[%dma_start3A_527, %dma_start3A_528] : memref<200x32xf32, #tpu.memory_space<vmem>> -> memref<50x32xf32, #tpu.memory_space<vmem>>
        %dma_start3A_530 = arith.constant 0 : i32
        %dma_start3A_531 = arith.constant 0 : i32
        %dma_start3A_532 = tpu.memref_slice %arg5[%add3A_520, %dma_start3A_530, %dma_start3A_531] : memref<16384x50x32xf32, #tpu.memory_space<hbm>> -> memref<1x50x32xf32, #tpu.memory_space<hbm>>
        %dma_start3A_533 = tpu.memref_squeeze %dma_start3A_532 : memref<1x50x32xf32, #tpu.memory_space<hbm>> -> memref<50x32xf32, #tpu.memory_space<hbm>>
        %dma_start3A_534 = arith.constant 0 : i32
        %dma_start3A_535 = arith.constant 0 : i32
        %dma_start3A_536 = tpu.memref_slice %arg5[%add3A_520, %dma_start3A_534, %dma_start3A_535] : memref<16384x50x32xf32, #tpu.memory_space<hbm>> -> memref<1x50x32xf32, #tpu.memory_space<hbm>>
        %dma_start3A_537 = tpu.memref_squeeze %dma_start3A_536 : memref<1x50x32xf32, #tpu.memory_space<hbm>> -> memref<50x32xf32, #tpu.memory_space<hbm>>
        %dma_start3A_538 = arith.constant 0 : i32
        %dma_start3A_539 = arith.constant 0 : i32
        %dma_start3A_540 = tpu.memref_slice %arg12[%dma_start3A_538, %dma_start3A_539] : memref<200x32xf32, #tpu.memory_space<vmem>> -> memref<50x32xf32, #tpu.memory_space<vmem>>
        tpu.enqueue_dma source(%dma_start3A_540 : memref<50x32xf32, #tpu.memory_space<vmem>>) target(%dma_start3A_537 : memref<50x32xf32, #tpu.memory_space<hbm>>) target_semaphore(%arg16 : memref<!tpu.dma_semaphore, #tpu.memory_space<semaphore_mem>>)
        %dma_start3A_541 = arith.constant 50 : i32
        %dma_start3A_542 = arith.constant 0 : i32
        %dma_start3A_543 = tpu.memref_slice %arg12[%dma_start3A_541, %dma_start3A_542] : memref<200x32xf32, #tpu.memory_space<vmem>> -> memref<50x32xf32, #tpu.memory_space<vmem>>
        %dma_start3A_544 = arith.constant 0 : i32
        %dma_start3A_545 = arith.constant 0 : i32
        %dma_start3A_546 = tpu.memref_slice %arg5[%add3A_522, %dma_start3A_544, %dma_start3A_545] : memref<16384x50x32xf32, #tpu.memory_space<hbm>> -> memref<1x50x32xf32, #tpu.memory_space<hbm>>
        %dma_start3A_547 = tpu.memref_squeeze %dma_start3A_546 : memref<1x50x32xf32, #tpu.memory_space<hbm>> -> memref<50x32xf32, #tpu.memory_space<hbm>>
        %dma_start3A_548 = arith.constant 0 : i32
        %dma_start3A_549 = arith.constant 0 : i32
        %dma_start3A_550 = tpu.memref_slice %arg5[%add3A_522, %dma_start3A_548, %dma_start3A_549] : memref<16384x50x32xf32, #tpu.memory_space<hbm>> -> memref<1x50x32xf32, #tpu.memory_space<hbm>>
        %dma_start3A_551 = tpu.memref_squeeze %dma_start3A_550 : memref<1x50x32xf32, #tpu.memory_space<hbm>> -> memref<50x32xf32, #tpu.memory_space<hbm>>
        %dma_start3A_552 = arith.constant 50 : i32
        %dma_start3A_553 = arith.constant 0 : i32
        %dma_start3A_554 = tpu.memref_slice %arg12[%dma_start3A_552, %dma_start3A_553] : memref<200x32xf32, #tpu.memory_space<vmem>> -> memref<50x32xf32, #tpu.memory_space<vmem>>
        tpu.enqueue_dma source(%dma_start3A_554 : memref<50x32xf32, #tpu.memory_space<vmem>>) target(%dma_start3A_551 : memref<50x32xf32, #tpu.memory_space<hbm>>) target_semaphore(%arg16 : memref<!tpu.dma_semaphore, #tpu.memory_space<semaphore_mem>>)
        %dma_start3A_555 = arith.constant 100 : i32
        %dma_start3A_556 = arith.constant 0 : i32
        %dma_start3A_557 = tpu.memref_slice %arg12[%dma_start3A_555, %dma_start3A_556] : memref<200x32xf32, #tpu.memory_space<vmem>> -> memref<50x32xf32, #tpu.memory_space<vmem>>
        %dma_start3A_558 = arith.constant 0 : i32
        %dma_start3A_559 = arith.constant 0 : i32
        %dma_start3A_560 = tpu.memref_slice %arg5[%add3A_524, %dma_start3A_558, %dma_start3A_559] : memref<16384x50x32xf32, #tpu.memory_space<hbm>> -> memref<1x50x32xf32, #tpu.memory_space<hbm>>
        %dma_start3A_561 = tpu.memref_squeeze %dma_start3A_560 : memref<1x50x32xf32, #tpu.memory_space<hbm>> -> memref<50x32xf32, #tpu.memory_space<hbm>>
        %dma_start3A_562 = arith.constant 0 : i32
        %dma_start3A_563 = arith.constant 0 : i32
        %dma_start3A_564 = tpu.memref_slice %arg5[%add3A_524, %dma_start3A_562, %dma_start3A_563] : memref<16384x50x32xf32, #tpu.memory_space<hbm>> -> memref<1x50x32xf32, #tpu.memory_space<hbm>>
        %dma_start3A_565 = tpu.memref_squeeze %dma_start3A_564 : memref<1x50x32xf32, #tpu.memory_space<hbm>> -> memref<50x32xf32, #tpu.memory_space<hbm>>
        %dma_start3A_566 = arith.constant 100 : i32
        %dma_start3A_567 = arith.constant 0 : i32
        %dma_start3A_568 = tpu.memref_slice %arg12[%dma_start3A_566, %dma_start3A_567] : memref<200x32xf32, #tpu.memory_space<vmem>> -> memref<50x32xf32, #tpu.memory_space<vmem>>
        tpu.enqueue_dma source(%dma_start3A_568 : memref<50x32xf32, #tpu.memory_space<vmem>>) target(%dma_start3A_565 : memref<50x32xf32, #tpu.memory_space<hbm>>) target_semaphore(%arg16 : memref<!tpu.dma_semaphore, #tpu.memory_space<semaphore_mem>>)
        %dma_start3A_569 = arith.constant 150 : i32
        %dma_start3A_570 = arith.constant 0 : i32
        %dma_start3A_571 = tpu.memref_slice %arg12[%dma_start3A_569, %dma_start3A_570] : memref<200x32xf32, #tpu.memory_space<vmem>> -> memref<50x32xf32, #tpu.memory_space<vmem>>
        %dma_start3A_572 = arith.constant 0 : i32
        %dma_start3A_573 = arith.constant 0 : i32
        %dma_start3A_574 = tpu.memref_slice %arg5[%add3A_526, %dma_start3A_572, %dma_start3A_573] : memref<16384x50x32xf32, #tpu.memory_space<hbm>> -> memref<1x50x32xf32, #tpu.memory_space<hbm>>
        %dma_start3A_575 = tpu.memref_squeeze %dma_start3A_574 : memref<1x50x32xf32, #tpu.memory_space<hbm>> -> memref<50x32xf32, #tpu.memory_space<hbm>>
        %dma_start3A_576 = arith.constant 0 : i32
        %dma_start3A_577 = arith.constant 0 : i32
        %dma_start3A_578 = tpu.memref_slice %arg5[%add3A_526, %dma_start3A_576, %dma_start3A_577] : memref<16384x50x32xf32, #tpu.memory_space<hbm>> -> memref<1x50x32xf32, #tpu.memory_space<hbm>>
        %dma_start3A_579 = tpu.memref_squeeze %dma_start3A_578 : memref<1x50x32xf32, #tpu.memory_space<hbm>> -> memref<50x32xf32, #tpu.memory_space<hbm>>
        %dma_start3A_580 = arith.constant 150 : i32
        %dma_start3A_581 = arith.constant 0 : i32
        %dma_start3A_582 = tpu.memref_slice %arg12[%dma_start3A_580, %dma_start3A_581] : memref<200x32xf32, #tpu.memory_space<vmem>> -> memref<50x32xf32, #tpu.memory_space<vmem>>
        tpu.enqueue_dma source(%dma_start3A_582 : memref<50x32xf32, #tpu.memory_space<vmem>>) target(%dma_start3A_579 : memref<50x32xf32, #tpu.memory_space<hbm>>) target_semaphore(%arg16 : memref<!tpu.dma_semaphore, #tpu.memory_space<semaphore_mem>>)
        %lt3A = arith.constant 7 : i32
        %lt3A_583 = arith.cmpi slt, %add3A_164, %lt3A : i32
        %convert_element_type3A_584 = arith.extui %lt3A_583 : i1 to i32
        %cond3A_585 = arith.constant 0 : i32
        %cond3A_586 = arith.cmpi ne, %convert_element_type3A_584, %cond3A_585 : i32
        scf.if %cond3A_586 {
          %add3A_1004 = arith.constant 2 : i32
          %add3A_1005 = arith.addi %mul3A_166, %add3A_1004 : i32
          %mul3A_1006 = arith.constant 200 : i32
          %mul3A_1007 = arith.muli %add3A_1005, %mul3A_1006 : i32
          %dma_start3A_1008 = tpu.memref_slice %arg7[%mul3A_1007] : memref<3200xi32, #tpu.memory_space<vmem>> -> memref<200xi32, #tpu.memory_space<vmem>>
          %dma_start3A_1009 = arith.constant 0 : i32
          %dma_start3A_1010 = arith.constant 0 : i32
          %dma_start3A_1011 = tpu.memref_slice %arg2[%dma_start3A_1009, %dma_start3A_1010] : memref<250000x128xf32, #tpu.memory_space<hbm>> -> memref<250000x128xf32, #tpu.memory_space<hbm>>
          tpu.enqueue_indirect_dma source(%dma_start3A_1011 : memref<250000x128xf32, #tpu.memory_space<hbm>>) target(%arg10 : memref<200x128xf32, #tpu.memory_space<vmem>>) offsets(%dma_start3A_1008 : memref<200xi32, #tpu.memory_space<vmem>>) semaphore(%arg14 : memref<!tpu.dma_semaphore, #tpu.memory_space<semaphore_mem>>)
        } else {
        }
        %add3A_587 = arith.constant 1 : i32
        %add3A_588 = arith.addi %mul3A_166, %add3A_587 : i32
        %mul3A_589 = arith.constant 200 : i32
        %mul3A_590 = arith.muli %add3A_588, %mul3A_589 : i32
        %dma_wait3A_591 = tpu.memref_slice %arg7[%mul3A_590] : memref<3200xi32, #tpu.memory_space<vmem>> -> memref<200xi32, #tpu.memory_space<vmem>>
        %dma_wait3A_592 = arith.constant 0 : i32
        %dma_wait3A_593 = arith.constant 0 : i32
        %dma_wait3A_594 = tpu.memref_slice %arg2[%dma_wait3A_592, %dma_wait3A_593] : memref<250000x128xf32, #tpu.memory_space<hbm>> -> memref<250000x128xf32, #tpu.memory_space<hbm>>
        tpu.wait_indirect_dma semaphore(%arg15 : memref<!tpu.dma_semaphore, #tpu.memory_space<semaphore_mem>>) src(%dma_wait3A_594 : memref<250000x128xf32, #tpu.memory_space<hbm>>) dst(%arg11 : memref<200x128xf32, #tpu.memory_space<vmem>>)
        %mul3A_595 = arith.constant 16 : i32
        %mul3A_596 = arith.muli %add3A_142, %mul3A_595 : i32
        %add3A_597 = arith.addi %mul3A_596, %add3A_588 : i32
        %ge3A_598 = arith.constant 3 : i32
        %ge3A_599 = arith.cmpi sge, %add3A_597, %ge3A_598 : i32
        %convert_element_type3A_600 = arith.extui %ge3A_599 : i1 to i32
        %cond3A_601 = arith.constant 0 : i32
        %cond3A_602 = arith.cmpi ne, %convert_element_type3A_600, %cond3A_601 : i32
        scf.if %cond3A_602 {
          %add3A_1004 = arith.constant 0 : i32
          %add3A_1005 = arith.addi %mul3A_2, %add3A_1004 : i32
          %add3A_1006 = arith.constant 0 : i32
          %add3A_1007 = arith.addi %add3A_1005, %add3A_1006 : i32
          %add3A_1008 = arith.constant 1 : i32
          %add3A_1009 = arith.addi %add3A_1005, %add3A_1008 : i32
          %add3A_1010 = arith.constant 2 : i32
          %add3A_1011 = arith.addi %add3A_1005, %add3A_1010 : i32
          %add3A_1012 = arith.constant 3 : i32
          %add3A_1013 = arith.addi %add3A_1005, %add3A_1012 : i32
          %dma_wait3A_1014 = arith.constant 0 : i32
          %dma_wait3A_1015 = arith.constant 0 : i32
          %dma_wait3A_1016 = tpu.memref_slice %arg13[%dma_wait3A_1014, %dma_wait3A_1015] : memref<200x32xf32, #tpu.memory_space<vmem>> -> memref<50x32xf32, #tpu.memory_space<vmem>>
          %dma_wait3A_1017 = arith.constant 0 : i32
          %dma_wait3A_1018 = arith.constant 0 : i32
          %dma_wait3A_1019 = tpu.memref_slice %arg5[%add3A_1007, %dma_wait3A_1017, %dma_wait3A_1018] : memref<16384x50x32xf32, #tpu.memory_space<hbm>> -> memref<1x50x32xf32, #tpu.memory_space<hbm>>
          %dma_wait3A_1020 = tpu.memref_squeeze %dma_wait3A_1019 : memref<1x50x32xf32, #tpu.memory_space<hbm>> -> memref<50x32xf32, #tpu.memory_space<hbm>>
          %dma_wait3A_1021 = arith.constant 0 : i32
          %dma_wait3A_1022 = arith.constant 0 : i32
          %dma_wait3A_1023 = tpu.memref_slice %arg5[%add3A_1007, %dma_wait3A_1021, %dma_wait3A_1022] : memref<16384x50x32xf32, #tpu.memory_space<hbm>> -> memref<1x50x32xf32, #tpu.memory_space<hbm>>
          %dma_wait3A_1024 = tpu.memref_squeeze %dma_wait3A_1023 : memref<1x50x32xf32, #tpu.memory_space<hbm>> -> memref<50x32xf32, #tpu.memory_space<hbm>>
          %dma_wait3A_1025 = arith.constant 0 : i32
          %dma_wait3A_1026 = arith.constant 0 : i32
          %dma_wait3A_1027 = tpu.memref_slice %arg13[%dma_wait3A_1025, %dma_wait3A_1026] : memref<200x32xf32, #tpu.memory_space<vmem>> -> memref<50x32xf32, #tpu.memory_space<vmem>>
          tpu.wait_dma2 semaphore(%arg17 : memref<!tpu.dma_semaphore, #tpu.memory_space<semaphore_mem>>) src(%dma_wait3A_1027 : memref<50x32xf32, #tpu.memory_space<vmem>>) dst(%dma_wait3A_1024 : memref<50x32xf32, #tpu.memory_space<hbm>>)
          %dma_wait3A_1028 = arith.constant 50 : i32
          %dma_wait3A_1029 = arith.constant 0 : i32
          %dma_wait3A_1030 = tpu.memref_slice %arg13[%dma_wait3A_1028, %dma_wait3A_1029] : memref<200x32xf32, #tpu.memory_space<vmem>> -> memref<50x32xf32, #tpu.memory_space<vmem>>
          %dma_wait3A_1031 = arith.constant 0 : i32
          %dma_wait3A_1032 = arith.constant 0 : i32
          %dma_wait3A_1033 = tpu.memref_slice %arg5[%add3A_1009, %dma_wait3A_1031, %dma_wait3A_1032] : memref<16384x50x32xf32, #tpu.memory_space<hbm>> -> memref<1x50x32xf32, #tpu.memory_space<hbm>>
          %dma_wait3A_1034 = tpu.memref_squeeze %dma_wait3A_1033 : memref<1x50x32xf32, #tpu.memory_space<hbm>> -> memref<50x32xf32, #tpu.memory_space<hbm>>
          %dma_wait3A_1035 = arith.constant 0 : i32
          %dma_wait3A_1036 = arith.constant 0 : i32
          %dma_wait3A_1037 = tpu.memref_slice %arg5[%add3A_1009, %dma_wait3A_1035, %dma_wait3A_1036] : memref<16384x50x32xf32, #tpu.memory_space<hbm>> -> memref<1x50x32xf32, #tpu.memory_space<hbm>>
          %dma_wait3A_1038 = tpu.memref_squeeze %dma_wait3A_1037 : memref<1x50x32xf32, #tpu.memory_space<hbm>> -> memref<50x32xf32, #tpu.memory_space<hbm>>
          %dma_wait3A_1039 = arith.constant 50 : i32
          %dma_wait3A_1040 = arith.constant 0 : i32
          %dma_wait3A_1041 = tpu.memref_slice %arg13[%dma_wait3A_1039, %dma_wait3A_1040] : memref<200x32xf32, #tpu.memory_space<vmem>> -> memref<50x32xf32, #tpu.memory_space<vmem>>
          tpu.wait_dma2 semaphore(%arg17 : memref<!tpu.dma_semaphore, #tpu.memory_space<semaphore_mem>>) src(%dma_wait3A_1041 : memref<50x32xf32, #tpu.memory_space<vmem>>) dst(%dma_wait3A_1038 : memref<50x32xf32, #tpu.memory_space<hbm>>)
          %dma_wait3A_1042 = arith.constant 100 : i32
          %dma_wait3A_1043 = arith.constant 0 : i32
          %dma_wait3A_1044 = tpu.memref_slice %arg13[%dma_wait3A_1042, %dma_wait3A_1043] : memref<200x32xf32, #tpu.memory_space<vmem>> -> memref<50x32xf32, #tpu.memory_space<vmem>>
          %dma_wait3A_1045 = arith.constant 0 : i32
          %dma_wait3A_1046 = arith.constant 0 : i32
          %dma_wait3A_1047 = tpu.memref_slice %arg5[%add3A_1011, %dma_wait3A_1045, %dma_wait3A_1046] : memref<16384x50x32xf32, #tpu.memory_space<hbm>> -> memref<1x50x32xf32, #tpu.memory_space<hbm>>
          %dma_wait3A_1048 = tpu.memref_squeeze %dma_wait3A_1047 : memref<1x50x32xf32, #tpu.memory_space<hbm>> -> memref<50x32xf32, #tpu.memory_space<hbm>>
          %dma_wait3A_1049 = arith.constant 0 : i32
          %dma_wait3A_1050 = arith.constant 0 : i32
          %dma_wait3A_1051 = tpu.memref_slice %arg5[%add3A_1011, %dma_wait3A_1049, %dma_wait3A_1050] : memref<16384x50x32xf32, #tpu.memory_space<hbm>> -> memref<1x50x32xf32, #tpu.memory_space<hbm>>
          %dma_wait3A_1052 = tpu.memref_squeeze %dma_wait3A_1051 : memref<1x50x32xf32, #tpu.memory_space<hbm>> -> memref<50x32xf32, #tpu.memory_space<hbm>>
          %dma_wait3A_1053 = arith.constant 100 : i32
          %dma_wait3A_1054 = arith.constant 0 : i32
          %dma_wait3A_1055 = tpu.memref_slice %arg13[%dma_wait3A_1053, %dma_wait3A_1054] : memref<200x32xf32, #tpu.memory_space<vmem>> -> memref<50x32xf32, #tpu.memory_space<vmem>>
          tpu.wait_dma2 semaphore(%arg17 : memref<!tpu.dma_semaphore, #tpu.memory_space<semaphore_mem>>) src(%dma_wait3A_1055 : memref<50x32xf32, #tpu.memory_space<vmem>>) dst(%dma_wait3A_1052 : memref<50x32xf32, #tpu.memory_space<hbm>>)
          %dma_wait3A_1056 = arith.constant 150 : i32
          %dma_wait3A_1057 = arith.constant 0 : i32
          %dma_wait3A_1058 = tpu.memref_slice %arg13[%dma_wait3A_1056, %dma_wait3A_1057] : memref<200x32xf32, #tpu.memory_space<vmem>> -> memref<50x32xf32, #tpu.memory_space<vmem>>
          %dma_wait3A_1059 = arith.constant 0 : i32
          %dma_wait3A_1060 = arith.constant 0 : i32
          %dma_wait3A_1061 = tpu.memref_slice %arg5[%add3A_1013, %dma_wait3A_1059, %dma_wait3A_1060] : memref<16384x50x32xf32, #tpu.memory_space<hbm>> -> memref<1x50x32xf32, #tpu.memory_space<hbm>>
          %dma_wait3A_1062 = tpu.memref_squeeze %dma_wait3A_1061 : memref<1x50x32xf32, #tpu.memory_space<hbm>> -> memref<50x32xf32, #tpu.memory_space<hbm>>
          %dma_wait3A_1063 = arith.constant 0 : i32
          %dma_wait3A_1064 = arith.constant 0 : i32
          %dma_wait3A_1065 = tpu.memref_slice %arg5[%add3A_1013, %dma_wait3A_1063, %dma_wait3A_1064] : memref<16384x50x32xf32, #tpu.memory_space<hbm>> -> memref<1x50x32xf32, #tpu.memory_space<hbm>>
          %dma_wait3A_1066 = tpu.memref_squeeze %dma_wait3A_1065 : memref<1x50x32xf32, #tpu.memory_space<hbm>> -> memref<50x32xf32, #tpu.memory_space<hbm>>
          %dma_wait3A_1067 = arith.constant 150 : i32
          %dma_wait3A_1068 = arith.constant 0 : i32
          %dma_wait3A_1069 = tpu.memref_slice %arg13[%dma_wait3A_1067, %dma_wait3A_1068] : memref<200x32xf32, #tpu.memory_space<vmem>> -> memref<50x32xf32, #tpu.memory_space<vmem>>
          tpu.wait_dma2 semaphore(%arg17 : memref<!tpu.dma_semaphore, #tpu.memory_space<semaphore_mem>>) src(%dma_wait3A_1069 : memref<50x32xf32, #tpu.memory_space<vmem>>) dst(%dma_wait3A_1066 : memref<50x32xf32, #tpu.memory_space<hbm>>)
        } else {
        }
        %scan3A_603 = arith.constant 0 : i32
        %scan3A_604 = arith.constant 12 : i32
        %scan3A_605 = arith.addi %scan3A_603, %scan3A_604 : i32
        %scan3A_606 = arith.constant 1 : i32
        scf.for %scan3A_1004 = %scan3A_603 to %scan3A_605 step %scan3A_606  : i32 {
          %mul3A_1005 = arith.constant 1 : i32
          %mul3A_1006 = arith.muli %scan3A_1004, %mul3A_1005 : i32
          %add3A_1007 = arith.constant 0 : i32
          %add3A_1008 = arith.addi %add3A_1007, %mul3A_1006 : i32
          %mul3A_1009 = arith.constant 200 : i32
          %mul3A_1010 = arith.muli %add3A_588, %mul3A_1009 : i32
          %mul3A_1011 = arith.constant 16 : i32
          %mul3A_1012 = arith.muli %add3A_1008, %mul3A_1011 : i32
          %add3A_1013 = arith.addi %mul3A_1010, %mul3A_1012 : i32
          %get3A_1014 = arith.index_cast %add3A_1013 : i32 to index
          %get3A_1015 = tpu.vector_load %arg9[%get3A_1014] {strides = array<i32>} : memref<3200xi32, #tpu.memory_space<vmem>>, vector<16xi32>,
          %mul3A_1016 = arith.constant 16 : i32
          %mul3A_1017 = arith.muli %add3A_1008, %mul3A_1016 : i32
          %add3A_1018 = arith.constant 0 : i32
          %add3A_1019 = arith.addi %mul3A_1017, %add3A_1018 : i32
          %slice3A_1020 = vector.extract_strided_slice %get3A_1015 {offsets = [0], sizes = [1], strides = [1]} : vector<16xi32> to vector<1xi32>
          %squeeze3A_1021 = vector.extract %slice3A_1020[0] : i32 from vector<1xi32>
          %get3A_1022 = arith.index_cast %add3A_1019 : i32 to index
          %get3A_1023 = arith.index_cast %squeeze3A_1021 : i32 to index
          %get3A_1024 = tpu.vector_load %arg11[%get3A_1022, %get3A_1023] {strides = array<i32>} : memref<200x128xf32, #tpu.memory_space<vmem>>, vector<16xf32>,
          %swap3A_1025 = arith.index_cast %add3A_1019 : i32 to index
          %swap3A_1026 = arith.constant 0 : index
          %swap3A_1027 = tpu.vector_load %arg13[%swap3A_1025, %swap3A_1026] {strides = array<i32>} : memref<200x32xf32, #tpu.memory_space<vmem>>, vector<16xf32>,
          tpu.vector_store %arg13[%swap3A_1025, %swap3A_1026], %get3A_1024 {strides = array<i32>} : memref<200x32xf32, #tpu.memory_space<vmem>>, vector<16xf32>,
          %add3A_1028 = arith.constant 16 : i32
          %add3A_1029 = arith.addi %squeeze3A_1021, %add3A_1028 : i32
          %get3A_1030 = arith.index_cast %add3A_1019 : i32 to index
          %get3A_1031 = arith.index_cast %add3A_1029 : i32 to index
          %get3A_1032 = tpu.vector_load %arg11[%get3A_1030, %get3A_1031] {strides = array<i32>} : memref<200x128xf32, #tpu.memory_space<vmem>>, vector<16xf32>,
          %swap3A_1033 = arith.index_cast %add3A_1019 : i32 to index
          %swap3A_1034 = arith.constant 16 : index
          %swap3A_1035 = tpu.vector_load %arg13[%swap3A_1033, %swap3A_1034] {strides = array<i32>} : memref<200x32xf32, #tpu.memory_space<vmem>>, vector<16xf32>,
          tpu.vector_store %arg13[%swap3A_1033, %swap3A_1034], %get3A_1032 {strides = array<i32>} : memref<200x32xf32, #tpu.memory_space<vmem>>, vector<16xf32>,
          %mul3A_1036 = arith.constant 16 : i32
          %mul3A_1037 = arith.muli %add3A_1008, %mul3A_1036 : i32
          %add3A_1038 = arith.constant 1 : i32
          %add3A_1039 = arith.addi %mul3A_1037, %add3A_1038 : i32
          %slice3A_1040 = vector.extract_strided_slice %get3A_1015 {offsets = [1], sizes = [1], strides = [1]} : vector<16xi32> to vector<1xi32>
          %squeeze3A_1041 = vector.extract %slice3A_1040[0] : i32 from vector<1xi32>
          %get3A_1042 = arith.index_cast %add3A_1039 : i32 to index
          %get3A_1043 = arith.index_cast %squeeze3A_1041 : i32 to index
          %get3A_1044 = tpu.vector_load %arg11[%get3A_1042, %get3A_1043] {strides = array<i32>} : memref<200x128xf32, #tpu.memory_space<vmem>>, vector<16xf32>,
          %swap3A_1045 = arith.index_cast %add3A_1039 : i32 to index
          %swap3A_1046 = arith.constant 0 : index
          %swap3A_1047 = tpu.vector_load %arg13[%swap3A_1045, %swap3A_1046] {strides = array<i32>} : memref<200x32xf32, #tpu.memory_space<vmem>>, vector<16xf32>,
          tpu.vector_store %arg13[%swap3A_1045, %swap3A_1046], %get3A_1044 {strides = array<i32>} : memref<200x32xf32, #tpu.memory_space<vmem>>, vector<16xf32>,
          %add3A_1048 = arith.constant 16 : i32
          %add3A_1049 = arith.addi %squeeze3A_1041, %add3A_1048 : i32
          %get3A_1050 = arith.index_cast %add3A_1039 : i32 to index
          %get3A_1051 = arith.index_cast %add3A_1049 : i32 to index
          %get3A_1052 = tpu.vector_load %arg11[%get3A_1050, %get3A_1051] {strides = array<i32>} : memref<200x128xf32, #tpu.memory_space<vmem>>, vector<16xf32>,
          %swap3A_1053 = arith.index_cast %add3A_1039 : i32 to index
          %swap3A_1054 = arith.constant 16 : index
          %swap3A_1055 = tpu.vector_load %arg13[%swap3A_1053, %swap3A_1054] {strides = array<i32>} : memref<200x32xf32, #tpu.memory_space<vmem>>, vector<16xf32>,
          tpu.vector_store %arg13[%swap3A_1053, %swap3A_1054], %get3A_1052 {strides = array<i32>} : memref<200x32xf32, #tpu.memory_space<vmem>>, vector<16xf32>,
          %mul3A_1056 = arith.constant 16 : i32
          %mul3A_1057 = arith.muli %add3A_1008, %mul3A_1056 : i32
          %add3A_1058 = arith.constant 2 : i32
          %add3A_1059 = arith.addi %mul3A_1057, %add3A_1058 : i32
          %slice3A_1060 = vector.extract_strided_slice %get3A_1015 {offsets = [2], sizes = [1], strides = [1]} : vector<16xi32> to vector<1xi32>
          %squeeze3A_1061 = vector.extract %slice3A_1060[0] : i32 from vector<1xi32>
          %get3A_1062 = arith.index_cast %add3A_1059 : i32 to index
          %get3A_1063 = arith.index_cast %squeeze3A_1061 : i32 to index
          %get3A_1064 = tpu.vector_load %arg11[%get3A_1062, %get3A_1063] {strides = array<i32>} : memref<200x128xf32, #tpu.memory_space<vmem>>, vector<16xf32>,
          %swap3A_1065 = arith.index_cast %add3A_1059 : i32 to index
          %swap3A_1066 = arith.constant 0 : index
          %swap3A_1067 = tpu.vector_load %arg13[%swap3A_1065, %swap3A_1066] {strides = array<i32>} : memref<200x32xf32, #tpu.memory_space<vmem>>, vector<16xf32>,
          tpu.vector_store %arg13[%swap3A_1065, %swap3A_1066], %get3A_1064 {strides = array<i32>} : memref<200x32xf32, #tpu.memory_space<vmem>>, vector<16xf32>,
          %add3A_1068 = arith.constant 16 : i32
          %add3A_1069 = arith.addi %squeeze3A_1061, %add3A_1068 : i32
          %get3A_1070 = arith.index_cast %add3A_1059 : i32 to index
          %get3A_1071 = arith.index_cast %add3A_1069 : i32 to index
          %get3A_1072 = tpu.vector_load %arg11[%get3A_1070, %get3A_1071] {strides = array<i32>} : memref<200x128xf32, #tpu.memory_space<vmem>>, vector<16xf32>,
          %swap3A_1073 = arith.index_cast %add3A_1059 : i32 to index
          %swap3A_1074 = arith.constant 16 : index
          %swap3A_1075 = tpu.vector_load %arg13[%swap3A_1073, %swap3A_1074] {strides = array<i32>} : memref<200x32xf32, #tpu.memory_space<vmem>>, vector<16xf32>,
          tpu.vector_store %arg13[%swap3A_1073, %swap3A_1074], %get3A_1072 {strides = array<i32>} : memref<200x32xf32, #tpu.memory_space<vmem>>, vector<16xf32>,
          %mul3A_1076 = arith.constant 16 : i32
          %mul3A_1077 = arith.muli %add3A_1008, %mul3A_1076 : i32
          %add3A_1078 = arith.constant 3 : i32
          %add3A_1079 = arith.addi %mul3A_1077, %add3A_1078 : i32
          %slice3A_1080 = vector.extract_strided_slice %get3A_1015 {offsets = [3], sizes = [1], strides = [1]} : vector<16xi32> to vector<1xi32>
          %squeeze3A_1081 = vector.extract %slice3A_1080[0] : i32 from vector<1xi32>
          %get3A_1082 = arith.index_cast %add3A_1079 : i32 to index
          %get3A_1083 = arith.index_cast %squeeze3A_1081 : i32 to index
          %get3A_1084 = tpu.vector_load %arg11[%get3A_1082, %get3A_1083] {strides = array<i32>} : memref<200x128xf32, #tpu.memory_space<vmem>>, vector<16xf32>,
          %swap3A_1085 = arith.index_cast %add3A_1079 : i32 to index
          %swap3A_1086 = arith.constant 0 : index
          %swap3A_1087 = tpu.vector_load %arg13[%swap3A_1085, %swap3A_1086] {strides = array<i32>} : memref<200x32xf32, #tpu.memory_space<vmem>>, vector<16xf32>,
          tpu.vector_store %arg13[%swap3A_1085, %swap3A_1086], %get3A_1084 {strides = array<i32>} : memref<200x32xf32, #tpu.memory_space<vmem>>, vector<16xf32>,
          %add3A_1088 = arith.constant 16 : i32
          %add3A_1089 = arith.addi %squeeze3A_1081, %add3A_1088 : i32
          %get3A_1090 = arith.index_cast %add3A_1079 : i32 to index
          %get3A_1091 = arith.index_cast %add3A_1089 : i32 to index
          %get3A_1092 = tpu.vector_load %arg11[%get3A_1090, %get3A_1091] {strides = array<i32>} : memref<200x128xf32, #tpu.memory_space<vmem>>, vector<16xf32>,
          %swap3A_1093 = arith.index_cast %add3A_1079 : i32 to index
          %swap3A_1094 = arith.constant 16 : index
          %swap3A_1095 = tpu.vector_load %arg13[%swap3A_1093, %swap3A_1094] {strides = array<i32>} : memref<200x32xf32, #tpu.memory_space<vmem>>, vector<16xf32>,
          tpu.vector_store %arg13[%swap3A_1093, %swap3A_1094], %get3A_1092 {strides = array<i32>} : memref<200x32xf32, #tpu.memory_space<vmem>>, vector<16xf32>,
          %mul3A_1096 = arith.constant 16 : i32
          %mul3A_1097 = arith.muli %add3A_1008, %mul3A_1096 : i32
          %add3A_1098 = arith.constant 4 : i32
          %add3A_1099 = arith.addi %mul3A_1097, %add3A_1098 : i32
          %slice3A_1100 = vector.extract_strided_slice %get3A_1015 {offsets = [4], sizes = [1], strides = [1]} : vector<16xi32> to vector<1xi32>
          %squeeze3A_1101 = vector.extract %slice3A_1100[0] : i32 from vector<1xi32>
          %get3A_1102 = arith.index_cast %add3A_1099 : i32 to index
          %get3A_1103 = arith.index_cast %squeeze3A_1101 : i32 to index
          %get3A_1104 = tpu.vector_load %arg11[%get3A_1102, %get3A_1103] {strides = array<i32>} : memref<200x128xf32, #tpu.memory_space<vmem>>, vector<16xf32>,
          %swap3A_1105 = arith.index_cast %add3A_1099 : i32 to index
          %swap3A_1106 = arith.constant 0 : index
          %swap3A_1107 = tpu.vector_load %arg13[%swap3A_1105, %swap3A_1106] {strides = array<i32>} : memref<200x32xf32, #tpu.memory_space<vmem>>, vector<16xf32>,
          tpu.vector_store %arg13[%swap3A_1105, %swap3A_1106], %get3A_1104 {strides = array<i32>} : memref<200x32xf32, #tpu.memory_space<vmem>>, vector<16xf32>,
          %add3A_1108 = arith.constant 16 : i32
          %add3A_1109 = arith.addi %squeeze3A_1101, %add3A_1108 : i32
          %get3A_1110 = arith.index_cast %add3A_1099 : i32 to index
          %get3A_1111 = arith.index_cast %add3A_1109 : i32 to index
          %get3A_1112 = tpu.vector_load %arg11[%get3A_1110, %get3A_1111] {strides = array<i32>} : memref<200x128xf32, #tpu.memory_space<vmem>>, vector<16xf32>,
          %swap3A_1113 = arith.index_cast %add3A_1099 : i32 to index
          %swap3A_1114 = arith.constant 16 : index
          %swap3A_1115 = tpu.vector_load %arg13[%swap3A_1113, %swap3A_1114] {strides = array<i32>} : memref<200x32xf32, #tpu.memory_space<vmem>>, vector<16xf32>,
          tpu.vector_store %arg13[%swap3A_1113, %swap3A_1114], %get3A_1112 {strides = array<i32>} : memref<200x32xf32, #tpu.memory_space<vmem>>, vector<16xf32>,
          %mul3A_1116 = arith.constant 16 : i32
          %mul3A_1117 = arith.muli %add3A_1008, %mul3A_1116 : i32
          %add3A_1118 = arith.constant 5 : i32
          %add3A_1119 = arith.addi %mul3A_1117, %add3A_1118 : i32
          %slice3A_1120 = vector.extract_strided_slice %get3A_1015 {offsets = [5], sizes = [1], strides = [1]} : vector<16xi32> to vector<1xi32>
          %squeeze3A_1121 = vector.extract %slice3A_1120[0] : i32 from vector<1xi32>
          %get3A_1122 = arith.index_cast %add3A_1119 : i32 to index
          %get3A_1123 = arith.index_cast %squeeze3A_1121 : i32 to index
          %get3A_1124 = tpu.vector_load %arg11[%get3A_1122, %get3A_1123] {strides = array<i32>} : memref<200x128xf32, #tpu.memory_space<vmem>>, vector<16xf32>,
          %swap3A_1125 = arith.index_cast %add3A_1119 : i32 to index
          %swap3A_1126 = arith.constant 0 : index
          %swap3A_1127 = tpu.vector_load %arg13[%swap3A_1125, %swap3A_1126] {strides = array<i32>} : memref<200x32xf32, #tpu.memory_space<vmem>>, vector<16xf32>,
          tpu.vector_store %arg13[%swap3A_1125, %swap3A_1126], %get3A_1124 {strides = array<i32>} : memref<200x32xf32, #tpu.memory_space<vmem>>, vector<16xf32>,
          %add3A_1128 = arith.constant 16 : i32
          %add3A_1129 = arith.addi %squeeze3A_1121, %add3A_1128 : i32
          %get3A_1130 = arith.index_cast %add3A_1119 : i32 to index
          %get3A_1131 = arith.index_cast %add3A_1129 : i32 to index
          %get3A_1132 = tpu.vector_load %arg11[%get3A_1130, %get3A_1131] {strides = array<i32>} : memref<200x128xf32, #tpu.memory_space<vmem>>, vector<16xf32>,
          %swap3A_1133 = arith.index_cast %add3A_1119 : i32 to index
          %swap3A_1134 = arith.constant 16 : index
          %swap3A_1135 = tpu.vector_load %arg13[%swap3A_1133, %swap3A_1134] {strides = array<i32>} : memref<200x32xf32, #tpu.memory_space<vmem>>, vector<16xf32>,
          tpu.vector_store %arg13[%swap3A_1133, %swap3A_1134], %get3A_1132 {strides = array<i32>} : memref<200x32xf32, #tpu.memory_space<vmem>>, vector<16xf32>,
          %mul3A_1136 = arith.constant 16 : i32
          %mul3A_1137 = arith.muli %add3A_1008, %mul3A_1136 : i32
          %add3A_1138 = arith.constant 6 : i32
          %add3A_1139 = arith.addi %mul3A_1137, %add3A_1138 : i32
          %slice3A_1140 = vector.extract_strided_slice %get3A_1015 {offsets = [6], sizes = [1], strides = [1]} : vector<16xi32> to vector<1xi32>
          %squeeze3A_1141 = vector.extract %slice3A_1140[0] : i32 from vector<1xi32>
          %get3A_1142 = arith.index_cast %add3A_1139 : i32 to index
          %get3A_1143 = arith.index_cast %squeeze3A_1141 : i32 to index
          %get3A_1144 = tpu.vector_load %arg11[%get3A_1142, %get3A_1143] {strides = array<i32>} : memref<200x128xf32, #tpu.memory_space<vmem>>, vector<16xf32>,
          %swap3A_1145 = arith.index_cast %add3A_1139 : i32 to index
          %swap3A_1146 = arith.constant 0 : index
          %swap3A_1147 = tpu.vector_load %arg13[%swap3A_1145, %swap3A_1146] {strides = array<i32>} : memref<200x32xf32, #tpu.memory_space<vmem>>, vector<16xf32>,
          tpu.vector_store %arg13[%swap3A_1145, %swap3A_1146], %get3A_1144 {strides = array<i32>} : memref<200x32xf32, #tpu.memory_space<vmem>>, vector<16xf32>,
          %add3A_1148 = arith.constant 16 : i32
          %add3A_1149 = arith.addi %squeeze3A_1141, %add3A_1148 : i32
          %get3A_1150 = arith.index_cast %add3A_1139 : i32 to index
          %get3A_1151 = arith.index_cast %add3A_1149 : i32 to index
          %get3A_1152 = tpu.vector_load %arg11[%get3A_1150, %get3A_1151] {strides = array<i32>} : memref<200x128xf32, #tpu.memory_space<vmem>>, vector<16xf32>,
          %swap3A_1153 = arith.index_cast %add3A_1139 : i32 to index
          %swap3A_1154 = arith.constant 16 : index
          %swap3A_1155 = tpu.vector_load %arg13[%swap3A_1153, %swap3A_1154] {strides = array<i32>} : memref<200x32xf32, #tpu.memory_space<vmem>>, vector<16xf32>,
          tpu.vector_store %arg13[%swap3A_1153, %swap3A_1154], %get3A_1152 {strides = array<i32>} : memref<200x32xf32, #tpu.memory_space<vmem>>, vector<16xf32>,
          %mul3A_1156 = arith.constant 16 : i32
          %mul3A_1157 = arith.muli %add3A_1008, %mul3A_1156 : i32
          %add3A_1158 = arith.constant 7 : i32
          %add3A_1159 = arith.addi %mul3A_1157, %add3A_1158 : i32
          %slice3A_1160 = vector.extract_strided_slice %get3A_1015 {offsets = [7], sizes = [1], strides = [1]} : vector<16xi32> to vector<1xi32>
          %squeeze3A_1161 = vector.extract %slice3A_1160[0] : i32 from vector<1xi32>
          %get3A_1162 = arith.index_cast %add3A_1159 : i32 to index
          %get3A_1163 = arith.index_cast %squeeze3A_1161 : i32 to index
          %get3A_1164 = tpu.vector_load %arg11[%get3A_1162, %get3A_1163] {strides = array<i32>} : memref<200x128xf32, #tpu.memory_space<vmem>>, vector<16xf32>,
          %swap3A_1165 = arith.index_cast %add3A_1159 : i32 to index
          %swap3A_1166 = arith.constant 0 : index
          %swap3A_1167 = tpu.vector_load %arg13[%swap3A_1165, %swap3A_1166] {strides = array<i32>} : memref<200x32xf32, #tpu.memory_space<vmem>>, vector<16xf32>,
          tpu.vector_store %arg13[%swap3A_1165, %swap3A_1166], %get3A_1164 {strides = array<i32>} : memref<200x32xf32, #tpu.memory_space<vmem>>, vector<16xf32>,
          %add3A_1168 = arith.constant 16 : i32
          %add3A_1169 = arith.addi %squeeze3A_1161, %add3A_1168 : i32
          %get3A_1170 = arith.index_cast %add3A_1159 : i32 to index
          %get3A_1171 = arith.index_cast %add3A_1169 : i32 to index
          %get3A_1172 = tpu.vector_load %arg11[%get3A_1170, %get3A_1171] {strides = array<i32>} : memref<200x128xf32, #tpu.memory_space<vmem>>, vector<16xf32>,
          %swap3A_1173 = arith.index_cast %add3A_1159 : i32 to index
          %swap3A_1174 = arith.constant 16 : index
          %swap3A_1175 = tpu.vector_load %arg13[%swap3A_1173, %swap3A_1174] {strides = array<i32>} : memref<200x32xf32, #tpu.memory_space<vmem>>, vector<16xf32>,
          tpu.vector_store %arg13[%swap3A_1173, %swap3A_1174], %get3A_1172 {strides = array<i32>} : memref<200x32xf32, #tpu.memory_space<vmem>>, vector<16xf32>,
          %mul3A_1176 = arith.constant 16 : i32
          %mul3A_1177 = arith.muli %add3A_1008, %mul3A_1176 : i32
          %add3A_1178 = arith.constant 8 : i32
          %add3A_1179 = arith.addi %mul3A_1177, %add3A_1178 : i32
          %slice3A_1180 = vector.extract_strided_slice %get3A_1015 {offsets = [8], sizes = [1], strides = [1]} : vector<16xi32> to vector<1xi32>
          %squeeze3A_1181 = vector.extract %slice3A_1180[0] : i32 from vector<1xi32>
          %get3A_1182 = arith.index_cast %add3A_1179 : i32 to index
          %get3A_1183 = arith.index_cast %squeeze3A_1181 : i32 to index
          %get3A_1184 = tpu.vector_load %arg11[%get3A_1182, %get3A_1183] {strides = array<i32>} : memref<200x128xf32, #tpu.memory_space<vmem>>, vector<16xf32>,
          %swap3A_1185 = arith.index_cast %add3A_1179 : i32 to index
          %swap3A_1186 = arith.constant 0 : index
          %swap3A_1187 = tpu.vector_load %arg13[%swap3A_1185, %swap3A_1186] {strides = array<i32>} : memref<200x32xf32, #tpu.memory_space<vmem>>, vector<16xf32>,
          tpu.vector_store %arg13[%swap3A_1185, %swap3A_1186], %get3A_1184 {strides = array<i32>} : memref<200x32xf32, #tpu.memory_space<vmem>>, vector<16xf32>,
          %add3A_1188 = arith.constant 16 : i32
          %add3A_1189 = arith.addi %squeeze3A_1181, %add3A_1188 : i32
          %get3A_1190 = arith.index_cast %add3A_1179 : i32 to index
          %get3A_1191 = arith.index_cast %add3A_1189 : i32 to index
          %get3A_1192 = tpu.vector_load %arg11[%get3A_1190, %get3A_1191] {strides = array<i32>} : memref<200x128xf32, #tpu.memory_space<vmem>>, vector<16xf32>,
          %swap3A_1193 = arith.index_cast %add3A_1179 : i32 to index
          %swap3A_1194 = arith.constant 16 : index
          %swap3A_1195 = tpu.vector_load %arg13[%swap3A_1193, %swap3A_1194] {strides = array<i32>} : memref<200x32xf32, #tpu.memory_space<vmem>>, vector<16xf32>,
          tpu.vector_store %arg13[%swap3A_1193, %swap3A_1194], %get3A_1192 {strides = array<i32>} : memref<200x32xf32, #tpu.memory_space<vmem>>, vector<16xf32>,
          %mul3A_1196 = arith.constant 16 : i32
          %mul3A_1197 = arith.muli %add3A_1008, %mul3A_1196 : i32
          %add3A_1198 = arith.constant 9 : i32
          %add3A_1199 = arith.addi %mul3A_1197, %add3A_1198 : i32
          %slice3A_1200 = vector.extract_strided_slice %get3A_1015 {offsets = [9], sizes = [1], strides = [1]} : vector<16xi32> to vector<1xi32>
          %squeeze3A_1201 = vector.extract %slice3A_1200[0] : i32 from vector<1xi32>
          %get3A_1202 = arith.index_cast %add3A_1199 : i32 to index
          %get3A_1203 = arith.index_cast %squeeze3A_1201 : i32 to index
          %get3A_1204 = tpu.vector_load %arg11[%get3A_1202, %get3A_1203] {strides = array<i32>} : memref<200x128xf32, #tpu.memory_space<vmem>>, vector<16xf32>,
          %swap3A_1205 = arith.index_cast %add3A_1199 : i32 to index
          %swap3A_1206 = arith.constant 0 : index
          %swap3A_1207 = tpu.vector_load %arg13[%swap3A_1205, %swap3A_1206] {strides = array<i32>} : memref<200x32xf32, #tpu.memory_space<vmem>>, vector<16xf32>,
          tpu.vector_store %arg13[%swap3A_1205, %swap3A_1206], %get3A_1204 {strides = array<i32>} : memref<200x32xf32, #tpu.memory_space<vmem>>, vector<16xf32>,
          %add3A_1208 = arith.constant 16 : i32
          %add3A_1209 = arith.addi %squeeze3A_1201, %add3A_1208 : i32
          %get3A_1210 = arith.index_cast %add3A_1199 : i32 to index
          %get3A_1211 = arith.index_cast %add3A_1209 : i32 to index
          %get3A_1212 = tpu.vector_load %arg11[%get3A_1210, %get3A_1211] {strides = array<i32>} : memref<200x128xf32, #tpu.memory_space<vmem>>, vector<16xf32>,
          %swap3A_1213 = arith.index_cast %add3A_1199 : i32 to index
          %swap3A_1214 = arith.constant 16 : index
          %swap3A_1215 = tpu.vector_load %arg13[%swap3A_1213, %swap3A_1214] {strides = array<i32>} : memref<200x32xf32, #tpu.memory_space<vmem>>, vector<16xf32>,
          tpu.vector_store %arg13[%swap3A_1213, %swap3A_1214], %get3A_1212 {strides = array<i32>} : memref<200x32xf32, #tpu.memory_space<vmem>>, vector<16xf32>,
          %mul3A_1216 = arith.constant 16 : i32
          %mul3A_1217 = arith.muli %add3A_1008, %mul3A_1216 : i32
          %add3A_1218 = arith.constant 10 : i32
          %add3A_1219 = arith.addi %mul3A_1217, %add3A_1218 : i32
          %slice3A_1220 = vector.extract_strided_slice %get3A_1015 {offsets = [10], sizes = [1], strides = [1]} : vector<16xi32> to vector<1xi32>
          %squeeze3A_1221 = vector.extract %slice3A_1220[0] : i32 from vector<1xi32>
          %get3A_1222 = arith.index_cast %add3A_1219 : i32 to index
          %get3A_1223 = arith.index_cast %squeeze3A_1221 : i32 to index
          %get3A_1224 = tpu.vector_load %arg11[%get3A_1222, %get3A_1223] {strides = array<i32>} : memref<200x128xf32, #tpu.memory_space<vmem>>, vector<16xf32>,
          %swap3A_1225 = arith.index_cast %add3A_1219 : i32 to index
          %swap3A_1226 = arith.constant 0 : index
          %swap3A_1227 = tpu.vector_load %arg13[%swap3A_1225, %swap3A_1226] {strides = array<i32>} : memref<200x32xf32, #tpu.memory_space<vmem>>, vector<16xf32>,
          tpu.vector_store %arg13[%swap3A_1225, %swap3A_1226], %get3A_1224 {strides = array<i32>} : memref<200x32xf32, #tpu.memory_space<vmem>>, vector<16xf32>,
          %add3A_1228 = arith.constant 16 : i32
          %add3A_1229 = arith.addi %squeeze3A_1221, %add3A_1228 : i32
          %get3A_1230 = arith.index_cast %add3A_1219 : i32 to index
          %get3A_1231 = arith.index_cast %add3A_1229 : i32 to index
          %get3A_1232 = tpu.vector_load %arg11[%get3A_1230, %get3A_1231] {strides = array<i32>} : memref<200x128xf32, #tpu.memory_space<vmem>>, vector<16xf32>,
          %swap3A_1233 = arith.index_cast %add3A_1219 : i32 to index
          %swap3A_1234 = arith.constant 16 : index
          %swap3A_1235 = tpu.vector_load %arg13[%swap3A_1233, %swap3A_1234] {strides = array<i32>} : memref<200x32xf32, #tpu.memory_space<vmem>>, vector<16xf32>,
          tpu.vector_store %arg13[%swap3A_1233, %swap3A_1234], %get3A_1232 {strides = array<i32>} : memref<200x32xf32, #tpu.memory_space<vmem>>, vector<16xf32>,
          %mul3A_1236 = arith.constant 16 : i32
          %mul3A_1237 = arith.muli %add3A_1008, %mul3A_1236 : i32
          %add3A_1238 = arith.constant 11 : i32
          %add3A_1239 = arith.addi %mul3A_1237, %add3A_1238 : i32
          %slice3A_1240 = vector.extract_strided_slice %get3A_1015 {offsets = [11], sizes = [1], strides = [1]} : vector<16xi32> to vector<1xi32>
          %squeeze3A_1241 = vector.extract %slice3A_1240[0] : i32 from vector<1xi32>
          %get3A_1242 = arith.index_cast %add3A_1239 : i32 to index
          %get3A_1243 = arith.index_cast %squeeze3A_1241 : i32 to index
          %get3A_1244 = tpu.vector_load %arg11[%get3A_1242, %get3A_1243] {strides = array<i32>} : memref<200x128xf32, #tpu.memory_space<vmem>>, vector<16xf32>,
          %swap3A_1245 = arith.index_cast %add3A_1239 : i32 to index
          %swap3A_1246 = arith.constant 0 : index
          %swap3A_1247 = tpu.vector_load %arg13[%swap3A_1245, %swap3A_1246] {strides = array<i32>} : memref<200x32xf32, #tpu.memory_space<vmem>>, vector<16xf32>,
          tpu.vector_store %arg13[%swap3A_1245, %swap3A_1246], %get3A_1244 {strides = array<i32>} : memref<200x32xf32, #tpu.memory_space<vmem>>, vector<16xf32>,
          %add3A_1248 = arith.constant 16 : i32
          %add3A_1249 = arith.addi %squeeze3A_1241, %add3A_1248 : i32
          %get3A_1250 = arith.index_cast %add3A_1239 : i32 to index
          %get3A_1251 = arith.index_cast %add3A_1249 : i32 to index
          %get3A_1252 = tpu.vector_load %arg11[%get3A_1250, %get3A_1251] {strides = array<i32>} : memref<200x128xf32, #tpu.memory_space<vmem>>, vector<16xf32>,
          %swap3A_1253 = arith.index_cast %add3A_1239 : i32 to index
          %swap3A_1254 = arith.constant 16 : index
          %swap3A_1255 = tpu.vector_load %arg13[%swap3A_1253, %swap3A_1254] {strides = array<i32>} : memref<200x32xf32, #tpu.memory_space<vmem>>, vector<16xf32>,
          tpu.vector_store %arg13[%swap3A_1253, %swap3A_1254], %get3A_1252 {strides = array<i32>} : memref<200x32xf32, #tpu.memory_space<vmem>>, vector<16xf32>,
          %mul3A_1256 = arith.constant 16 : i32
          %mul3A_1257 = arith.muli %add3A_1008, %mul3A_1256 : i32
          %add3A_1258 = arith.constant 12 : i32
          %add3A_1259 = arith.addi %mul3A_1257, %add3A_1258 : i32
          %slice3A_1260 = vector.extract_strided_slice %get3A_1015 {offsets = [12], sizes = [1], strides = [1]} : vector<16xi32> to vector<1xi32>
          %squeeze3A_1261 = vector.extract %slice3A_1260[0] : i32 from vector<1xi32>
          %get3A_1262 = arith.index_cast %add3A_1259 : i32 to index
          %get3A_1263 = arith.index_cast %squeeze3A_1261 : i32 to index
          %get3A_1264 = tpu.vector_load %arg11[%get3A_1262, %get3A_1263] {strides = array<i32>} : memref<200x128xf32, #tpu.memory_space<vmem>>, vector<16xf32>,
          %swap3A_1265 = arith.index_cast %add3A_1259 : i32 to index
          %swap3A_1266 = arith.constant 0 : index
          %swap3A_1267 = tpu.vector_load %arg13[%swap3A_1265, %swap3A_1266] {strides = array<i32>} : memref<200x32xf32, #tpu.memory_space<vmem>>, vector<16xf32>,
          tpu.vector_store %arg13[%swap3A_1265, %swap3A_1266], %get3A_1264 {strides = array<i32>} : memref<200x32xf32, #tpu.memory_space<vmem>>, vector<16xf32>,
          %add3A_1268 = arith.constant 16 : i32
          %add3A_1269 = arith.addi %squeeze3A_1261, %add3A_1268 : i32
          %get3A_1270 = arith.index_cast %add3A_1259 : i32 to index
          %get3A_1271 = arith.index_cast %add3A_1269 : i32 to index
          %get3A_1272 = tpu.vector_load %arg11[%get3A_1270, %get3A_1271] {strides = array<i32>} : memref<200x128xf32, #tpu.memory_space<vmem>>, vector<16xf32>,
          %swap3A_1273 = arith.index_cast %add3A_1259 : i32 to index
          %swap3A_1274 = arith.constant 16 : index
          %swap3A_1275 = tpu.vector_load %arg13[%swap3A_1273, %swap3A_1274] {strides = array<i32>} : memref<200x32xf32, #tpu.memory_space<vmem>>, vector<16xf32>,
          tpu.vector_store %arg13[%swap3A_1273, %swap3A_1274], %get3A_1272 {strides = array<i32>} : memref<200x32xf32, #tpu.memory_space<vmem>>, vector<16xf32>,
          %mul3A_1276 = arith.constant 16 : i32
          %mul3A_1277 = arith.muli %add3A_1008, %mul3A_1276 : i32
          %add3A_1278 = arith.constant 13 : i32
          %add3A_1279 = arith.addi %mul3A_1277, %add3A_1278 : i32
          %slice3A_1280 = vector.extract_strided_slice %get3A_1015 {offsets = [13], sizes = [1], strides = [1]} : vector<16xi32> to vector<1xi32>
          %squeeze3A_1281 = vector.extract %slice3A_1280[0] : i32 from vector<1xi32>
          %get3A_1282 = arith.index_cast %add3A_1279 : i32 to index
          %get3A_1283 = arith.index_cast %squeeze3A_1281 : i32 to index
          %get3A_1284 = tpu.vector_load %arg11[%get3A_1282, %get3A_1283] {strides = array<i32>} : memref<200x128xf32, #tpu.memory_space<vmem>>, vector<16xf32>,
          %swap3A_1285 = arith.index_cast %add3A_1279 : i32 to index
          %swap3A_1286 = arith.constant 0 : index
          %swap3A_1287 = tpu.vector_load %arg13[%swap3A_1285, %swap3A_1286] {strides = array<i32>} : memref<200x32xf32, #tpu.memory_space<vmem>>, vector<16xf32>,
          tpu.vector_store %arg13[%swap3A_1285, %swap3A_1286], %get3A_1284 {strides = array<i32>} : memref<200x32xf32, #tpu.memory_space<vmem>>, vector<16xf32>,
          %add3A_1288 = arith.constant 16 : i32
          %add3A_1289 = arith.addi %squeeze3A_1281, %add3A_1288 : i32
          %get3A_1290 = arith.index_cast %add3A_1279 : i32 to index
          %get3A_1291 = arith.index_cast %add3A_1289 : i32 to index
          %get3A_1292 = tpu.vector_load %arg11[%get3A_1290, %get3A_1291] {strides = array<i32>} : memref<200x128xf32, #tpu.memory_space<vmem>>, vector<16xf32>,
          %swap3A_1293 = arith.index_cast %add3A_1279 : i32 to index
          %swap3A_1294 = arith.constant 16 : index
          %swap3A_1295 = tpu.vector_load %arg13[%swap3A_1293, %swap3A_1294] {strides = array<i32>} : memref<200x32xf32, #tpu.memory_space<vmem>>, vector<16xf32>,
          tpu.vector_store %arg13[%swap3A_1293, %swap3A_1294], %get3A_1292 {strides = array<i32>} : memref<200x32xf32, #tpu.memory_space<vmem>>, vector<16xf32>,
          %mul3A_1296 = arith.constant 16 : i32
          %mul3A_1297 = arith.muli %add3A_1008, %mul3A_1296 : i32
          %add3A_1298 = arith.constant 14 : i32
          %add3A_1299 = arith.addi %mul3A_1297, %add3A_1298 : i32
          %slice3A_1300 = vector.extract_strided_slice %get3A_1015 {offsets = [14], sizes = [1], strides = [1]} : vector<16xi32> to vector<1xi32>
          %squeeze3A_1301 = vector.extract %slice3A_1300[0] : i32 from vector<1xi32>
          %get3A_1302 = arith.index_cast %add3A_1299 : i32 to index
          %get3A_1303 = arith.index_cast %squeeze3A_1301 : i32 to index
          %get3A_1304 = tpu.vector_load %arg11[%get3A_1302, %get3A_1303] {strides = array<i32>} : memref<200x128xf32, #tpu.memory_space<vmem>>, vector<16xf32>,
          %swap3A_1305 = arith.index_cast %add3A_1299 : i32 to index
          %swap3A_1306 = arith.constant 0 : index
          %swap3A_1307 = tpu.vector_load %arg13[%swap3A_1305, %swap3A_1306] {strides = array<i32>} : memref<200x32xf32, #tpu.memory_space<vmem>>, vector<16xf32>,
          tpu.vector_store %arg13[%swap3A_1305, %swap3A_1306], %get3A_1304 {strides = array<i32>} : memref<200x32xf32, #tpu.memory_space<vmem>>, vector<16xf32>,
          %add3A_1308 = arith.constant 16 : i32
          %add3A_1309 = arith.addi %squeeze3A_1301, %add3A_1308 : i32
          %get3A_1310 = arith.index_cast %add3A_1299 : i32 to index
          %get3A_1311 = arith.index_cast %add3A_1309 : i32 to index
          %get3A_1312 = tpu.vector_load %arg11[%get3A_1310, %get3A_1311] {strides = array<i32>} : memref<200x128xf32, #tpu.memory_space<vmem>>, vector<16xf32>,
          %swap3A_1313 = arith.index_cast %add3A_1299 : i32 to index
          %swap3A_1314 = arith.constant 16 : index
          %swap3A_1315 = tpu.vector_load %arg13[%swap3A_1313, %swap3A_1314] {strides = array<i32>} : memref<200x32xf32, #tpu.memory_space<vmem>>, vector<16xf32>,
          tpu.vector_store %arg13[%swap3A_1313, %swap3A_1314], %get3A_1312 {strides = array<i32>} : memref<200x32xf32, #tpu.memory_space<vmem>>, vector<16xf32>,
          %mul3A_1316 = arith.constant 16 : i32
          %mul3A_1317 = arith.muli %add3A_1008, %mul3A_1316 : i32
          %add3A_1318 = arith.constant 15 : i32
          %add3A_1319 = arith.addi %mul3A_1317, %add3A_1318 : i32
          %slice3A_1320 = vector.extract_strided_slice %get3A_1015 {offsets = [15], sizes = [1], strides = [1]} : vector<16xi32> to vector<1xi32>
          %squeeze3A_1321 = vector.extract %slice3A_1320[0] : i32 from vector<1xi32>
          %get3A_1322 = arith.index_cast %add3A_1319 : i32 to index
          %get3A_1323 = arith.index_cast %squeeze3A_1321 : i32 to index
          %get3A_1324 = tpu.vector_load %arg11[%get3A_1322, %get3A_1323] {strides = array<i32>} : memref<200x128xf32, #tpu.memory_space<vmem>>, vector<16xf32>,
          %swap3A_1325 = arith.index_cast %add3A_1319 : i32 to index
          %swap3A_1326 = arith.constant 0 : index
          %swap3A_1327 = tpu.vector_load %arg13[%swap3A_1325, %swap3A_1326] {strides = array<i32>} : memref<200x32xf32, #tpu.memory_space<vmem>>, vector<16xf32>,
          tpu.vector_store %arg13[%swap3A_1325, %swap3A_1326], %get3A_1324 {strides = array<i32>} : memref<200x32xf32, #tpu.memory_space<vmem>>, vector<16xf32>,
          %add3A_1328 = arith.constant 16 : i32
          %add3A_1329 = arith.addi %squeeze3A_1321, %add3A_1328 : i32
          %get3A_1330 = arith.index_cast %add3A_1319 : i32 to index
          %get3A_1331 = arith.index_cast %add3A_1329 : i32 to index
          %get3A_1332 = tpu.vector_load %arg11[%get3A_1330, %get3A_1331] {strides = array<i32>} : memref<200x128xf32, #tpu.memory_space<vmem>>, vector<16xf32>,
          %swap3A_1333 = arith.index_cast %add3A_1319 : i32 to index
          %swap3A_1334 = arith.constant 16 : index
          %swap3A_1335 = tpu.vector_load %arg13[%swap3A_1333, %swap3A_1334] {strides = array<i32>} : memref<200x32xf32, #tpu.memory_space<vmem>>, vector<16xf32>,
          tpu.vector_store %arg13[%swap3A_1333, %swap3A_1334], %get3A_1332 {strides = array<i32>} : memref<200x32xf32, #tpu.memory_space<vmem>>, vector<16xf32>,
        }
        %scan3A_607 = arith.constant 12 : i32
        %mul3A_608 = arith.constant 200 : i32
        %mul3A_609 = arith.muli %add3A_588, %mul3A_608 : i32
        %add3A_610 = arith.constant 184 : i32
        %add3A_611 = arith.addi %mul3A_609, %add3A_610 : i32
        %get3A_612 = arith.index_cast %add3A_611 : i32 to index
        %get3A_613 = tpu.vector_load %arg9[%get3A_612] {strides = array<i32>} : memref<3200xi32, #tpu.memory_space<vmem>>, vector<16xi32>,
        %slice3A_614 = vector.extract_strided_slice %get3A_613 {offsets = [0], sizes = [1], strides = [1]} : vector<16xi32> to vector<1xi32>
        %squeeze3A_615 = vector.extract %slice3A_614[0] : i32 from vector<1xi32>
        %get3A_616 = arith.constant 184 : i32
        %get3A_617 = arith.index_cast %get3A_616 : i32 to index
        %get3A_618 = arith.index_cast %squeeze3A_615 : i32 to index
        %get3A_619 = tpu.vector_load %arg11[%get3A_617, %get3A_618] {strides = array<i32>} : memref<200x128xf32, #tpu.memory_space<vmem>>, vector<16xf32>,
        %swap3A_620 = arith.constant 184 : i32
        %swap3A_621 = arith.index_cast %swap3A_620 : i32 to index
        %swap3A_622 = arith.constant 0 : index
        %swap3A_623 = tpu.vector_load %arg13[%swap3A_621, %swap3A_622] {strides = array<i32>} : memref<200x32xf32, #tpu.memory_space<vmem>>, vector<16xf32>,
        tpu.vector_store %arg13[%swap3A_621, %swap3A_622], %get3A_619 {strides = array<i32>} : memref<200x32xf32, #tpu.memory_space<vmem>>, vector<16xf32>,
        %add3A_624 = arith.constant 16 : i32
        %add3A_625 = arith.addi %squeeze3A_615, %add3A_624 : i32
        %get3A_626 = arith.constant 184 : i32
        %get3A_627 = arith.index_cast %get3A_626 : i32 to index
        %get3A_628 = arith.index_cast %add3A_625 : i32 to index
        %get3A_629 = tpu.vector_load %arg11[%get3A_627, %get3A_628] {strides = array<i32>} : memref<200x128xf32, #tpu.memory_space<vmem>>, vector<16xf32>,
        %swap3A_630 = arith.constant 184 : i32
        %swap3A_631 = arith.index_cast %swap3A_630 : i32 to index
        %swap3A_632 = arith.constant 16 : index
        %swap3A_633 = tpu.vector_load %arg13[%swap3A_631, %swap3A_632] {strides = array<i32>} : memref<200x32xf32, #tpu.memory_space<vmem>>, vector<16xf32>,
        tpu.vector_store %arg13[%swap3A_631, %swap3A_632], %get3A_629 {strides = array<i32>} : memref<200x32xf32, #tpu.memory_space<vmem>>, vector<16xf32>,
        %slice3A_634 = vector.extract_strided_slice %get3A_613 {offsets = [1], sizes = [1], strides = [1]} : vector<16xi32> to vector<1xi32>
        %squeeze3A_635 = vector.extract %slice3A_634[0] : i32 from vector<1xi32>
        %get3A_636 = arith.constant 185 : i32
        %get3A_637 = arith.index_cast %get3A_636 : i32 to index
        %get3A_638 = arith.index_cast %squeeze3A_635 : i32 to index
        %get3A_639 = tpu.vector_load %arg11[%get3A_637, %get3A_638] {strides = array<i32>} : memref<200x128xf32, #tpu.memory_space<vmem>>, vector<16xf32>,
        %swap3A_640 = arith.constant 185 : i32
        %swap3A_641 = arith.index_cast %swap3A_640 : i32 to index
        %swap3A_642 = arith.constant 0 : index
        %swap3A_643 = tpu.vector_load %arg13[%swap3A_641, %swap3A_642] {strides = array<i32>} : memref<200x32xf32, #tpu.memory_space<vmem>>, vector<16xf32>,
        tpu.vector_store %arg13[%swap3A_641, %swap3A_642], %get3A_639 {strides = array<i32>} : memref<200x32xf32, #tpu.memory_space<vmem>>, vector<16xf32>,
        %add3A_644 = arith.constant 16 : i32
        %add3A_645 = arith.addi %squeeze3A_635, %add3A_644 : i32
        %get3A_646 = arith.constant 185 : i32
        %get3A_647 = arith.index_cast %get3A_646 : i32 to index
        %get3A_648 = arith.index_cast %add3A_645 : i32 to index
        %get3A_649 = tpu.vector_load %arg11[%get3A_647, %get3A_648] {strides = array<i32>} : memref<200x128xf32, #tpu.memory_space<vmem>>, vector<16xf32>,
        %swap3A_650 = arith.constant 185 : i32
        %swap3A_651 = arith.index_cast %swap3A_650 : i32 to index
        %swap3A_652 = arith.constant 16 : index
        %swap3A_653 = tpu.vector_load %arg13[%swap3A_651, %swap3A_652] {strides = array<i32>} : memref<200x32xf32, #tpu.memory_space<vmem>>, vector<16xf32>,
        tpu.vector_store %arg13[%swap3A_651, %swap3A_652], %get3A_649 {strides = array<i32>} : memref<200x32xf32, #tpu.memory_space<vmem>>, vector<16xf32>,
        %slice3A_654 = vector.extract_strided_slice %get3A_613 {offsets = [2], sizes = [1], strides = [1]} : vector<16xi32> to vector<1xi32>
        %squeeze3A_655 = vector.extract %slice3A_654[0] : i32 from vector<1xi32>
        %get3A_656 = arith.constant 186 : i32
        %get3A_657 = arith.index_cast %get3A_656 : i32 to index
        %get3A_658 = arith.index_cast %squeeze3A_655 : i32 to index
        %get3A_659 = tpu.vector_load %arg11[%get3A_657, %get3A_658] {strides = array<i32>} : memref<200x128xf32, #tpu.memory_space<vmem>>, vector<16xf32>,
        %swap3A_660 = arith.constant 186 : i32
        %swap3A_661 = arith.index_cast %swap3A_660 : i32 to index
        %swap3A_662 = arith.constant 0 : index
        %swap3A_663 = tpu.vector_load %arg13[%swap3A_661, %swap3A_662] {strides = array<i32>} : memref<200x32xf32, #tpu.memory_space<vmem>>, vector<16xf32>,
        tpu.vector_store %arg13[%swap3A_661, %swap3A_662], %get3A_659 {strides = array<i32>} : memref<200x32xf32, #tpu.memory_space<vmem>>, vector<16xf32>,
        %add3A_664 = arith.constant 16 : i32
        %add3A_665 = arith.addi %squeeze3A_655, %add3A_664 : i32
        %get3A_666 = arith.constant 186 : i32
        %get3A_667 = arith.index_cast %get3A_666 : i32 to index
        %get3A_668 = arith.index_cast %add3A_665 : i32 to index
        %get3A_669 = tpu.vector_load %arg11[%get3A_667, %get3A_668] {strides = array<i32>} : memref<200x128xf32, #tpu.memory_space<vmem>>, vector<16xf32>,
        %swap3A_670 = arith.constant 186 : i32
        %swap3A_671 = arith.index_cast %swap3A_670 : i32 to index
        %swap3A_672 = arith.constant 16 : index
        %swap3A_673 = tpu.vector_load %arg13[%swap3A_671, %swap3A_672] {strides = array<i32>} : memref<200x32xf32, #tpu.memory_space<vmem>>, vector<16xf32>,
        tpu.vector_store %arg13[%swap3A_671, %swap3A_672], %get3A_669 {strides = array<i32>} : memref<200x32xf32, #tpu.memory_space<vmem>>, vector<16xf32>,
        %slice3A_674 = vector.extract_strided_slice %get3A_613 {offsets = [3], sizes = [1], strides = [1]} : vector<16xi32> to vector<1xi32>
        %squeeze3A_675 = vector.extract %slice3A_674[0] : i32 from vector<1xi32>
        %get3A_676 = arith.constant 187 : i32
        %get3A_677 = arith.index_cast %get3A_676 : i32 to index
        %get3A_678 = arith.index_cast %squeeze3A_675 : i32 to index
        %get3A_679 = tpu.vector_load %arg11[%get3A_677, %get3A_678] {strides = array<i32>} : memref<200x128xf32, #tpu.memory_space<vmem>>, vector<16xf32>,
        %swap3A_680 = arith.constant 187 : i32
        %swap3A_681 = arith.index_cast %swap3A_680 : i32 to index
        %swap3A_682 = arith.constant 0 : index
        %swap3A_683 = tpu.vector_load %arg13[%swap3A_681, %swap3A_682] {strides = array<i32>} : memref<200x32xf32, #tpu.memory_space<vmem>>, vector<16xf32>,
        tpu.vector_store %arg13[%swap3A_681, %swap3A_682], %get3A_679 {strides = array<i32>} : memref<200x32xf32, #tpu.memory_space<vmem>>, vector<16xf32>,
        %add3A_684 = arith.constant 16 : i32
        %add3A_685 = arith.addi %squeeze3A_675, %add3A_684 : i32
        %get3A_686 = arith.constant 187 : i32
        %get3A_687 = arith.index_cast %get3A_686 : i32 to index
        %get3A_688 = arith.index_cast %add3A_685 : i32 to index
        %get3A_689 = tpu.vector_load %arg11[%get3A_687, %get3A_688] {strides = array<i32>} : memref<200x128xf32, #tpu.memory_space<vmem>>, vector<16xf32>,
        %swap3A_690 = arith.constant 187 : i32
        %swap3A_691 = arith.index_cast %swap3A_690 : i32 to index
        %swap3A_692 = arith.constant 16 : index
        %swap3A_693 = tpu.vector_load %arg13[%swap3A_691, %swap3A_692] {strides = array<i32>} : memref<200x32xf32, #tpu.memory_space<vmem>>, vector<16xf32>,
        tpu.vector_store %arg13[%swap3A_691, %swap3A_692], %get3A_689 {strides = array<i32>} : memref<200x32xf32, #tpu.memory_space<vmem>>, vector<16xf32>,
        %slice3A_694 = vector.extract_strided_slice %get3A_613 {offsets = [4], sizes = [1], strides = [1]} : vector<16xi32> to vector<1xi32>
        %squeeze3A_695 = vector.extract %slice3A_694[0] : i32 from vector<1xi32>
        %get3A_696 = arith.constant 188 : i32
        %get3A_697 = arith.index_cast %get3A_696 : i32 to index
        %get3A_698 = arith.index_cast %squeeze3A_695 : i32 to index
        %get3A_699 = tpu.vector_load %arg11[%get3A_697, %get3A_698] {strides = array<i32>} : memref<200x128xf32, #tpu.memory_space<vmem>>, vector<16xf32>,
        %swap3A_700 = arith.constant 188 : i32
        %swap3A_701 = arith.index_cast %swap3A_700 : i32 to index
        %swap3A_702 = arith.constant 0 : index
        %swap3A_703 = tpu.vector_load %arg13[%swap3A_701, %swap3A_702] {strides = array<i32>} : memref<200x32xf32, #tpu.memory_space<vmem>>, vector<16xf32>,
        tpu.vector_store %arg13[%swap3A_701, %swap3A_702], %get3A_699 {strides = array<i32>} : memref<200x32xf32, #tpu.memory_space<vmem>>, vector<16xf32>,
        %add3A_704 = arith.constant 16 : i32
        %add3A_705 = arith.addi %squeeze3A_695, %add3A_704 : i32
        %get3A_706 = arith.constant 188 : i32
        %get3A_707 = arith.index_cast %get3A_706 : i32 to index
        %get3A_708 = arith.index_cast %add3A_705 : i32 to index
        %get3A_709 = tpu.vector_load %arg11[%get3A_707, %get3A_708] {strides = array<i32>} : memref<200x128xf32, #tpu.memory_space<vmem>>, vector<16xf32>,
        %swap3A_710 = arith.constant 188 : i32
        %swap3A_711 = arith.index_cast %swap3A_710 : i32 to index
        %swap3A_712 = arith.constant 16 : index
        %swap3A_713 = tpu.vector_load %arg13[%swap3A_711, %swap3A_712] {strides = array<i32>} : memref<200x32xf32, #tpu.memory_space<vmem>>, vector<16xf32>,
        tpu.vector_store %arg13[%swap3A_711, %swap3A_712], %get3A_709 {strides = array<i32>} : memref<200x32xf32, #tpu.memory_space<vmem>>, vector<16xf32>,
        %slice3A_714 = vector.extract_strided_slice %get3A_613 {offsets = [5], sizes = [1], strides = [1]} : vector<16xi32> to vector<1xi32>
        %squeeze3A_715 = vector.extract %slice3A_714[0] : i32 from vector<1xi32>
        %get3A_716 = arith.constant 189 : i32
        %get3A_717 = arith.index_cast %get3A_716 : i32 to index
        %get3A_718 = arith.index_cast %squeeze3A_715 : i32 to index
        %get3A_719 = tpu.vector_load %arg11[%get3A_717, %get3A_718] {strides = array<i32>} : memref<200x128xf32, #tpu.memory_space<vmem>>, vector<16xf32>,
        %swap3A_720 = arith.constant 189 : i32
        %swap3A_721 = arith.index_cast %swap3A_720 : i32 to index
        %swap3A_722 = arith.constant 0 : index
        %swap3A_723 = tpu.vector_load %arg13[%swap3A_721, %swap3A_722] {strides = array<i32>} : memref<200x32xf32, #tpu.memory_space<vmem>>, vector<16xf32>,
        tpu.vector_store %arg13[%swap3A_721, %swap3A_722], %get3A_719 {strides = array<i32>} : memref<200x32xf32, #tpu.memory_space<vmem>>, vector<16xf32>,
        %add3A_724 = arith.constant 16 : i32
        %add3A_725 = arith.addi %squeeze3A_715, %add3A_724 : i32
        %get3A_726 = arith.constant 189 : i32
        %get3A_727 = arith.index_cast %get3A_726 : i32 to index
        %get3A_728 = arith.index_cast %add3A_725 : i32 to index
        %get3A_729 = tpu.vector_load %arg11[%get3A_727, %get3A_728] {strides = array<i32>} : memref<200x128xf32, #tpu.memory_space<vmem>>, vector<16xf32>,
        %swap3A_730 = arith.constant 189 : i32
        %swap3A_731 = arith.index_cast %swap3A_730 : i32 to index
        %swap3A_732 = arith.constant 16 : index
        %swap3A_733 = tpu.vector_load %arg13[%swap3A_731, %swap3A_732] {strides = array<i32>} : memref<200x32xf32, #tpu.memory_space<vmem>>, vector<16xf32>,
        tpu.vector_store %arg13[%swap3A_731, %swap3A_732], %get3A_729 {strides = array<i32>} : memref<200x32xf32, #tpu.memory_space<vmem>>, vector<16xf32>,
        %slice3A_734 = vector.extract_strided_slice %get3A_613 {offsets = [6], sizes = [1], strides = [1]} : vector<16xi32> to vector<1xi32>
        %squeeze3A_735 = vector.extract %slice3A_734[0] : i32 from vector<1xi32>
        %get3A_736 = arith.constant 190 : i32
        %get3A_737 = arith.index_cast %get3A_736 : i32 to index
        %get3A_738 = arith.index_cast %squeeze3A_735 : i32 to index
        %get3A_739 = tpu.vector_load %arg11[%get3A_737, %get3A_738] {strides = array<i32>} : memref<200x128xf32, #tpu.memory_space<vmem>>, vector<16xf32>,
        %swap3A_740 = arith.constant 190 : i32
        %swap3A_741 = arith.index_cast %swap3A_740 : i32 to index
        %swap3A_742 = arith.constant 0 : index
        %swap3A_743 = tpu.vector_load %arg13[%swap3A_741, %swap3A_742] {strides = array<i32>} : memref<200x32xf32, #tpu.memory_space<vmem>>, vector<16xf32>,
        tpu.vector_store %arg13[%swap3A_741, %swap3A_742], %get3A_739 {strides = array<i32>} : memref<200x32xf32, #tpu.memory_space<vmem>>, vector<16xf32>,
        %add3A_744 = arith.constant 16 : i32
        %add3A_745 = arith.addi %squeeze3A_735, %add3A_744 : i32
        %get3A_746 = arith.constant 190 : i32
        %get3A_747 = arith.index_cast %get3A_746 : i32 to index
        %get3A_748 = arith.index_cast %add3A_745 : i32 to index
        %get3A_749 = tpu.vector_load %arg11[%get3A_747, %get3A_748] {strides = array<i32>} : memref<200x128xf32, #tpu.memory_space<vmem>>, vector<16xf32>,
        %swap3A_750 = arith.constant 190 : i32
        %swap3A_751 = arith.index_cast %swap3A_750 : i32 to index
        %swap3A_752 = arith.constant 16 : index
        %swap3A_753 = tpu.vector_load %arg13[%swap3A_751, %swap3A_752] {strides = array<i32>} : memref<200x32xf32, #tpu.memory_space<vmem>>, vector<16xf32>,
        tpu.vector_store %arg13[%swap3A_751, %swap3A_752], %get3A_749 {strides = array<i32>} : memref<200x32xf32, #tpu.memory_space<vmem>>, vector<16xf32>,
        %slice3A_754 = vector.extract_strided_slice %get3A_613 {offsets = [7], sizes = [1], strides = [1]} : vector<16xi32> to vector<1xi32>
        %squeeze3A_755 = vector.extract %slice3A_754[0] : i32 from vector<1xi32>
        %get3A_756 = arith.constant 191 : i32
        %get3A_757 = arith.index_cast %get3A_756 : i32 to index
        %get3A_758 = arith.index_cast %squeeze3A_755 : i32 to index
        %get3A_759 = tpu.vector_load %arg11[%get3A_757, %get3A_758] {strides = array<i32>} : memref<200x128xf32, #tpu.memory_space<vmem>>, vector<16xf32>,
        %swap3A_760 = arith.constant 191 : i32
        %swap3A_761 = arith.index_cast %swap3A_760 : i32 to index
        %swap3A_762 = arith.constant 0 : index
        %swap3A_763 = tpu.vector_load %arg13[%swap3A_761, %swap3A_762] {strides = array<i32>} : memref<200x32xf32, #tpu.memory_space<vmem>>, vector<16xf32>,
        tpu.vector_store %arg13[%swap3A_761, %swap3A_762], %get3A_759 {strides = array<i32>} : memref<200x32xf32, #tpu.memory_space<vmem>>, vector<16xf32>,
        %add3A_764 = arith.constant 16 : i32
        %add3A_765 = arith.addi %squeeze3A_755, %add3A_764 : i32
        %get3A_766 = arith.constant 191 : i32
        %get3A_767 = arith.index_cast %get3A_766 : i32 to index
        %get3A_768 = arith.index_cast %add3A_765 : i32 to index
        %get3A_769 = tpu.vector_load %arg11[%get3A_767, %get3A_768] {strides = array<i32>} : memref<200x128xf32, #tpu.memory_space<vmem>>, vector<16xf32>,
        %swap3A_770 = arith.constant 191 : i32
        %swap3A_771 = arith.index_cast %swap3A_770 : i32 to index
        %swap3A_772 = arith.constant 16 : index
        %swap3A_773 = tpu.vector_load %arg13[%swap3A_771, %swap3A_772] {strides = array<i32>} : memref<200x32xf32, #tpu.memory_space<vmem>>, vector<16xf32>,
        tpu.vector_store %arg13[%swap3A_771, %swap3A_772], %get3A_769 {strides = array<i32>} : memref<200x32xf32, #tpu.memory_space<vmem>>, vector<16xf32>,
        %slice3A_774 = vector.extract_strided_slice %get3A_613 {offsets = [8], sizes = [1], strides = [1]} : vector<16xi32> to vector<1xi32>
        %squeeze3A_775 = vector.extract %slice3A_774[0] : i32 from vector<1xi32>
        %get3A_776 = arith.constant 192 : i32
        %get3A_777 = arith.index_cast %get3A_776 : i32 to index
        %get3A_778 = arith.index_cast %squeeze3A_775 : i32 to index
        %get3A_779 = tpu.vector_load %arg11[%get3A_777, %get3A_778] {strides = array<i32>} : memref<200x128xf32, #tpu.memory_space<vmem>>, vector<16xf32>,
        %swap3A_780 = arith.constant 192 : i32
        %swap3A_781 = arith.index_cast %swap3A_780 : i32 to index
        %swap3A_782 = arith.constant 0 : index
        %swap3A_783 = tpu.vector_load %arg13[%swap3A_781, %swap3A_782] {strides = array<i32>} : memref<200x32xf32, #tpu.memory_space<vmem>>, vector<16xf32>,
        tpu.vector_store %arg13[%swap3A_781, %swap3A_782], %get3A_779 {strides = array<i32>} : memref<200x32xf32, #tpu.memory_space<vmem>>, vector<16xf32>,
        %add3A_784 = arith.constant 16 : i32
        %add3A_785 = arith.addi %squeeze3A_775, %add3A_784 : i32
        %get3A_786 = arith.constant 192 : i32
        %get3A_787 = arith.index_cast %get3A_786 : i32 to index
        %get3A_788 = arith.index_cast %add3A_785 : i32 to index
        %get3A_789 = tpu.vector_load %arg11[%get3A_787, %get3A_788] {strides = array<i32>} : memref<200x128xf32, #tpu.memory_space<vmem>>, vector<16xf32>,
        %swap3A_790 = arith.constant 192 : i32
        %swap3A_791 = arith.index_cast %swap3A_790 : i32 to index
        %swap3A_792 = arith.constant 16 : index
        %swap3A_793 = tpu.vector_load %arg13[%swap3A_791, %swap3A_792] {strides = array<i32>} : memref<200x32xf32, #tpu.memory_space<vmem>>, vector<16xf32>,
        tpu.vector_store %arg13[%swap3A_791, %swap3A_792], %get3A_789 {strides = array<i32>} : memref<200x32xf32, #tpu.memory_space<vmem>>, vector<16xf32>,
        %slice3A_794 = vector.extract_strided_slice %get3A_613 {offsets = [9], sizes = [1], strides = [1]} : vector<16xi32> to vector<1xi32>
        %squeeze3A_795 = vector.extract %slice3A_794[0] : i32 from vector<1xi32>
        %get3A_796 = arith.constant 193 : i32
        %get3A_797 = arith.index_cast %get3A_796 : i32 to index
        %get3A_798 = arith.index_cast %squeeze3A_795 : i32 to index
        %get3A_799 = tpu.vector_load %arg11[%get3A_797, %get3A_798] {strides = array<i32>} : memref<200x128xf32, #tpu.memory_space<vmem>>, vector<16xf32>,
        %swap3A_800 = arith.constant 193 : i32
        %swap3A_801 = arith.index_cast %swap3A_800 : i32 to index
        %swap3A_802 = arith.constant 0 : index
        %swap3A_803 = tpu.vector_load %arg13[%swap3A_801, %swap3A_802] {strides = array<i32>} : memref<200x32xf32, #tpu.memory_space<vmem>>, vector<16xf32>,
        tpu.vector_store %arg13[%swap3A_801, %swap3A_802], %get3A_799 {strides = array<i32>} : memref<200x32xf32, #tpu.memory_space<vmem>>, vector<16xf32>,
        %add3A_804 = arith.constant 16 : i32
        %add3A_805 = arith.addi %squeeze3A_795, %add3A_804 : i32
        %get3A_806 = arith.constant 193 : i32
        %get3A_807 = arith.index_cast %get3A_806 : i32 to index
        %get3A_808 = arith.index_cast %add3A_805 : i32 to index
        %get3A_809 = tpu.vector_load %arg11[%get3A_807, %get3A_808] {strides = array<i32>} : memref<200x128xf32, #tpu.memory_space<vmem>>, vector<16xf32>,
        %swap3A_810 = arith.constant 193 : i32
        %swap3A_811 = arith.index_cast %swap3A_810 : i32 to index
        %swap3A_812 = arith.constant 16 : index
        %swap3A_813 = tpu.vector_load %arg13[%swap3A_811, %swap3A_812] {strides = array<i32>} : memref<200x32xf32, #tpu.memory_space<vmem>>, vector<16xf32>,
        tpu.vector_store %arg13[%swap3A_811, %swap3A_812], %get3A_809 {strides = array<i32>} : memref<200x32xf32, #tpu.memory_space<vmem>>, vector<16xf32>,
        %slice3A_814 = vector.extract_strided_slice %get3A_613 {offsets = [10], sizes = [1], strides = [1]} : vector<16xi32> to vector<1xi32>
        %squeeze3A_815 = vector.extract %slice3A_814[0] : i32 from vector<1xi32>
        %get3A_816 = arith.constant 194 : i32
        %get3A_817 = arith.index_cast %get3A_816 : i32 to index
        %get3A_818 = arith.index_cast %squeeze3A_815 : i32 to index
        %get3A_819 = tpu.vector_load %arg11[%get3A_817, %get3A_818] {strides = array<i32>} : memref<200x128xf32, #tpu.memory_space<vmem>>, vector<16xf32>,
        %swap3A_820 = arith.constant 194 : i32
        %swap3A_821 = arith.index_cast %swap3A_820 : i32 to index
        %swap3A_822 = arith.constant 0 : index
        %swap3A_823 = tpu.vector_load %arg13[%swap3A_821, %swap3A_822] {strides = array<i32>} : memref<200x32xf32, #tpu.memory_space<vmem>>, vector<16xf32>,
        tpu.vector_store %arg13[%swap3A_821, %swap3A_822], %get3A_819 {strides = array<i32>} : memref<200x32xf32, #tpu.memory_space<vmem>>, vector<16xf32>,
        %add3A_824 = arith.constant 16 : i32
        %add3A_825 = arith.addi %squeeze3A_815, %add3A_824 : i32
        %get3A_826 = arith.constant 194 : i32
        %get3A_827 = arith.index_cast %get3A_826 : i32 to index
        %get3A_828 = arith.index_cast %add3A_825 : i32 to index
        %get3A_829 = tpu.vector_load %arg11[%get3A_827, %get3A_828] {strides = array<i32>} : memref<200x128xf32, #tpu.memory_space<vmem>>, vector<16xf32>,
        %swap3A_830 = arith.constant 194 : i32
        %swap3A_831 = arith.index_cast %swap3A_830 : i32 to index
        %swap3A_832 = arith.constant 16 : index
        %swap3A_833 = tpu.vector_load %arg13[%swap3A_831, %swap3A_832] {strides = array<i32>} : memref<200x32xf32, #tpu.memory_space<vmem>>, vector<16xf32>,
        tpu.vector_store %arg13[%swap3A_831, %swap3A_832], %get3A_829 {strides = array<i32>} : memref<200x32xf32, #tpu.memory_space<vmem>>, vector<16xf32>,
        %slice3A_834 = vector.extract_strided_slice %get3A_613 {offsets = [11], sizes = [1], strides = [1]} : vector<16xi32> to vector<1xi32>
        %squeeze3A_835 = vector.extract %slice3A_834[0] : i32 from vector<1xi32>
        %get3A_836 = arith.constant 195 : i32
        %get3A_837 = arith.index_cast %get3A_836 : i32 to index
        %get3A_838 = arith.index_cast %squeeze3A_835 : i32 to index
        %get3A_839 = tpu.vector_load %arg11[%get3A_837, %get3A_838] {strides = array<i32>} : memref<200x128xf32, #tpu.memory_space<vmem>>, vector<16xf32>,
        %swap3A_840 = arith.constant 195 : i32
        %swap3A_841 = arith.index_cast %swap3A_840 : i32 to index
        %swap3A_842 = arith.constant 0 : index
        %swap3A_843 = tpu.vector_load %arg13[%swap3A_841, %swap3A_842] {strides = array<i32>} : memref<200x32xf32, #tpu.memory_space<vmem>>, vector<16xf32>,
        tpu.vector_store %arg13[%swap3A_841, %swap3A_842], %get3A_839 {strides = array<i32>} : memref<200x32xf32, #tpu.memory_space<vmem>>, vector<16xf32>,
        %add3A_844 = arith.constant 16 : i32
        %add3A_845 = arith.addi %squeeze3A_835, %add3A_844 : i32
        %get3A_846 = arith.constant 195 : i32
        %get3A_847 = arith.index_cast %get3A_846 : i32 to index
        %get3A_848 = arith.index_cast %add3A_845 : i32 to index
        %get3A_849 = tpu.vector_load %arg11[%get3A_847, %get3A_848] {strides = array<i32>} : memref<200x128xf32, #tpu.memory_space<vmem>>, vector<16xf32>,
        %swap3A_850 = arith.constant 195 : i32
        %swap3A_851 = arith.index_cast %swap3A_850 : i32 to index
        %swap3A_852 = arith.constant 16 : index
        %swap3A_853 = tpu.vector_load %arg13[%swap3A_851, %swap3A_852] {strides = array<i32>} : memref<200x32xf32, #tpu.memory_space<vmem>>, vector<16xf32>,
        tpu.vector_store %arg13[%swap3A_851, %swap3A_852], %get3A_849 {strides = array<i32>} : memref<200x32xf32, #tpu.memory_space<vmem>>, vector<16xf32>,
        %slice3A_854 = vector.extract_strided_slice %get3A_613 {offsets = [12], sizes = [1], strides = [1]} : vector<16xi32> to vector<1xi32>
        %squeeze3A_855 = vector.extract %slice3A_854[0] : i32 from vector<1xi32>
        %get3A_856 = arith.constant 196 : i32
        %get3A_857 = arith.index_cast %get3A_856 : i32 to index
        %get3A_858 = arith.index_cast %squeeze3A_855 : i32 to index
        %get3A_859 = tpu.vector_load %arg11[%get3A_857, %get3A_858] {strides = array<i32>} : memref<200x128xf32, #tpu.memory_space<vmem>>, vector<16xf32>,
        %swap3A_860 = arith.constant 196 : i32
        %swap3A_861 = arith.index_cast %swap3A_860 : i32 to index
        %swap3A_862 = arith.constant 0 : index
        %swap3A_863 = tpu.vector_load %arg13[%swap3A_861, %swap3A_862] {strides = array<i32>} : memref<200x32xf32, #tpu.memory_space<vmem>>, vector<16xf32>,
        tpu.vector_store %arg13[%swap3A_861, %swap3A_862], %get3A_859 {strides = array<i32>} : memref<200x32xf32, #tpu.memory_space<vmem>>, vector<16xf32>,
        %add3A_864 = arith.constant 16 : i32
        %add3A_865 = arith.addi %squeeze3A_855, %add3A_864 : i32
        %get3A_866 = arith.constant 196 : i32
        %get3A_867 = arith.index_cast %get3A_866 : i32 to index
        %get3A_868 = arith.index_cast %add3A_865 : i32 to index
        %get3A_869 = tpu.vector_load %arg11[%get3A_867, %get3A_868] {strides = array<i32>} : memref<200x128xf32, #tpu.memory_space<vmem>>, vector<16xf32>,
        %swap3A_870 = arith.constant 196 : i32
        %swap3A_871 = arith.index_cast %swap3A_870 : i32 to index
        %swap3A_872 = arith.constant 16 : index
        %swap3A_873 = tpu.vector_load %arg13[%swap3A_871, %swap3A_872] {strides = array<i32>} : memref<200x32xf32, #tpu.memory_space<vmem>>, vector<16xf32>,
        tpu.vector_store %arg13[%swap3A_871, %swap3A_872], %get3A_869 {strides = array<i32>} : memref<200x32xf32, #tpu.memory_space<vmem>>, vector<16xf32>,
        %slice3A_874 = vector.extract_strided_slice %get3A_613 {offsets = [13], sizes = [1], strides = [1]} : vector<16xi32> to vector<1xi32>
        %squeeze3A_875 = vector.extract %slice3A_874[0] : i32 from vector<1xi32>
        %get3A_876 = arith.constant 197 : i32
        %get3A_877 = arith.index_cast %get3A_876 : i32 to index
        %get3A_878 = arith.index_cast %squeeze3A_875 : i32 to index
        %get3A_879 = tpu.vector_load %arg11[%get3A_877, %get3A_878] {strides = array<i32>} : memref<200x128xf32, #tpu.memory_space<vmem>>, vector<16xf32>,
        %swap3A_880 = arith.constant 197 : i32
        %swap3A_881 = arith.index_cast %swap3A_880 : i32 to index
        %swap3A_882 = arith.constant 0 : index
        %swap3A_883 = tpu.vector_load %arg13[%swap3A_881, %swap3A_882] {strides = array<i32>} : memref<200x32xf32, #tpu.memory_space<vmem>>, vector<16xf32>,
        tpu.vector_store %arg13[%swap3A_881, %swap3A_882], %get3A_879 {strides = array<i32>} : memref<200x32xf32, #tpu.memory_space<vmem>>, vector<16xf32>,
        %add3A_884 = arith.constant 16 : i32
        %add3A_885 = arith.addi %squeeze3A_875, %add3A_884 : i32
        %get3A_886 = arith.constant 197 : i32
        %get3A_887 = arith.index_cast %get3A_886 : i32 to index
        %get3A_888 = arith.index_cast %add3A_885 : i32 to index
        %get3A_889 = tpu.vector_load %arg11[%get3A_887, %get3A_888] {strides = array<i32>} : memref<200x128xf32, #tpu.memory_space<vmem>>, vector<16xf32>,
        %swap3A_890 = arith.constant 197 : i32
        %swap3A_891 = arith.index_cast %swap3A_890 : i32 to index
        %swap3A_892 = arith.constant 16 : index
        %swap3A_893 = tpu.vector_load %arg13[%swap3A_891, %swap3A_892] {strides = array<i32>} : memref<200x32xf32, #tpu.memory_space<vmem>>, vector<16xf32>,
        tpu.vector_store %arg13[%swap3A_891, %swap3A_892], %get3A_889 {strides = array<i32>} : memref<200x32xf32, #tpu.memory_space<vmem>>, vector<16xf32>,
        %slice3A_894 = vector.extract_strided_slice %get3A_613 {offsets = [14], sizes = [1], strides = [1]} : vector<16xi32> to vector<1xi32>
        %squeeze3A_895 = vector.extract %slice3A_894[0] : i32 from vector<1xi32>
        %get3A_896 = arith.constant 198 : i32
        %get3A_897 = arith.index_cast %get3A_896 : i32 to index
        %get3A_898 = arith.index_cast %squeeze3A_895 : i32 to index
        %get3A_899 = tpu.vector_load %arg11[%get3A_897, %get3A_898] {strides = array<i32>} : memref<200x128xf32, #tpu.memory_space<vmem>>, vector<16xf32>,
        %swap3A_900 = arith.constant 198 : i32
        %swap3A_901 = arith.index_cast %swap3A_900 : i32 to index
        %swap3A_902 = arith.constant 0 : index
        %swap3A_903 = tpu.vector_load %arg13[%swap3A_901, %swap3A_902] {strides = array<i32>} : memref<200x32xf32, #tpu.memory_space<vmem>>, vector<16xf32>,
        tpu.vector_store %arg13[%swap3A_901, %swap3A_902], %get3A_899 {strides = array<i32>} : memref<200x32xf32, #tpu.memory_space<vmem>>, vector<16xf32>,
        %add3A_904 = arith.constant 16 : i32
        %add3A_905 = arith.addi %squeeze3A_895, %add3A_904 : i32
        %get3A_906 = arith.constant 198 : i32
        %get3A_907 = arith.index_cast %get3A_906 : i32 to index
        %get3A_908 = arith.index_cast %add3A_905 : i32 to index
        %get3A_909 = tpu.vector_load %arg11[%get3A_907, %get3A_908] {strides = array<i32>} : memref<200x128xf32, #tpu.memory_space<vmem>>, vector<16xf32>,
        %swap3A_910 = arith.constant 198 : i32
        %swap3A_911 = arith.index_cast %swap3A_910 : i32 to index
        %swap3A_912 = arith.constant 16 : index
        %swap3A_913 = tpu.vector_load %arg13[%swap3A_911, %swap3A_912] {strides = array<i32>} : memref<200x32xf32, #tpu.memory_space<vmem>>, vector<16xf32>,
        tpu.vector_store %arg13[%swap3A_911, %swap3A_912], %get3A_909 {strides = array<i32>} : memref<200x32xf32, #tpu.memory_space<vmem>>, vector<16xf32>,
        %slice3A_914 = vector.extract_strided_slice %get3A_613 {offsets = [15], sizes = [1], strides = [1]} : vector<16xi32> to vector<1xi32>
        %squeeze3A_915 = vector.extract %slice3A_914[0] : i32 from vector<1xi32>
        %get3A_916 = arith.constant 199 : i32
        %get3A_917 = arith.index_cast %get3A_916 : i32 to index
        %get3A_918 = arith.index_cast %squeeze3A_915 : i32 to index
        %get3A_919 = tpu.vector_load %arg11[%get3A_917, %get3A_918] {strides = array<i32>} : memref<200x128xf32, #tpu.memory_space<vmem>>, vector<16xf32>,
        %swap3A_920 = arith.constant 199 : i32
        %swap3A_921 = arith.index_cast %swap3A_920 : i32 to index
        %swap3A_922 = arith.constant 0 : index
        %swap3A_923 = tpu.vector_load %arg13[%swap3A_921, %swap3A_922] {strides = array<i32>} : memref<200x32xf32, #tpu.memory_space<vmem>>, vector<16xf32>,
        tpu.vector_store %arg13[%swap3A_921, %swap3A_922], %get3A_919 {strides = array<i32>} : memref<200x32xf32, #tpu.memory_space<vmem>>, vector<16xf32>,
        %add3A_924 = arith.constant 16 : i32
        %add3A_925 = arith.addi %squeeze3A_915, %add3A_924 : i32
        %get3A_926 = arith.constant 199 : i32
        %get3A_927 = arith.index_cast %get3A_926 : i32 to index
        %get3A_928 = arith.index_cast %add3A_925 : i32 to index
        %get3A_929 = tpu.vector_load %arg11[%get3A_927, %get3A_928] {strides = array<i32>} : memref<200x128xf32, #tpu.memory_space<vmem>>, vector<16xf32>,
        %swap3A_930 = arith.constant 199 : i32
        %swap3A_931 = arith.index_cast %swap3A_930 : i32 to index
        %swap3A_932 = arith.constant 16 : index
        %swap3A_933 = tpu.vector_load %arg13[%swap3A_931, %swap3A_932] {strides = array<i32>} : memref<200x32xf32, #tpu.memory_space<vmem>>, vector<16xf32>,
        tpu.vector_store %arg13[%swap3A_931, %swap3A_932], %get3A_929 {strides = array<i32>} : memref<200x32xf32, #tpu.memory_space<vmem>>, vector<16xf32>,
        %mul3A_934 = arith.constant 16 : i32
        %mul3A_935 = arith.muli %add3A_142, %mul3A_934 : i32
        %add3A_936 = arith.addi %mul3A_935, %add3A_588 : i32
        %mul3A_937 = arith.constant 4 : i32
        %mul3A_938 = arith.muli %add3A_936, %mul3A_937 : i32
        %add3A_939 = arith.addi %mul3A_2, %mul3A_938 : i32
        %add3A_940 = arith.constant 0 : i32
        %add3A_941 = arith.addi %add3A_939, %add3A_940 : i32
        %add3A_942 = arith.constant 1 : i32
        %add3A_943 = arith.addi %add3A_939, %add3A_942 : i32
        %add3A_944 = arith.constant 2 : i32
        %add3A_945 = arith.addi %add3A_939, %add3A_944 : i32
        %add3A_946 = arith.constant 3 : i32
        %add3A_947 = arith.addi %add3A_939, %add3A_946 : i32
        %dma_start3A_948 = arith.constant 0 : i32
        %dma_start3A_949 = arith.constant 0 : i32
        %dma_start3A_950 = tpu.memref_slice %arg13[%dma_start3A_948, %dma_start3A_949] : memref<200x32xf32, #tpu.memory_space<vmem>> -> memref<50x32xf32, #tpu.memory_space<vmem>>
        %dma_start3A_951 = arith.constant 0 : i32
        %dma_start3A_952 = arith.constant 0 : i32
        %dma_start3A_953 = tpu.memref_slice %arg5[%add3A_941, %dma_start3A_951, %dma_start3A_952] : memref<16384x50x32xf32, #tpu.memory_space<hbm>> -> memref<1x50x32xf32, #tpu.memory_space<hbm>>
        %dma_start3A_954 = tpu.memref_squeeze %dma_start3A_953 : memref<1x50x32xf32, #tpu.memory_space<hbm>> -> memref<50x32xf32, #tpu.memory_space<hbm>>
        %dma_start3A_955 = arith.constant 0 : i32
        %dma_start3A_956 = arith.constant 0 : i32
        %dma_start3A_957 = tpu.memref_slice %arg5[%add3A_941, %dma_start3A_955, %dma_start3A_956] : memref<16384x50x32xf32, #tpu.memory_space<hbm>> -> memref<1x50x32xf32, #tpu.memory_space<hbm>>
        %dma_start3A_958 = tpu.memref_squeeze %dma_start3A_957 : memref<1x50x32xf32, #tpu.memory_space<hbm>> -> memref<50x32xf32, #tpu.memory_space<hbm>>
        %dma_start3A_959 = arith.constant 0 : i32
        %dma_start3A_960 = arith.constant 0 : i32
        %dma_start3A_961 = tpu.memref_slice %arg13[%dma_start3A_959, %dma_start3A_960] : memref<200x32xf32, #tpu.memory_space<vmem>> -> memref<50x32xf32, #tpu.memory_space<vmem>>
        tpu.enqueue_dma source(%dma_start3A_961 : memref<50x32xf32, #tpu.memory_space<vmem>>) target(%dma_start3A_958 : memref<50x32xf32, #tpu.memory_space<hbm>>) target_semaphore(%arg17 : memref<!tpu.dma_semaphore, #tpu.memory_space<semaphore_mem>>)
        %dma_start3A_962 = arith.constant 50 : i32
        %dma_start3A_963 = arith.constant 0 : i32
        %dma_start3A_964 = tpu.memref_slice %arg13[%dma_start3A_962, %dma_start3A_963] : memref<200x32xf32, #tpu.memory_space<vmem>> -> memref<50x32xf32, #tpu.memory_space<vmem>>
        %dma_start3A_965 = arith.constant 0 : i32
        %dma_start3A_966 = arith.constant 0 : i32
        %dma_start3A_967 = tpu.memref_slice %arg5[%add3A_943, %dma_start3A_965, %dma_start3A_966] : memref<16384x50x32xf32, #tpu.memory_space<hbm>> -> memref<1x50x32xf32, #tpu.memory_space<hbm>>
        %dma_start3A_968 = tpu.memref_squeeze %dma_start3A_967 : memref<1x50x32xf32, #tpu.memory_space<hbm>> -> memref<50x32xf32, #tpu.memory_space<hbm>>
        %dma_start3A_969 = arith.constant 0 : i32
        %dma_start3A_970 = arith.constant 0 : i32
        %dma_start3A_971 = tpu.memref_slice %arg5[%add3A_943, %dma_start3A_969, %dma_start3A_970] : memref<16384x50x32xf32, #tpu.memory_space<hbm>> -> memref<1x50x32xf32, #tpu.memory_space<hbm>>
        %dma_start3A_972 = tpu.memref_squeeze %dma_start3A_971 : memref<1x50x32xf32, #tpu.memory_space<hbm>> -> memref<50x32xf32, #tpu.memory_space<hbm>>
        %dma_start3A_973 = arith.constant 50 : i32
        %dma_start3A_974 = arith.constant 0 : i32
        %dma_start3A_975 = tpu.memref_slice %arg13[%dma_start3A_973, %dma_start3A_974] : memref<200x32xf32, #tpu.memory_space<vmem>> -> memref<50x32xf32, #tpu.memory_space<vmem>>
        tpu.enqueue_dma source(%dma_start3A_975 : memref<50x32xf32, #tpu.memory_space<vmem>>) target(%dma_start3A_972 : memref<50x32xf32, #tpu.memory_space<hbm>>) target_semaphore(%arg17 : memref<!tpu.dma_semaphore, #tpu.memory_space<semaphore_mem>>)
        %dma_start3A_976 = arith.constant 100 : i32
        %dma_start3A_977 = arith.constant 0 : i32
        %dma_start3A_978 = tpu.memref_slice %arg13[%dma_start3A_976, %dma_start3A_977] : memref<200x32xf32, #tpu.memory_space<vmem>> -> memref<50x32xf32, #tpu.memory_space<vmem>>
        %dma_start3A_979 = arith.constant 0 : i32
        %dma_start3A_980 = arith.constant 0 : i32
        %dma_start3A_981 = tpu.memref_slice %arg5[%add3A_945, %dma_start3A_979, %dma_start3A_980] : memref<16384x50x32xf32, #tpu.memory_space<hbm>> -> memref<1x50x32xf32, #tpu.memory_space<hbm>>
        %dma_start3A_982 = tpu.memref_squeeze %dma_start3A_981 : memref<1x50x32xf32, #tpu.memory_space<hbm>> -> memref<50x32xf32, #tpu.memory_space<hbm>>
        %dma_start3A_983 = arith.constant 0 : i32
        %dma_start3A_984 = arith.constant 0 : i32
        %dma_start3A_985 = tpu.memref_slice %arg5[%add3A_945, %dma_start3A_983, %dma_start3A_984] : memref<16384x50x32xf32, #tpu.memory_space<hbm>> -> memref<1x50x32xf32, #tpu.memory_space<hbm>>
        %dma_start3A_986 = tpu.memref_squeeze %dma_start3A_985 : memref<1x50x32xf32, #tpu.memory_space<hbm>> -> memref<50x32xf32, #tpu.memory_space<hbm>>
        %dma_start3A_987 = arith.constant 100 : i32
        %dma_start3A_988 = arith.constant 0 : i32
        %dma_start3A_989 = tpu.memref_slice %arg13[%dma_start3A_987, %dma_start3A_988] : memref<200x32xf32, #tpu.memory_space<vmem>> -> memref<50x32xf32, #tpu.memory_space<vmem>>
        tpu.enqueue_dma source(%dma_start3A_989 : memref<50x32xf32, #tpu.memory_space<vmem>>) target(%dma_start3A_986 : memref<50x32xf32, #tpu.memory_space<hbm>>) target_semaphore(%arg17 : memref<!tpu.dma_semaphore, #tpu.memory_space<semaphore_mem>>)
        %dma_start3A_990 = arith.constant 150 : i32
        %dma_start3A_991 = arith.constant 0 : i32
        %dma_start3A_992 = tpu.memref_slice %arg13[%dma_start3A_990, %dma_start3A_991] : memref<200x32xf32, #tpu.memory_space<vmem>> -> memref<50x32xf32, #tpu.memory_space<vmem>>
        %dma_start3A_993 = arith.constant 0 : i32
        %dma_start3A_994 = arith.constant 0 : i32
        %dma_start3A_995 = tpu.memref_slice %arg5[%add3A_947, %dma_start3A_993, %dma_start3A_994] : memref<16384x50x32xf32, #tpu.memory_space<hbm>> -> memref<1x50x32xf32, #tpu.memory_space<hbm>>
        %dma_start3A_996 = tpu.memref_squeeze %dma_start3A_995 : memref<1x50x32xf32, #tpu.memory_space<hbm>> -> memref<50x32xf32, #tpu.memory_space<hbm>>
        %dma_start3A_997 = arith.constant 0 : i32
        %dma_start3A_998 = arith.constant 0 : i32
        %dma_start3A_999 = tpu.memref_slice %arg5[%add3A_947, %dma_start3A_997, %dma_start3A_998] : memref<16384x50x32xf32, #tpu.memory_space<hbm>> -> memref<1x50x32xf32, #tpu.memory_space<hbm>>
        %dma_start3A_1000 = tpu.memref_squeeze %dma_start3A_999 : memref<1x50x32xf32, #tpu.memory_space<hbm>> -> memref<50x32xf32, #tpu.memory_space<hbm>>
        %dma_start3A_1001 = arith.constant 150 : i32
        %dma_start3A_1002 = arith.constant 0 : i32
        %dma_start3A_1003 = tpu.memref_slice %arg13[%dma_start3A_1001, %dma_start3A_1002] : memref<200x32xf32, #tpu.memory_space<vmem>> -> memref<50x32xf32, #tpu.memory_space<vmem>>
        tpu.enqueue_dma source(%dma_start3A_1003 : memref<50x32xf32, #tpu.memory_space<vmem>>) target(%dma_start3A_1000 : memref<50x32xf32, #tpu.memory_space<hbm>>) target_semaphore(%arg17 : memref<!tpu.dma_semaphore, #tpu.memory_space<semaphore_mem>>)
      }
      %scan3A_159 = arith.constant 8 : i32
    }
    %scan3A_6 = arith.constant 8 : i32
    %add3A_7 = arith.constant 0 : i32
    %add3A_8 = arith.addi %mul3A_2, %add3A_7 : i32
    %add3A_9 = arith.constant 0 : i32
    %add3A_10 = arith.addi %add3A_8, %add3A_9 : i32
    %add3A_11 = arith.constant 1 : i32
    %add3A_12 = arith.addi %add3A_8, %add3A_11 : i32
    %add3A_13 = arith.constant 2 : i32
    %add3A_14 = arith.addi %add3A_8, %add3A_13 : i32
    %add3A_15 = arith.constant 3 : i32
    %add3A_16 = arith.addi %add3A_8, %add3A_15 : i32
    %dma_wait3A = arith.constant 0 : i32
    %dma_wait3A_17 = arith.constant 0 : i32
    %dma_wait3A_18 = tpu.memref_slice %arg12[%dma_wait3A, %dma_wait3A_17] : memref<200x32xf32, #tpu.memory_space<vmem>> -> memref<50x32xf32, #tpu.memory_space<vmem>>
    %dma_wait3A_19 = arith.constant 0 : i32
    %dma_wait3A_20 = arith.constant 0 : i32
    %dma_wait3A_21 = tpu.memref_slice %arg5[%add3A_10, %dma_wait3A_19, %dma_wait3A_20] : memref<16384x50x32xf32, #tpu.memory_space<hbm>> -> memref<1x50x32xf32, #tpu.memory_space<hbm>>
    %dma_wait3A_22 = tpu.memref_squeeze %dma_wait3A_21 : memref<1x50x32xf32, #tpu.memory_space<hbm>> -> memref<50x32xf32, #tpu.memory_space<hbm>>
    %dma_wait3A_23 = arith.constant 0 : i32
    %dma_wait3A_24 = arith.constant 0 : i32
    %dma_wait3A_25 = tpu.memref_slice %arg5[%add3A_10, %dma_wait3A_23, %dma_wait3A_24] : memref<16384x50x32xf32, #tpu.memory_space<hbm>> -> memref<1x50x32xf32, #tpu.memory_space<hbm>>
    %dma_wait3A_26 = tpu.memref_squeeze %dma_wait3A_25 : memref<1x50x32xf32, #tpu.memory_space<hbm>> -> memref<50x32xf32, #tpu.memory_space<hbm>>
    %dma_wait3A_27 = arith.constant 0 : i32
    %dma_wait3A_28 = arith.constant 0 : i32
    %dma_wait3A_29 = tpu.memref_slice %arg12[%dma_wait3A_27, %dma_wait3A_28] : memref<200x32xf32, #tpu.memory_space<vmem>> -> memref<50x32xf32, #tpu.memory_space<vmem>>
    tpu.wait_dma2 semaphore(%arg16 : memref<!tpu.dma_semaphore, #tpu.memory_space<semaphore_mem>>) src(%dma_wait3A_29 : memref<50x32xf32, #tpu.memory_space<vmem>>) dst(%dma_wait3A_26 : memref<50x32xf32, #tpu.memory_space<hbm>>)
    %dma_wait3A_30 = arith.constant 50 : i32
    %dma_wait3A_31 = arith.constant 0 : i32
    %dma_wait3A_32 = tpu.memref_slice %arg12[%dma_wait3A_30, %dma_wait3A_31] : memref<200x32xf32, #tpu.memory_space<vmem>> -> memref<50x32xf32, #tpu.memory_space<vmem>>
    %dma_wait3A_33 = arith.constant 0 : i32
    %dma_wait3A_34 = arith.constant 0 : i32
    %dma_wait3A_35 = tpu.memref_slice %arg5[%add3A_12, %dma_wait3A_33, %dma_wait3A_34] : memref<16384x50x32xf32, #tpu.memory_space<hbm>> -> memref<1x50x32xf32, #tpu.memory_space<hbm>>
    %dma_wait3A_36 = tpu.memref_squeeze %dma_wait3A_35 : memref<1x50x32xf32, #tpu.memory_space<hbm>> -> memref<50x32xf32, #tpu.memory_space<hbm>>
    %dma_wait3A_37 = arith.constant 0 : i32
    %dma_wait3A_38 = arith.constant 0 : i32
    %dma_wait3A_39 = tpu.memref_slice %arg5[%add3A_12, %dma_wait3A_37, %dma_wait3A_38] : memref<16384x50x32xf32, #tpu.memory_space<hbm>> -> memref<1x50x32xf32, #tpu.memory_space<hbm>>
    %dma_wait3A_40 = tpu.memref_squeeze %dma_wait3A_39 : memref<1x50x32xf32, #tpu.memory_space<hbm>> -> memref<50x32xf32, #tpu.memory_space<hbm>>
    %dma_wait3A_41 = arith.constant 50 : i32
    %dma_wait3A_42 = arith.constant 0 : i32
    %dma_wait3A_43 = tpu.memref_slice %arg12[%dma_wait3A_41, %dma_wait3A_42] : memref<200x32xf32, #tpu.memory_space<vmem>> -> memref<50x32xf32, #tpu.memory_space<vmem>>
    tpu.wait_dma2 semaphore(%arg16 : memref<!tpu.dma_semaphore, #tpu.memory_space<semaphore_mem>>) src(%dma_wait3A_43 : memref<50x32xf32, #tpu.memory_space<vmem>>) dst(%dma_wait3A_40 : memref<50x32xf32, #tpu.memory_space<hbm>>)
    %dma_wait3A_44 = arith.constant 100 : i32
    %dma_wait3A_45 = arith.constant 0 : i32
    %dma_wait3A_46 = tpu.memref_slice %arg12[%dma_wait3A_44, %dma_wait3A_45] : memref<200x32xf32, #tpu.memory_space<vmem>> -> memref<50x32xf32, #tpu.memory_space<vmem>>
    %dma_wait3A_47 = arith.constant 0 : i32
    %dma_wait3A_48 = arith.constant 0 : i32
    %dma_wait3A_49 = tpu.memref_slice %arg5[%add3A_14, %dma_wait3A_47, %dma_wait3A_48] : memref<16384x50x32xf32, #tpu.memory_space<hbm>> -> memref<1x50x32xf32, #tpu.memory_space<hbm>>
    %dma_wait3A_50 = tpu.memref_squeeze %dma_wait3A_49 : memref<1x50x32xf32, #tpu.memory_space<hbm>> -> memref<50x32xf32, #tpu.memory_space<hbm>>
    %dma_wait3A_51 = arith.constant 0 : i32
    %dma_wait3A_52 = arith.constant 0 : i32
    %dma_wait3A_53 = tpu.memref_slice %arg5[%add3A_14, %dma_wait3A_51, %dma_wait3A_52] : memref<16384x50x32xf32, #tpu.memory_space<hbm>> -> memref<1x50x32xf32, #tpu.memory_space<hbm>>
    %dma_wait3A_54 = tpu.memref_squeeze %dma_wait3A_53 : memref<1x50x32xf32, #tpu.memory_space<hbm>> -> memref<50x32xf32, #tpu.memory_space<hbm>>
    %dma_wait3A_55 = arith.constant 100 : i32
    %dma_wait3A_56 = arith.constant 0 : i32
    %dma_wait3A_57 = tpu.memref_slice %arg12[%dma_wait3A_55, %dma_wait3A_56] : memref<200x32xf32, #tpu.memory_space<vmem>> -> memref<50x32xf32, #tpu.memory_space<vmem>>
    tpu.wait_dma2 semaphore(%arg16 : memref<!tpu.dma_semaphore, #tpu.memory_space<semaphore_mem>>) src(%dma_wait3A_57 : memref<50x32xf32, #tpu.memory_space<vmem>>) dst(%dma_wait3A_54 : memref<50x32xf32, #tpu.memory_space<hbm>>)
    %dma_wait3A_58 = arith.constant 150 : i32
    %dma_wait3A_59 = arith.constant 0 : i32
    %dma_wait3A_60 = tpu.memref_slice %arg12[%dma_wait3A_58, %dma_wait3A_59] : memref<200x32xf32, #tpu.memory_space<vmem>> -> memref<50x32xf32, #tpu.memory_space<vmem>>
    %dma_wait3A_61 = arith.constant 0 : i32
    %dma_wait3A_62 = arith.constant 0 : i32
    %dma_wait3A_63 = tpu.memref_slice %arg5[%add3A_16, %dma_wait3A_61, %dma_wait3A_62] : memref<16384x50x32xf32, #tpu.memory_space<hbm>> -> memref<1x50x32xf32, #tpu.memory_space<hbm>>
    %dma_wait3A_64 = tpu.memref_squeeze %dma_wait3A_63 : memref<1x50x32xf32, #tpu.memory_space<hbm>> -> memref<50x32xf32, #tpu.memory_space<hbm>>
    %dma_wait3A_65 = arith.constant 0 : i32
    %dma_wait3A_66 = arith.constant 0 : i32
    %dma_wait3A_67 = tpu.memref_slice %arg5[%add3A_16, %dma_wait3A_65, %dma_wait3A_66] : memref<16384x50x32xf32, #tpu.memory_space<hbm>> -> memref<1x50x32xf32, #tpu.memory_space<hbm>>
    %dma_wait3A_68 = tpu.memref_squeeze %dma_wait3A_67 : memref<1x50x32xf32, #tpu.memory_space<hbm>> -> memref<50x32xf32, #tpu.memory_space<hbm>>
    %dma_wait3A_69 = arith.constant 150 : i32
    %dma_wait3A_70 = arith.constant 0 : i32
    %dma_wait3A_71 = tpu.memref_slice %arg12[%dma_wait3A_69, %dma_wait3A_70] : memref<200x32xf32, #tpu.memory_space<vmem>> -> memref<50x32xf32, #tpu.memory_space<vmem>>
    tpu.wait_dma2 semaphore(%arg16 : memref<!tpu.dma_semaphore, #tpu.memory_space<semaphore_mem>>) src(%dma_wait3A_71 : memref<50x32xf32, #tpu.memory_space<vmem>>) dst(%dma_wait3A_68 : memref<50x32xf32, #tpu.memory_space<hbm>>)
    %add3A_72 = arith.constant 0 : i32
    %add3A_73 = arith.addi %mul3A_2, %add3A_72 : i32
    %add3A_74 = arith.constant 0 : i32
    %add3A_75 = arith.addi %add3A_73, %add3A_74 : i32
    %add3A_76 = arith.constant 1 : i32
    %add3A_77 = arith.addi %add3A_73, %add3A_76 : i32
    %add3A_78 = arith.constant 2 : i32
    %add3A_79 = arith.addi %add3A_73, %add3A_78 : i32
    %add3A_80 = arith.constant 3 : i32
    %add3A_81 = arith.addi %add3A_73, %add3A_80 : i32
    %dma_wait3A_82 = arith.constant 0 : i32
    %dma_wait3A_83 = arith.constant 0 : i32
    %dma_wait3A_84 = tpu.memref_slice %arg13[%dma_wait3A_82, %dma_wait3A_83] : memref<200x32xf32, #tpu.memory_space<vmem>> -> memref<50x32xf32, #tpu.memory_space<vmem>>
    %dma_wait3A_85 = arith.constant 0 : i32
    %dma_wait3A_86 = arith.constant 0 : i32
    %dma_wait3A_87 = tpu.memref_slice %arg5[%add3A_75, %dma_wait3A_85, %dma_wait3A_86] : memref<16384x50x32xf32, #tpu.memory_space<hbm>> -> memref<1x50x32xf32, #tpu.memory_space<hbm>>
    %dma_wait3A_88 = tpu.memref_squeeze %dma_wait3A_87 : memref<1x50x32xf32, #tpu.memory_space<hbm>> -> memref<50x32xf32, #tpu.memory_space<hbm>>
    %dma_wait3A_89 = arith.constant 0 : i32
    %dma_wait3A_90 = arith.constant 0 : i32
    %dma_wait3A_91 = tpu.memref_slice %arg5[%add3A_75, %dma_wait3A_89, %dma_wait3A_90] : memref<16384x50x32xf32, #tpu.memory_space<hbm>> -> memref<1x50x32xf32, #tpu.memory_space<hbm>>
    %dma_wait3A_92 = tpu.memref_squeeze %dma_wait3A_91 : memref<1x50x32xf32, #tpu.memory_space<hbm>> -> memref<50x32xf32, #tpu.memory_space<hbm>>
    %dma_wait3A_93 = arith.constant 0 : i32
    %dma_wait3A_94 = arith.constant 0 : i32
    %dma_wait3A_95 = tpu.memref_slice %arg13[%dma_wait3A_93, %dma_wait3A_94] : memref<200x32xf32, #tpu.memory_space<vmem>> -> memref<50x32xf32, #tpu.memory_space<vmem>>
    tpu.wait_dma2 semaphore(%arg17 : memref<!tpu.dma_semaphore, #tpu.memory_space<semaphore_mem>>) src(%dma_wait3A_95 : memref<50x32xf32, #tpu.memory_space<vmem>>) dst(%dma_wait3A_92 : memref<50x32xf32, #tpu.memory_space<hbm>>)
    %dma_wait3A_96 = arith.constant 50 : i32
    %dma_wait3A_97 = arith.constant 0 : i32
    %dma_wait3A_98 = tpu.memref_slice %arg13[%dma_wait3A_96, %dma_wait3A_97] : memref<200x32xf32, #tpu.memory_space<vmem>> -> memref<50x32xf32, #tpu.memory_space<vmem>>
    %dma_wait3A_99 = arith.constant 0 : i32
    %dma_wait3A_100 = arith.constant 0 : i32
    %dma_wait3A_101 = tpu.memref_slice %arg5[%add3A_77, %dma_wait3A_99, %dma_wait3A_100] : memref<16384x50x32xf32, #tpu.memory_space<hbm>> -> memref<1x50x32xf32, #tpu.memory_space<hbm>>
    %dma_wait3A_102 = tpu.memref_squeeze %dma_wait3A_101 : memref<1x50x32xf32, #tpu.memory_space<hbm>> -> memref<50x32xf32, #tpu.memory_space<hbm>>
    %dma_wait3A_103 = arith.constant 0 : i32
    %dma_wait3A_104 = arith.constant 0 : i32
    %dma_wait3A_105 = tpu.memref_slice %arg5[%add3A_77, %dma_wait3A_103, %dma_wait3A_104] : memref<16384x50x32xf32, #tpu.memory_space<hbm>> -> memref<1x50x32xf32, #tpu.memory_space<hbm>>
    %dma_wait3A_106 = tpu.memref_squeeze %dma_wait3A_105 : memref<1x50x32xf32, #tpu.memory_space<hbm>> -> memref<50x32xf32, #tpu.memory_space<hbm>>
    %dma_wait3A_107 = arith.constant 50 : i32
    %dma_wait3A_108 = arith.constant 0 : i32
    %dma_wait3A_109 = tpu.memref_slice %arg13[%dma_wait3A_107, %dma_wait3A_108] : memref<200x32xf32, #tpu.memory_space<vmem>> -> memref<50x32xf32, #tpu.memory_space<vmem>>
    tpu.wait_dma2 semaphore(%arg17 : memref<!tpu.dma_semaphore, #tpu.memory_space<semaphore_mem>>) src(%dma_wait3A_109 : memref<50x32xf32, #tpu.memory_space<vmem>>) dst(%dma_wait3A_106 : memref<50x32xf32, #tpu.memory_space<hbm>>)
    %dma_wait3A_110 = arith.constant 100 : i32
    %dma_wait3A_111 = arith.constant 0 : i32
    %dma_wait3A_112 = tpu.memref_slice %arg13[%dma_wait3A_110, %dma_wait3A_111] : memref<200x32xf32, #tpu.memory_space<vmem>> -> memref<50x32xf32, #tpu.memory_space<vmem>>
    %dma_wait3A_113 = arith.constant 0 : i32
    %dma_wait3A_114 = arith.constant 0 : i32
    %dma_wait3A_115 = tpu.memref_slice %arg5[%add3A_79, %dma_wait3A_113, %dma_wait3A_114] : memref<16384x50x32xf32, #tpu.memory_space<hbm>> -> memref<1x50x32xf32, #tpu.memory_space<hbm>>
    %dma_wait3A_116 = tpu.memref_squeeze %dma_wait3A_115 : memref<1x50x32xf32, #tpu.memory_space<hbm>> -> memref<50x32xf32, #tpu.memory_space<hbm>>
    %dma_wait3A_117 = arith.constant 0 : i32
    %dma_wait3A_118 = arith.constant 0 : i32
    %dma_wait3A_119 = tpu.memref_slice %arg5[%add3A_79, %dma_wait3A_117, %dma_wait3A_118] : memref<16384x50x32xf32, #tpu.memory_space<hbm>> -> memref<1x50x32xf32, #tpu.memory_space<hbm>>
    %dma_wait3A_120 = tpu.memref_squeeze %dma_wait3A_119 : memref<1x50x32xf32, #tpu.memory_space<hbm>> -> memref<50x32xf32, #tpu.memory_space<hbm>>
    %dma_wait3A_121 = arith.constant 100 : i32
    %dma_wait3A_122 = arith.constant 0 : i32
    %dma_wait3A_123 = tpu.memref_slice %arg13[%dma_wait3A_121, %dma_wait3A_122] : memref<200x32xf32, #tpu.memory_space<vmem>> -> memref<50x32xf32, #tpu.memory_space<vmem>>
    tpu.wait_dma2 semaphore(%arg17 : memref<!tpu.dma_semaphore, #tpu.memory_space<semaphore_mem>>) src(%dma_wait3A_123 : memref<50x32xf32, #tpu.memory_space<vmem>>) dst(%dma_wait3A_120 : memref<50x32xf32, #tpu.memory_space<hbm>>)
    %dma_wait3A_124 = arith.constant 150 : i32
    %dma_wait3A_125 = arith.constant 0 : i32
    %dma_wait3A_126 = tpu.memref_slice %arg13[%dma_wait3A_124, %dma_wait3A_125] : memref<200x32xf32, #tpu.memory_space<vmem>> -> memref<50x32xf32, #tpu.memory_space<vmem>>
    %dma_wait3A_127 = arith.constant 0 : i32
    %dma_wait3A_128 = arith.constant 0 : i32
    %dma_wait3A_129 = tpu.memref_slice %arg5[%add3A_81, %dma_wait3A_127, %dma_wait3A_128] : memref<16384x50x32xf32, #tpu.memory_space<hbm>> -> memref<1x50x32xf32, #tpu.memory_space<hbm>>
    %dma_wait3A_130 = tpu.memref_squeeze %dma_wait3A_129 : memref<1x50x32xf32, #tpu.memory_space<hbm>> -> memref<50x32xf32, #tpu.memory_space<hbm>>
    %dma_wait3A_131 = arith.constant 0 : i32
    %dma_wait3A_132 = arith.constant 0 : i32
    %dma_wait3A_133 = tpu.memref_slice %arg5[%add3A_81, %dma_wait3A_131, %dma_wait3A_132] : memref<16384x50x32xf32, #tpu.memory_space<hbm>> -> memref<1x50x32xf32, #tpu.memory_space<hbm>>
    %dma_wait3A_134 = tpu.memref_squeeze %dma_wait3A_133 : memref<1x50x32xf32, #tpu.memory_space<hbm>> -> memref<50x32xf32, #tpu.memory_space<hbm>>
    %dma_wait3A_135 = arith.constant 150 : i32
    %dma_wait3A_136 = arith.constant 0 : i32
    %dma_wait3A_137 = tpu.memref_slice %arg13[%dma_wait3A_135, %dma_wait3A_136] : memref<200x32xf32, #tpu.memory_space<vmem>> -> memref<50x32xf32, #tpu.memory_space<vmem>>
    tpu.wait_dma2 semaphore(%arg17 : memref<!tpu.dma_semaphore, #tpu.memory_space<semaphore_mem>>) src(%dma_wait3A_137 : memref<50x32xf32, #tpu.memory_space<vmem>>) dst(%dma_wait3A_134 : memref<50x32xf32, #tpu.memory_space<hbm>>)
    return
  }
}

</mosaic_0001>

<sc_bundles>
// kernel: kernel.3.cloned.1.call-start
scs
__scs_entry_jumppad:
0x0: {  	(pc) =	sbr.rel $0x88, $3  }
0x1: {  	(tag) =	ssettag $0x0;
	lr =	simm.s32 $0x1  }
0x2: {  	[smem:$0x3F9F] =	sst lr;
	_ =	strace $0xD0000000  }
0x3: {  	_ = 	snop  }
0x4: {  	_ = 	snop  }
0x5: {  	_ = 	snop  }
0x6: {  	_ = 	snop  }
0x7: {  	_ = 	snop  }
__scs_overlays_trampoline_lowered:
0x8: {  	[smem:$0x3FAE] =	sst s0  }
0x9: {  	[smem:$0x3FAF] =	sst s1  }
0xa: {  	[smem:$0x3FB0] =	sst s2  }
0xb: {  	[smem:$0x3FB1] =	sst s3  }
0xc: {  	[smem:$0x3FB2] =	sst s4  }
0xd: {  	[smem:$0x3FB3] =	sst s5  }
0xe: {  	[smem:$0x3FB4] =	sst s6  }
0xf: {  	[smem:$0x3FB5] =	sst s7  }
0x10: {  	[smem:$0x3FB6] =	sst s8  }
0x11: {  	[smem:$0x3FB7] =	sst s9;
	s0 =	simm.s32 @!p0 $0x0  }
0x12: {  	s1 =	sld [smem:$0x3F9D];
	s0 =	simm.s32 @p0 $0x1  }
0x13: {  	[smem:$0x3FB8] =	sst s0;
	s0 =	simm.s32 @!p1 $0x0  }
0x14: {  	s2 =	sld [smem:$0x3F9C];
	s0 =	simm.s32 @p1 $0x1  }
0x15: {  	[smem:$0x3FB9] =	sst s0;
	s0 =	simm.s32 @!p2 $0x0  }
0x16: {  	s3 =	sld [smem:$0x3FDB];
	s0 =	simm.s32 @p2 $0x1  }
0x17: {  	s4 =	simm.s32 $0x1BF5;
	[smem:$0x3FBB] =	sst s0  }
0x18: {  	s0 =	sld [smem:$0x3F9E];
	_ =	swait.ge [sflag:s4], $0x0  }
0x19: {  	s7 =	sld [smem:$0x3F9F]  }
0x1a: {  	s8 =	sadd.s32 $0xFFFFE003, lr  }
0x1b: {  	s9 =	sadd.s32 $0xFFFFFEF7, lr;
	s5 =	simm.s32 $0xFFFFFFFF;
	p2 =	slt.u32 s8, $0xFFFFF086  }
0x1c: {  	p1 =	slt.u32 s9, $0xF7A;
	s5 =	simm.s32 @!p2 $0x0  }
0x1d: {  	s5 =	simm.s32 @p1 $0x1;
	p0 =	seq.s32 s7, s2  }
0x1e: {  	s7 =	smul.u32 @!p0 $0xF7A, s2;
	p2 =	seq.s32 @!p0 s5, $0x0  }
0x1f: {  	s9 =	smul.u32 $0xF7A, s1;
	s8 =	simm.s32 @!p0 $0x1BF5;
	p2 =	por !p2, p0  }
0x20: {  	[sflag:s8] =	ssyncset.s32 @!p0 $0xFFFFF086;
	s6 =	sadd.s32 @!p0 s3, s7;
	s7 =	simm.s32 @!p0 $0x108  }
0x21: {  	s3 =	sadd.s32 s3, s9;
	s6 =	sadd.s32 @!p0 $0x88, s6;
	s7 =	simm.s32 @p2 $0x1082  }
0x22: {  	[simem:s7], [sflag:s8] =	dma.local @!p0 [hbm:s6], $0xF7A  }
0x23: {  	s9 =	sor.u32 $0xD0000000, s2;
	s6 =	simm.s32 $0x108;
	_ =	swait.ge @!p0 [sflag:s8], $0x0  }
0x24: {  	s3 =	sadd.s32 $0x88, s3;
	s6 =	simm.s32 @!p1 $0x1082;
	[sflag:s4] =	ssyncset.s32 $0xFFFFF086  }
0x25: {  	[simem:s6], [sflag:s4] =	dma.local [hbm:s3], $0xF7A  }
0x26: {  	[smem:$0x3F9F] =	sst s1;
	(tag) =	ssettag s2;
	_ =	strace s9  }
0x27: {  	s1 =	sld [smem:$0x3FAF]  }
0x28: {  	s2 =	sld [smem:$0x3FB0]  }
0x29: {  	s4 =	sld [smem:$0x3FB2]  }
0x2a: {  	p0 =	seq.s32 s5, $0x0;
	s5 =	sld [smem:$0x3FB3]  }
0x2b: {  	s6 =	sld [smem:$0x3FB4]  }
0x2c: {  	s7 =	sld [smem:$0x3FB5]  }
0x2d: {  	s3 =	simm.s32 $0x108;
	s8 =	sld [smem:$0x3FB6]  }
0x2e: {  	s3 =	simm.s32 @!p0 $0x1082;
	s9 =	sld [smem:$0x3FB7]  }
0x2f: {  	lr =	sadd.s32 s0, s3;
	s0 =	sld [smem:$0x3FAE]  }
0x30: {  	s3 =	sld [smem:$0x3FB1]  }
0x31: {  	[smem:$0x3FBA] =	sst s10  }
0x32: {  	s10 =	sld [smem:$0x3FB8];
	_ =	sdelay $0x3  }
0x33: {  	p0 =	seq.s32 s10, $0x1;
	s10 =	sld [smem:$0x3FBA];
	_ =	sdelay $0x3  }
0x34: {  	[smem:$0x3FBA] =	sst s10  }
0x35: {  	s10 =	sld [smem:$0x3FB9];
	_ =	sdelay $0x3  }
0x36: {  	p1 =	seq.s32 s10, $0x1;
	s10 =	sld [smem:$0x3FBA];
	_ =	sdelay $0x3  }
0x37: {  	[smem:$0x3FBA] =	sst s10  }
0x38: {  	s10 =	sld [smem:$0x3FBB]  }
0x39: {  	_ = 	snop;
	(pc) =	sbr.ind lr, $3  }
0x3a: {  	_ = 	snop  }
0x3b: {  	_ = 	snop  }
0x3c: {  	p2 =	seq.s32 s10, $0x1;
	s10 =	sld [smem:$0x3FBA]  }
0x3d: {  	_ =	shalt  }
0x3e: {  	_ =	shalt  }
0x3f: {  	_ =	shalt  }
0x40: {  	_ =	shalt  }
0x41: {  	_ =	shalt  }
0x42: {  	_ =	shalt  }
0x43: {  	_ =	shalt  }
0x44: {  	_ =	shalt  }
0x45: {  	_ =	shalt  }
0x46: {  	_ =	shalt  }
0x47: {  	_ =	shalt  }
0x48: {  	_ =	shalt  }
0x49: {  	_ =	shalt  }
0x4a: {  	_ =	shalt  }
0x4b: {  	_ =	shalt  }
0x4c: {  	_ =	shalt  }
0x4d: {  	_ =	shalt  }
0x4e: {  	_ =	shalt  }
0x4f: {  	_ =	shalt  }
0x50: {  	_ =	shalt  }
0x51: {  	_ =	shalt  }
0x52: {  	_ =	shalt  }
0x53: {  	_ =	shalt  }
0x54: {  	_ =	shalt  }
0x55: {  	_ =	shalt  }
0x56: {  	_ =	shalt  }
0x57: {  	_ =	shalt  }
0x58: {  	_ =	shalt  }
0x59: {  	_ =	shalt  }
0x5a: {  	_ =	shalt  }
0x5b: {  	_ =	shalt  }
0x5c: {  	_ =	shalt  }
0x5d: {  	_ =	shalt  }
0x5e: {  	_ =	shalt  }
0x5f: {  	_ =	shalt  }
0x60: {  	_ =	shalt  }
0x61: {  	_ =	shalt  }
0x62: {  	_ =	shalt  }
0x63: {  	_ =	shalt  }
0x64: {  	_ =	shalt  }
0x65: {  	_ =	shalt  }
0x66: {  	_ =	shalt  }
0x67: {  	_ =	shalt  }
0x68: {  	_ =	shalt  }
0x69: {  	_ =	shalt  }
0x6a: {  	_ =	shalt  }
0x6b: {  	_ =	shalt  }
0x6c: {  	_ =	shalt  }
0x6d: {  	_ =	shalt  }
0x6e: {  	_ =	shalt  }
0x6f: {  	_ =	shalt  }
0x70: {  	_ =	shalt  }
0x71: {  	_ =	shalt  }
0x72: {  	_ =	shalt  }
0x73: {  	_ =	shalt  }
0x74: {  	_ =	shalt  }
0x75: {  	_ =	shalt  }
0x76: {  	_ =	shalt  }
0x77: {  	_ =	shalt  }
0x78: {  	_ =	shalt  }
0x79: {  	_ =	shalt  }
0x7a: {  	_ =	shalt  }
0x7b: {  	_ =	shalt  }
0x7c: {  	_ =	shalt  }
0x7d: {  	_ =	shalt  }
0x7e: {  	_ =	shalt  }
0x7f: {  	_ =	shalt  }
0x80: {  	_ =	shalt  }
0x81: {  	_ =	shalt  }
0x82: {  	_ =	shalt  }
0x83: {  	_ =	shalt  }
0x84: {  	_ =	shalt  }
0x85: {  	_ =	shalt  }
0x86: {  	_ =	shalt  }
0x87: {  	_ =	shalt  }
.Lfunc_end0:
.L_simem_size_0:
called_computation_lowered:
.L_overlay_start_0:
0x88: {  	s2 =	sld [smem:$0x3FD9]  }
0x89: {  	s3 =	sld [smem:$0x3FFE];
	_ =	sdelay $0x1  }
0x8a: {  	s1 =	srdreg.scid  }
0x8b: {  	s0 =	sand.u32 $0x1, s1  }
0x8c: {  	s17 =	sshll.u32 s0, $0xA;
	s2 =	sadd.s32 s3, s2  }
0x8d: {  	s2 =	sadd.s32 s2, s17  }
0x8e: {  	[smem:$0x3FC6] =	sst s2  }
0x8f: {  	_ = 	snop  }
0x90: {  	s2 =	sld [smem:$0x3FD0];
	(tm) =	ssettm $0x1  }
0x91: {  	s18 =	sld [smem:$0x3FFB];
	_ =	sdelay $0x3  }
0x92: {  	_ =	strace s18  }
0x93: {  	s3 =	sld [smem:$0x3FFC];
	_ =	sdelay $0x3  }
0x94: {  	_ =	strace s3  }
0x95: {  	s3 =	sld [smem:$0x3FFD];
	_ =	sdelay $0x3  }
0x96: {  	_ =	strace s3  }
0x97: {  	_ =	strace $0x8FFFFFFF  }
0x98: {  	s19 =	sld [smem:$0x3FDB];
	_ =	sdelay $0x1  }
0x99: {  	s4 =	simm.s32 $_scs_section_size  }
0x9a: {  	s5 =	simm.s32 $_size__tile_overlayer_lowered;
	s6 =	simm.s32 $_tile_overlayer_lowered  }
0x9b: {  	s22 =	simm.s32 $0x1BFF;
	s21 =	sshll.u32 s6, $0x1;
	s3 =	sadd.s32 s4, s19  }
0x9c: {  	s7 =	simm.s32 $0x0;
	s20 =	sshll.u32 s5, $0x1;
	s5 =	sadd.s32 s21, s3  }
0x9d: {  	[timem:s7], [sflag:s22] =	dma.local [hbm:s5], s20  }
0x9e: {  	_ =	swait.ge [sflag:s22], s20  }
0x9f: {  	s4 =	ssub.s32 $0x0, s20;
	[sflag:s22] =	ssyncset.done $0x0  }
0xa0: {  	[sflag:s22] =	ssyncadd.s32 s4;
	_ =	sdelay $0x1  }
0xa1: {  	s23 =	simm.s32 $0x1B8B  }
0xa2: {  	_ =	swait.ge [sflag:s23], $0x1  }
0xa3: {  	[sflag:s23] =	ssyncset.done $0x0  }
0xa4: {  	s25 =	simm.s32 $0x1B8E;
	s24 =	sld [smem:$0x3FFE];
	[sflag:s23] =	ssyncadd.s32 $0xFFFFFFFF  }
0xa5: {  	s26 =	simm.s32 $execute0_lowered;
	[smem:$0x3FD2] =	sst s25  }
0xa6: {  	s5 =	sshll.u32 s26, $0x1;
	_ =	strace $0x80000046;
	[dreg:$0x1] =	wrdreg $0xFFFFFFFF  }
0xa7: {  	s28 =	simm.s32 $_size_execute0_lowered;
	s3 =	sadd.s32 s3, s5;
	[dreg:$0x0] =	wrdreg $0x0  }
0xa8: {  	s5 =	sshll.u32 s28, $0x1;
	[dreg:$0x2] =	wrdreg s3  }
0xa9: {  	[dreg:$0x3] =	wrdreg s5  }
0xaa: {  	[dreg:$0x4] =	wrdreg $0xC0  }
0xab: {  	_ =	task [dreg:s7], $0x5FFFF  }
0xac: {  	[dreg:$0x1] =	wrdreg $0xFFFFFFFF  }
0xad: {  	[dreg:$0x0] =	wrdreg $0x60  }
0xae: {  	[dreg:$0x2] =	wrdreg s24  }
0xaf: {  	[dreg:$0x3] =	wrdreg s2  }
0xb0: {  	[dreg:$0x4] =	wrdreg $0x9  }
0xb1: {  	_ =	task.clear_ibuf [dreg:s7], $0x5FFFF;
	_ =	strace $0x90000046  }
0xb2: {  	s29 =	simm.s32 $0x9;
	_ =	strace $0x80000048  }
0xb3: {  	_ =	swait.ge [sflag:s29], $0x1  }
0xb4: {  	[sflag:s29] =	ssyncadd.s32 $0xFFFFFFFF  }
0xb5: {  	_ =	strace $0x90000048  }
0xb6: {  	_ =	sfence  }
0xb7: {  	s30 =	sld [smem:$0x0];
	_ =	sdelay $0x2  }
0xb8: {  	s31 =	sshll.u32 s1, $0xD;
	s1 =	sshrl.u32 s1, $0x2  }
0xb9: {  	s3 =	sand.u32 $0x4000, s31;
	s1 =	sadd.s32 s1, s30  }
0xba: {  	s0 =	sor.u32 s3, s0;
	s1 =	sshll.u32 s1, $0x11  }
0xbb: {  	s0 =	sor.u32 s1, s0  }
0xbc: {  	s0 =	sadd.s32 $0x8F2B, s0  }
0xbd: {  	[sflag:s0] =	ssyncadd.remote.s32 $0x1  }
0xbe: {  	_ =	sfence.sel $0xFFFF  }
0xbf: {  	[dreg:$0x0] =	wrdreg $0xFFFFFFFF;
	(pc) =	sbr.abs _section_cstart, $3  }
0xc0: {  	[dreg:$0x1] =	wrdreg $0xFFFFFFFF  }
0xc1: {  	_ =	task.clear_ibuf [dreg:s7], $0x2FFFF;
	_ =	strace $0x9FFFFFFF  }
0xc2: {  	(tm) =	ssettm $0x7FFFFFFF  }
0xc3: {  	_ =	shalt  }
tec
execute0_lowered:
.L_overlay_start_1:
0x0: {  	(tag) =	ssettag $0x1  }
0x1: {  	s0 =	rddreg [dreg:$0x0]  }
0x2: {  	s1 =	simm.s32 $0x0;
	s24 =	srdreg.scid;
	s2 =	stileid.u32  }
0x3: {  	[smem:$0x7FF] =	sst s1;
	s31 =	sadd.s32 $0xF42C00, s0;
	s1 =	sand.u32 $0x1, s24  }
0x4: {  	s4 =	sshll.u32 s2, $0xA;
	s25 =	sadd.s32 $0x800, s0;
	s28 =	sadd.s32 $0x40800, s0  }
0x5: {  	s0 =	sadd.s32 $0x40B80, s0;
	_ =	strace $0x80000047;
	[dreg:$0x3] =	wrdreg s25  }
0x6: {  	s3 =	ssub.s32 $0x2, s1;
	s1 =	sshll.u32 s1, $0x9;
	[dreg:$0x5] =	wrdreg s28  }
0x7: {  	[dreg:$0x7] =	wrdreg s0;
	s5 =	sshrl.u32 s3, $0x1;
	s26 =	sor.u32 s1, s4  }
0x8: {  	s29 =	ssub.s32 s3, s5;
	[dreg:$0x4] =	wrdreg s26;
	s2 =	sshll.u32 s26, $0x4  }
0x9: {  	[dreg:$0x6] =	wrdreg s2;
	s30 =	smax.u32 s29, $0x1  }
0xa: {  	s2 =	simm.s32 $0x0;
	[dreg:$0x8] =	wrdreg s30  }
.LBB2_1:
0xb: {  	[dreg:$0x9] =	wrdreg s2;
	s6 =	simm.s32 $0x0  }
.LBB2_2:
0xc: {  	s0 =	sshll.u32 s6, $0xA;
	s1 =	rddreg [dreg:$0x6]  }
0xd: {  	s25 =	rddreg [dreg:$0x3];
	s0 =	sadd.s32 s1, s0  }
0xe: {  	s3 =	simm.s32 $0x0;
	s2 =	simm.s32 $0x5;
	s1 =	sadd.s32 s25, s0  }
0xf: {  	[tilespmem:s3], [sflag:$0x5] =	stream.linear.gather [hbm4b:s1+s3], $0x2000, $0x38;
	[tilespmem:$0x1E900] =	vst v63  }
0x10: {  	_ =	swait.ge [sflag:s2], $0x2000  }
0x11: {  	[sflag:s2] =	ssyncset.done $0x0  }
0x12: {  	[sflag:s2] =	ssyncadd.s32 $0xFFFFE000  }
0x13: {  	s26 =	rddreg [dreg:$0x1]  }
0x14: {  	s28 =	simm.s32 $0x2C80;
	s0 =	sadd.s32 s26, s0  }
0x15: {  	[tilespmem:s28], [sflag:$0x5] =	stream.linear.gather [hbm4b:s0+s3], $0x2000, $0x38;
	[tilespmem:$0x1E900] =	vst v63  }
0x16: {  	_ =	swait.ge [sflag:s2], $0x2000  }
0x17: {  	[sflag:s2] =	ssyncset.done $0x0  }
0x18: {  	s29 =	simm.s32 $0x20;
	[sflag:s2] =	ssyncadd.s32 $0xFFFFE000  }
0x19: {  	v0 =	vld [tilespmem:s29+$0xFFFFFFE0];
	_ =	sdelay $0x3  }
0x1a: {  	s30 =	simm.s32 $0x0  }
0x1b: {  	s0 =	simm.s32 $0x2CA0;
	[tilespmem:s30+$0x2000] =	vst v0  }
0x1c: {  	v0 =	vld [tilespmem:s0+$0xFFFFFFE0];
	_ =	sdelay $0x4  }
0x1d: {  	[tilespmem:s30+$0x4C80] =	vst v0  }
0x1e: {  	v0 =	vld [tilespmem:s29+$0xFFFFFFF0];
	_ =	sdelay $0x4  }
0x1f: {  	[tilespmem:s30+$0x2010] =	vst v0  }
0x20: {  	v0 =	vld [tilespmem:s0+$0xFFFFFFF0];
	_ =	sdelay $0x4  }
0x21: {  	[tilespmem:s30+$0x4C90] =	vst v0  }
0x22: {  	v0 =	vld [tilespmem:s29+$0x0];
	_ =	sdelay $0x4  }
0x23: {  	[tilespmem:s30+$0x2020] =	vst v0  }
0x24: {  	v0 =	vld [tilespmem:s0+$0x0];
	_ =	sdelay $0x4  }
0x25: {  	[tilespmem:s30+$0x4CA0] =	vst v0  }
0x26: {  	v0 =	vld [tilespmem:s29+$0x2];
	_ =	sdelay $0x4  }
0x27: {  	[tilespmem:s30+$0x2022] =	vst v0  }
0x28: {  	v0 =	vld [tilespmem:s0+$0x2];
	_ =	sdelay $0x4  }
0x29: {  	s1 =	simm.s32 $0xA0;
	[tilespmem:s30+$0x4CA2] =	vst v0  }
0x2a: {  	s4 =	simm.s32 $0x190;
	s3 =	simm.s32 $0xC8;
	v0 =	vld [tilespmem:s1+$0xFFFFFFE0]  }
.LBB2_3:
0x2b: {  	p0 =	sne.s32 s4, $0x3138;
	_ =	sdelay $0x2  }
0x2c: {  	s5 =	sshra.s32 s3, $0x2;
	s3 =	smov.u32 s4  }
0x2d: {  	s0 =	sadd.s32 $0x80, s0;
	[tilespmem:s5+$0x2000] =	vst v0  }
0x2e: {  	v0 =	vld [tilespmem:s0+$0xFFFFFFE0];
	_ =	sdelay $0x4  }
0x2f: {  	[tilespmem:s5+$0x4C80] =	vst v0  }
0x30: {  	v0 =	vld [tilespmem:s1+$0xFFFFFFF0];
	_ =	sdelay $0x4  }
0x31: {  	[tilespmem:s5+$0x2010] =	vst v0  }
0x32: {  	v0 =	vld [tilespmem:s0+$0xFFFFFFF0];
	_ =	sdelay $0x4  }
0x33: {  	[tilespmem:s5+$0x4C90] =	vst v0  }
0x34: {  	v0 =	vld [tilespmem:s1+$0x0];
	_ =	sdelay $0x4  }
0x35: {  	[tilespmem:s5+$0x2020] =	vst v0  }
0x36: {  	v0 =	vld [tilespmem:s0+$0x0];
	_ =	sdelay $0x4  }
0x37: {  	[tilespmem:s5+$0x4CA0] =	vst v0  }
0x38: {  	v0 =	vld [tilespmem:s1+$0x2];
	_ =	sdelay $0x4  }
0x39: {  	[tilespmem:s5+$0x2022] =	vst v0  }
0x3a: {  	v0 =	vld [tilespmem:s0+$0x2];
	_ =	sdelay $0x1  }
.Ltmp0:
0x3b: {  	(pc) =	sbr.rel @p0 .LBB2_3-.Ltmp0, $3  }
0x3c: {  	_ =	sdelay $0x1  }
0x3d: {  	s1 =	sadd.s32 $0x80, s1;
	[tilespmem:s5+$0x4CA2] =	vst v0  }
0x3e: {  	s4 =	sadd.s32 $0xC8, s4;
	v0 =	vld [tilespmem:s1+$0xFFFFFFE0]  }
0x3f: {  	_ =	sdelay $0x2  }
0x40: {  	s3 =	sshra.s32 s3, $0x2  }
0x41: {  	s0 =	sadd.s32 $0x80, s0;
	[tilespmem:s3+$0x2000] =	vst v0  }
0x42: {  	v0 =	vld [tilespmem:s0+$0xFFFFFFE0];
	_ =	sdelay $0x4  }
0x43: {  	[tilespmem:s3+$0x4C80] =	vst v0  }
0x44: {  	v0 =	vld [tilespmem:s1+$0xFFFFFFF0];
	_ =	sdelay $0x4  }
0x45: {  	[tilespmem:s3+$0x2010] =	vst v0  }
0x46: {  	v0 =	vld [tilespmem:s0+$0xFFFFFFF0];
	_ =	sdelay $0x4  }
0x47: {  	[tilespmem:s3+$0x4C90] =	vst v0  }
0x48: {  	v0 =	vld [tilespmem:s1+$0x0];
	_ =	sdelay $0x4  }
0x49: {  	[tilespmem:s3+$0x2020] =	vst v0  }
0x4a: {  	v0 =	vld [tilespmem:s0+$0x0];
	_ =	sdelay $0x4  }
0x4b: {  	[tilespmem:s3+$0x4CA0] =	vst v0  }
0x4c: {  	v0 =	vld [tilespmem:s1+$0x2];
	_ =	sdelay $0x4  }
0x4d: {  	[tilespmem:s3+$0x2022] =	vst v0  }
0x4e: {  	v0 =	vld [tilespmem:s0+$0x2];
	_ =	sdelay $0x2  }
0x4f: {  	s26 =	simm.s32 $0xC8;
	s29 =	simm.s32 $0x2000;
	s2 =	simm.s32 $0x5900  }
0x50: {  	[dreg:$0xa] =	wrdreg s6;
	s30 =	sshll.u32 s6, $0x4;
	s8 =	simm.s32 $0x4C80  }
0x51: {  	s28 =	simm.s32 $0x4D48;
	[dreg:$0xb] =	wrdreg s30;
	[tilespmem:s3+$0x4CA2] =	vst v0;
	s3 =	simm.s32 $0x0  }
0x52: {  	[tilespmem:s2], [sflag:$0x1] =	stream.indirect.gather [hbm4b:s31+s26], $0x80, s29, s26, $0xb8;
	[tilespmem:$0x1E900] =	vst v63  }
.LBB2_5:
0x53: {  	s30 =	sshllo.u32 s3, $0x1  }
0x54: {  	s0 =	smul.u32 $0xC8, s30  }
0x55: {  	s29 =	simm.s32 $0xC8;
	s2 =	simm.s32 $0xBD00  }
0x56: {  	s5 =	simm.s32 $0x1;
	[dreg:$0xc] =	wrdreg s0;
	s4 =	sadd.s32 $0x2000, s0  }
0x57: {  	[tilespmem:s2], [sflag:$0x2] =	stream.indirect.gather [hbm4b:s31+s29], $0x80, s4, s29, $0xb8;
	[tilespmem:$0x1E900] =	vst v63  }
0x58: {  	_ =	swait.ge [sflag:s5], $0x6400  }
0x59: {  	s1 =	sshll.u32 s3, $0x1;
	s6 =	rddreg [dreg:$0xb]  }
0x5a: {  	s1 =	sor.u32 s6, s1  }
0x5b: {  	[sflag:s5] =	ssyncset.done $0x0;
	p0 =	seq.s32 s1, $0x0  }
0x5c: {  	[sflag:s5] =	ssyncadd.s32 $0xFFFF9C00;
	s4 =	simm.s32 @!p0 $0x3  }
0x5d: {  	_ =	swait.ge @!p0 [sflag:s4], $0x1900  }
0x5e: {  	[sflag:s4] =	ssyncset.done @!p0 $0x0  }
0x5f: {  	[sflag:s4] =	ssyncadd.s32 @!p0 $0xFFFFE700  }
0x60: {  	_ =	swait.ge @!p0 [sflag:s4], $0x1900  }
0x61: {  	[sflag:s4] =	ssyncset.done @!p0 $0x0  }
0x62: {  	[sflag:s4] =	ssyncadd.s32 @!p0 $0xFFFFE700  }
0x63: {  	_ =	swait.ge @!p0 [sflag:s4], $0x1900  }
0x64: {  	[sflag:s4] =	ssyncset.done @!p0 $0x0  }
0x65: {  	[sflag:s4] =	ssyncadd.s32 @!p0 $0xFFFFE700  }
0x66: {  	_ =	swait.ge @!p0 [sflag:s4], $0x1900  }
0x67: {  	[sflag:s4] =	ssyncset.done @!p0 $0x0  }
0x68: {  	[sflag:s4] =	ssyncadd.s32 @!p0 $0xFFFFE700  }
0x69: {  	v0 =	vld [tilespmem:s8+$0x0];
	_ =	sdelay $0x4  }
0x6a: {  	(v2sf) =	vpush v0, $0x0;
	_ =	sdelay $0xb  }
0x6b: {  	(v2sf) =	vpush v0, $0x1;
	_ =	sdelay $0x2  }
0x6c: {  	s9 =	spop (v2sf)  }
0x6d: {  	s5 =	sand.u32 $0x7F, s9;
	s6 =	sshll.u32 s9, $0x2  }
0x6e: {  	s6 =	sand.u32 $0xFFFFFE00, s6;
	s5 =	sshll.u32 s5, $0x2  }
0x6f: {  	s5 =	sor.u32 s5, s6  }
0x70: {  	s5 =	sshra.s32 s5, $0x2  }
0x71: {  	s5 =	sadd.s32 $0x0, s5  }
0x72: {  	s4 =	sadd.s32 $0x10, s9;
	v1 =	vld [tilespmem:s5+$0x5900]  }
0x73: {  	s10 =	sand.u32 $0x7F, s4;
	s4 =	sshll.u32 s4, $0x2  }
0x74: {  	s4 =	sand.u32 $0xFFFFFE00, s4;
	s5 =	sshll.u32 s10, $0x2  }
0x75: {  	(v2sf) =	vpush v0, $0x2;
	s4 =	sor.u32 s5, s4  }
0x76: {  	s12 =	simm.s32 $0x0;
	s4 =	sshra.s32 s4, $0x2  }
0x77: {  	s4 =	sadd.s32 $0x0, s4;
	[tilespmem:s12+$0x12100] =	vst v1  }
0x78: {  	s11 =	spop (v2sf);
	v1 =	vld [tilespmem:s4+$0x5900]  }
0x79: {  	s13 =	sand.u32 $0x7F, s11;
	s14 =	sshll.u32 s11, $0x2  }
0x7a: {  	s6 =	sand.u32 $0xFFFFFE00, s14;
	s4 =	sshll.u32 s13, $0x2  }
0x7b: {  	s4 =	sor.u32 s4, s6  }
0x7c: {  	s4 =	sshra.s32 s4, $0x2  }
0x7d: {  	s4 =	sadd.s32 $0x0, s4;
	[tilespmem:s12+$0x12110] =	vst v1  }
0x7e: {  	s5 =	sadd.s32 $0x10, s11;
	v1 =	vld [tilespmem:s4+$0x5980]  }
0x7f: {  	s15 =	sand.u32 $0x7F, s5;
	s5 =	sshll.u32 s5, $0x2  }
0x80: {  	s5 =	sand.u32 $0xFFFFFE00, s5;
	s4 =	sshll.u32 s15, $0x2  }
0x81: {  	(v2sf) =	vpush v0, $0x3;
	s4 =	sor.u32 s4, s5  }
0x82: {  	s4 =	sshra.s32 s4, $0x2  }
0x83: {  	s4 =	sadd.s32 $0x0, s4;
	[tilespmem:s12+$0x12180] =	vst v1  }
0x84: {  	s16 =	spop (v2sf);
	v1 =	vld [tilespmem:s4+$0x5980]  }
0x85: {  	s17 =	sand.u32 $0x7F, s16;
	s18 =	sshll.u32 s16, $0x2  }
0x86: {  	s6 =	sand.u32 $0xFFFFFE00, s18;
	s4 =	sshll.u32 s17, $0x2  }
0x87: {  	s4 =	sor.u32 s4, s6  }
0x88: {  	s4 =	sshra.s32 s4, $0x2  }
0x89: {  	s4 =	sadd.s32 $0x0, s4;
	[tilespmem:s12+$0x12190] =	vst v1  }
0x8a: {  	s5 =	sadd.s32 $0x10, s16;
	v1 =	vld [tilespmem:s4+$0x5A00]  }
0x8b: {  	s19 =	sand.u32 $0x7F, s5;
	s5 =	sshll.u32 s5, $0x2  }
0x8c: {  	s5 =	sand.u32 $0xFFFFFE00, s5;
	s4 =	sshll.u32 s19, $0x2  }
0x8d: {  	(v2sf) =	vpush v0, $0x4;
	s4 =	sor.u32 s4, s5  }
0x8e: {  	s4 =	sshra.s32 s4, $0x2  }
0x8f: {  	s4 =	sadd.s32 $0x0, s4;
	[tilespmem:s12+$0x12200] =	vst v1  }
0x90: {  	s20 =	spop (v2sf);
	v1 =	vld [tilespmem:s4+$0x5A00]  }
0x91: {  	s21 =	sand.u32 $0x7F, s20;
	s22 =	sshll.u32 s20, $0x2  }
0x92: {  	s6 =	sand.u32 $0xFFFFFE00, s22;
	s4 =	sshll.u32 s21, $0x2  }
0x93: {  	s4 =	sor.u32 s4, s6  }
0x94: {  	s4 =	sshra.s32 s4, $0x2  }
0x95: {  	s4 =	sadd.s32 $0x0, s4;
	[tilespmem:s12+$0x12210] =	vst v1  }
0x96: {  	s5 =	sadd.s32 $0x10, s20;
	v1 =	vld [tilespmem:s4+$0x5A80]  }
0x97: {  	s23 =	sand.u32 $0x7F, s5;
	s5 =	sshll.u32 s5, $0x2  }
0x98: {  	s5 =	sand.u32 $0xFFFFFE00, s5;
	s4 =	sshll.u32 s23, $0x2  }
0x99: {  	(v2sf) =	vpush v0, $0x5;
	s4 =	sor.u32 s4, s5  }
0x9a: {  	s4 =	sshra.s32 s4, $0x2  }
0x9b: {  	s4 =	sadd.s32 $0x0, s4;
	[tilespmem:s12+$0x12280] =	vst v1  }
0x9c: {  	s24 =	spop (v2sf);
	v1 =	vld [tilespmem:s4+$0x5A80]  }
0x9d: {  	s25 =	sand.u32 $0x7F, s24;
	s26 =	sshll.u32 s24, $0x2  }
0x9e: {  	s6 =	sand.u32 $0xFFFFFE00, s26;
	s4 =	sshll.u32 s25, $0x2  }
0x9f: {  	s4 =	sor.u32 s4, s6  }
0xa0: {  	s4 =	sshra.s32 s4, $0x2  }
0xa1: {  	s4 =	sadd.s32 $0x0, s4;
	[tilespmem:s12+$0x12290] =	vst v1  }
0xa2: {  	s5 =	sadd.s32 $0x10, s24;
	v1 =	vld [tilespmem:s4+$0x5B00]  }
0xa3: {  	s29 =	sand.u32 $0x7F, s5;
	s5 =	sshll.u32 s5, $0x2  }
0xa4: {  	s5 =	sand.u32 $0xFFFFFE00, s5;
	s4 =	sshll.u32 s29, $0x2  }
0xa5: {  	(v2sf) =	vpush v0, $0x6;
	s4 =	sor.u32 s4, s5  }
0xa6: {  	s4 =	sshra.s32 s4, $0x2  }
0xa7: {  	s4 =	sadd.s32 $0x0, s4;
	[tilespmem:s12+$0x12300] =	vst v1  }
0xa8: {  	s7 =	smov.u32 s31;
	s31 =	spop (v2sf);
	v1 =	vld [tilespmem:s4+$0x5B00]  }
0xa9: {  	s0 =	sand.u32 $0x7F, s31;
	s2 =	sshll.u32 s31, $0x2  }
0xaa: {  	s6 =	sand.u32 $0xFFFFFE00, s2;
	s4 =	sshll.u32 s0, $0x2  }
0xab: {  	s4 =	sor.u32 s4, s6  }
0xac: {  	s4 =	sshra.s32 s4, $0x2  }
0xad: {  	s4 =	sadd.s32 $0x0, s4;
	[tilespmem:s12+$0x12310] =	vst v1  }
0xae: {  	s5 =	sadd.s32 $0x10, s31;
	v1 =	vld [tilespmem:s4+$0x5B80]  }
0xaf: {  	s6 =	sand.u32 $0x7F, s5;
	s5 =	sshll.u32 s5, $0x2  }
0xb0: {  	s5 =	sand.u32 $0xFFFFFE00, s5;
	s4 =	sshll.u32 s6, $0x2  }
0xb1: {  	(v2sf) =	vpush v0, $0x7;
	s4 =	sor.u32 s4, s5  }
0xb2: {  	s4 =	sshra.s32 s4, $0x2  }
0xb3: {  	s4 =	sadd.s32 $0x0, s4;
	[tilespmem:s12+$0x12380] =	vst v1  }
0xb4: {  	s9 =	spop (v2sf);
	v1 =	vld [tilespmem:s4+$0x5B80]  }
0xb5: {  	s10 =	sand.u32 $0x7F, s9;
	s11 =	sshll.u32 s9, $0x2  }
0xb6: {  	s6 =	sand.u32 $0xFFFFFE00, s11;
	s4 =	sshll.u32 s10, $0x2  }
0xb7: {  	s4 =	sor.u32 s4, s6  }
0xb8: {  	s4 =	sshra.s32 s4, $0x2  }
0xb9: {  	s4 =	sadd.s32 $0x0, s4;
	[tilespmem:s12+$0x12390] =	vst v1  }
0xba: {  	s5 =	sadd.s32 $0x10, s9;
	v1 =	vld [tilespmem:s4+$0x5C00]  }
0xbb: {  	s13 =	sand.u32 $0x7F, s5;
	s5 =	sshll.u32 s5, $0x2  }
0xbc: {  	s5 =	sand.u32 $0xFFFFFE00, s5;
	s4 =	sshll.u32 s13, $0x2  }
0xbd: {  	(v2sf) =	vpush v0, $0x8;
	s4 =	sor.u32 s4, s5  }
0xbe: {  	s4 =	sshra.s32 s4, $0x2  }
0xbf: {  	s4 =	sadd.s32 $0x0, s4;
	[tilespmem:s12+$0x12400] =	vst v1  }
0xc0: {  	s14 =	spop (v2sf);
	v1 =	vld [tilespmem:s4+$0x5C00]  }
0xc1: {  	s15 =	sand.u32 $0x7F, s14;
	s16 =	sshll.u32 s14, $0x2  }
0xc2: {  	s6 =	sand.u32 $0xFFFFFE00, s16;
	s4 =	sshll.u32 s15, $0x2  }
0xc3: {  	s4 =	sor.u32 s4, s6  }
0xc4: {  	s4 =	sshra.s32 s4, $0x2  }
0xc5: {  	s4 =	sadd.s32 $0x0, s4;
	[tilespmem:s12+$0x12410] =	vst v1  }
0xc6: {  	s5 =	sadd.s32 $0x10, s14;
	v1 =	vld [tilespmem:s4+$0x5C80]  }
0xc7: {  	s17 =	sand.u32 $0x7F, s5;
	s5 =	sshll.u32 s5, $0x2  }
0xc8: {  	s5 =	sand.u32 $0xFFFFFE00, s5;
	s4 =	sshll.u32 s17, $0x2  }
0xc9: {  	(v2sf) =	vpush v0, $0x9;
	s4 =	sor.u32 s4, s5  }
0xca: {  	s4 =	sshra.s32 s4, $0x2  }
0xcb: {  	s4 =	sadd.s32 $0x0, s4;
	[tilespmem:s12+$0x12480] =	vst v1  }
0xcc: {  	s18 =	spop (v2sf);
	v1 =	vld [tilespmem:s4+$0x5C80]  }
0xcd: {  	s19 =	sand.u32 $0x7F, s18;
	s20 =	sshll.u32 s18, $0x2  }
0xce: {  	s6 =	sand.u32 $0xFFFFFE00, s20;
	s4 =	sshll.u32 s19, $0x2  }
0xcf: {  	s4 =	sor.u32 s4, s6  }
0xd0: {  	s4 =	sshra.s32 s4, $0x2  }
0xd1: {  	s4 =	sadd.s32 $0x0, s4;
	[tilespmem:s12+$0x12490] =	vst v1  }
0xd2: {  	s5 =	sadd.s32 $0x10, s18;
	v1 =	vld [tilespmem:s4+$0x5D00]  }
0xd3: {  	s21 =	sand.u32 $0x7F, s5;
	s5 =	sshll.u32 s5, $0x2  }
0xd4: {  	s5 =	sand.u32 $0xFFFFFE00, s5;
	s4 =	sshll.u32 s21, $0x2  }
0xd5: {  	(v2sf) =	vpush v0, $0xA;
	s4 =	sor.u32 s4, s5  }
0xd6: {  	s4 =	sshra.s32 s4, $0x2  }
0xd7: {  	s4 =	sadd.s32 $0x0, s4;
	[tilespmem:s12+$0x12500] =	vst v1  }
0xd8: {  	s22 =	spop (v2sf);
	v1 =	vld [tilespmem:s4+$0x5D00]  }
0xd9: {  	s23 =	sand.u32 $0x7F, s22;
	s24 =	sshll.u32 s22, $0x2  }
0xda: {  	s6 =	sand.u32 $0xFFFFFE00, s24;
	s4 =	sshll.u32 s23, $0x2  }
0xdb: {  	s4 =	sor.u32 s4, s6  }
0xdc: {  	s4 =	sshra.s32 s4, $0x2  }
0xdd: {  	s4 =	sadd.s32 $0x0, s4;
	[tilespmem:s12+$0x12510] =	vst v1  }
0xde: {  	s5 =	sadd.s32 $0x10, s22;
	v1 =	vld [tilespmem:s4+$0x5D80]  }
0xdf: {  	s25 =	sand.u32 $0x7F, s5;
	s5 =	sshll.u32 s5, $0x2  }
0xe0: {  	s5 =	sand.u32 $0xFFFFFE00, s5;
	s4 =	sshll.u32 s25, $0x2  }
0xe1: {  	(v2sf) =	vpush v0, $0xB;
	s4 =	sor.u32 s4, s5  }
0xe2: {  	s4 =	sshra.s32 s4, $0x2  }
0xe3: {  	s4 =	sadd.s32 $0x0, s4;
	[tilespmem:s12+$0x12580] =	vst v1  }
0xe4: {  	s26 =	spop (v2sf);
	v1 =	vld [tilespmem:s4+$0x5D80]  }
0xe5: {  	s29 =	sand.u32 $0x7F, s26;
	s31 =	sshll.u32 s26, $0x2  }
0xe6: {  	s6 =	sand.u32 $0xFFFFFE00, s31;
	s4 =	sshll.u32 s29, $0x2  }
0xe7: {  	s4 =	sor.u32 s4, s6  }
0xe8: {  	s4 =	sshra.s32 s4, $0x2  }
0xe9: {  	s4 =	sadd.s32 $0x0, s4;
	[tilespmem:s12+$0x12590] =	vst v1  }
0xea: {  	s5 =	sadd.s32 $0x10, s26;
	v1 =	vld [tilespmem:s4+$0x5E00]  }
0xeb: {  	s0 =	sand.u32 $0x7F, s5;
	s5 =	sshll.u32 s5, $0x2  }
0xec: {  	s5 =	sand.u32 $0xFFFFFE00, s5;
	s4 =	sshll.u32 s0, $0x2  }
0xed: {  	(v2sf) =	vpush v0, $0xC;
	s4 =	sor.u32 s4, s5  }
0xee: {  	s4 =	sshra.s32 s4, $0x2  }
0xef: {  	s4 =	sadd.s32 $0x0, s4;
	[tilespmem:s12+$0x12600] =	vst v1  }
0xf0: {  	s2 =	spop (v2sf);
	v1 =	vld [tilespmem:s4+$0x5E00]  }
0xf1: {  	s9 =	sand.u32 $0x7F, s2;
	s10 =	sshll.u32 s2, $0x2  }
0xf2: {  	s6 =	sand.u32 $0xFFFFFE00, s10;
	s4 =	sshll.u32 s9, $0x2  }
0xf3: {  	s4 =	sor.u32 s4, s6  }
0xf4: {  	s4 =	sshra.s32 s4, $0x2  }
0xf5: {  	s4 =	sadd.s32 $0x0, s4;
	[tilespmem:s12+$0x12610] =	vst v1  }
0xf6: {  	s5 =	sadd.s32 $0x10, s2;
	v1 =	vld [tilespmem:s4+$0x5E80]  }
0xf7: {  	s11 =	sand.u32 $0x7F, s5;
	s5 =	sshll.u32 s5, $0x2  }
0xf8: {  	s5 =	sand.u32 $0xFFFFFE00, s5;
	s4 =	sshll.u32 s11, $0x2  }
0xf9: {  	(v2sf) =	vpush v0, $0xD;
	s4 =	sor.u32 s4, s5  }
0xfa: {  	s4 =	sshra.s32 s4, $0x2  }
0xfb: {  	s4 =	sadd.s32 $0x0, s4;
	[tilespmem:s12+$0x12680] =	vst v1  }
0xfc: {  	s13 =	spop (v2sf);
	v1 =	vld [tilespmem:s4+$0x5E80]  }
0xfd: {  	s14 =	sand.u32 $0x7F, s13;
	s15 =	sshll.u32 s13, $0x2  }
0xfe: {  	s6 =	sand.u32 $0xFFFFFE00, s15;
	s4 =	sshll.u32 s14, $0x2  }
0xff: {  	s4 =	sor.u32 s4, s6  }
0x100: {  	s4 =	sshra.s32 s4, $0x2  }
0x101: {  	s4 =	sadd.s32 $0x0, s4;
	[tilespmem:s12+$0x12690] =	vst v1  }
0x102: {  	s5 =	sadd.s32 $0x10, s13;
	v1 =	vld [tilespmem:s4+$0x5F00]  }
0x103: {  	s16 =	sand.u32 $0x7F, s5;
	s5 =	sshll.u32 s5, $0x2  }
0x104: {  	s5 =	sand.u32 $0xFFFFFE00, s5;
	s4 =	sshll.u32 s16, $0x2  }
0x105: {  	(v2sf) =	vpush v0, $0xE;
	s4 =	sor.u32 s4, s5  }
0x106: {  	s4 =	sshra.s32 s4, $0x2  }
0x107: {  	s4 =	sadd.s32 $0x0, s4;
	[tilespmem:s12+$0x12700] =	vst v1  }
0x108: {  	s17 =	spop (v2sf);
	v1 =	vld [tilespmem:s4+$0x5F00]  }
0x109: {  	s18 =	sand.u32 $0x7F, s17;
	s19 =	sshll.u32 s17, $0x2  }
0x10a: {  	s6 =	sand.u32 $0xFFFFFE00, s19;
	s4 =	sshll.u32 s18, $0x2  }
0x10b: {  	s4 =	sor.u32 s4, s6  }
0x10c: {  	s4 =	sshra.s32 s4, $0x2  }
0x10d: {  	s4 =	sadd.s32 $0x0, s4;
	[tilespmem:s12+$0x12710] =	vst v1  }
0x10e: {  	s5 =	sadd.s32 $0x10, s17;
	v1 =	vld [tilespmem:s4+$0x5F80]  }
0x10f: {  	s20 =	sand.u32 $0x7F, s5;
	s5 =	sshll.u32 s5, $0x2  }
0x110: {  	s5 =	sand.u32 $0xFFFFFE00, s5;
	s4 =	sshll.u32 s20, $0x2  }
0x111: {  	(v2sf) =	vpush v0, $0xF;
	s4 =	sor.u32 s4, s5  }
0x112: {  	s4 =	sshra.s32 s4, $0x2  }
0x113: {  	s4 =	sadd.s32 $0x0, s4;
	[tilespmem:s12+$0x12780] =	vst v1  }
0x114: {  	s21 =	spop (v2sf);
	v0 =	vld [tilespmem:s4+$0x5F80]  }
0x115: {  	s22 =	sand.u32 $0x7F, s21;
	s23 =	sshll.u32 s21, $0x2  }
0x116: {  	s6 =	sand.u32 $0xFFFFFE00, s23;
	s4 =	sshll.u32 s22, $0x2  }
0x117: {  	s4 =	sor.u32 s4, s6  }
0x118: {  	s4 =	sshra.s32 s4, $0x2  }
0x119: {  	s4 =	sadd.s32 $0x0, s4;
	[tilespmem:s12+$0x12790] =	vst v0  }
0x11a: {  	s5 =	sadd.s32 $0x10, s21;
	v0 =	vld [tilespmem:s4+$0x6000]  }
0x11b: {  	s24 =	sand.u32 $0x7F, s5;
	s5 =	sshll.u32 s5, $0x2  }
0x11c: {  	s5 =	sand.u32 $0xFFFFFE00, s5;
	s4 =	sshll.u32 s24, $0x2  }
0x11d: {  	s4 =	sor.u32 s4, s5  }
0x11e: {  	s4 =	sshra.s32 s4, $0x2  }
0x11f: {  	s4 =	sadd.s32 $0x0, s4;
	[tilespmem:s12+$0x12800] =	vst v0  }
0x120: {  	s25 =	spop (v2sf);
	v0 =	vld [tilespmem:s4+$0x6000]  }
0x121: {  	s26 =	sand.u32 $0x7F, s25;
	s29 =	sshll.u32 s25, $0x2  }
0x122: {  	s6 =	sand.u32 $0xFFFFFE00, s29;
	s4 =	sshll.u32 s26, $0x2  }
0x123: {  	s4 =	sor.u32 s4, s6  }
0x124: {  	s4 =	sshra.s32 s4, $0x2  }
0x125: {  	s4 =	sadd.s32 $0x0, s4;
	[tilespmem:s12+$0x12810] =	vst v0  }
0x126: {  	s5 =	sadd.s32 $0x10, s25;
	v0 =	vld [tilespmem:s4+$0x6080]  }
0x127: {  	s31 =	sand.u32 $0x7F, s5;
	s5 =	sshll.u32 s5, $0x2  }
0x128: {  	s5 =	sand.u32 $0xFFFFFE00, s5;
	s4 =	sshll.u32 s31, $0x2  }
0x129: {  	s4 =	sor.u32 s4, s5  }
0x12a: {  	s14 =	smul.u32 $0x640, s3;
	s4 =	sshra.s32 s4, $0x2  }
0x12b: {  	s4 =	sadd.s32 $0x0, s4;
	[tilespmem:s12+$0x12880] =	vst v0  }
0x12c: {  	s10 =	smov.u32 s8;
	s15 =	sshra.s32 s14, $0x2;
	s5 =	simm.s32 $0x2000;
	v0 =	vld [tilespmem:s4+$0x6080]  }
.LBB2_6:
0x12d: {  	_ =	sdelay $0x2  }
0x12e: {  	p0 =	sne.s32 s5, $0x16000  }
0x12f: {  	s10 =	sadd.s32 $0x10, s10;
	s4 =	smov.u32 s5;
	s5 =	sadd.s32 $0x2000, s5;
	[tilespmem:s12+$0x12890] =	vst v0  }
0x130: {  	v0 =	vld [tilespmem:s10+$0x0];
	_ =	sdelay $0x4  }
0x131: {  	(v2sf) =	vpush v0, $0x0;
	_ =	sdelay $0x3  }
0x132: {  	(v2sf) =	vpush v0, $0x1;
	_ =	sdelay $0x1  }
0x133: {  	(v2sf) =	vpush v0, $0x2;
	_ =	sdelay $0x7  }
0x134: {  	(v2sf) =	vpush v0, $0x3  }
0x135: {  	s12 =	sshra.s32 s4, $0x2;
	s4 =	spop (v2sf)  }
0x136: {  	s6 =	sand.u32 $0x7F, s4;
	s9 =	sshll.u32 s4, $0x2;
	s4 =	sadd.s32 $0x10, s4  }
0x137: {  	s9 =	sand.u32 $0xFFFFFE00, s9;
	s6 =	sshll.u32 s6, $0x2;
	s11 =	sand.u32 $0x7F, s4  }
0x138: {  	s4 =	sshll.u32 s4, $0x2;
	s6 =	sor.u32 s6, s9;
	s9 =	sshll.u32 s11, $0x2  }
0x139: {  	s4 =	sand.u32 $0xFFFFFE00, s4;
	s6 =	sshra.s32 s6, $0x2;
	s11 =	spop (v2sf)  }
0x13a: {  	s4 =	sor.u32 s9, s4;
	s6 =	sadd.s32 s12, s6;
	s9 =	sand.u32 $0x7F, s11;
	(v2sf) =	vpush v0, $0x4  }
0x13b: {  	v1 =	vld [tilespmem:s6+$0x5900];
	s6 =	sshll.u32 s11, $0x2;
	s11 =	sadd.s32 $0x10, s11;
	s13 =	spop (v2sf)  }
0x13c: {  	s9 =	sshll.u32 s9, $0x2;
	s6 =	sand.u32 $0xFFFFFE00, s6;
	s16 =	sand.u32 $0x7F, s13  }
0x13d: {  	s6 =	sor.u32 s9, s6;
	s9 =	sand.u32 $0x7F, s11;
	s11 =	sshll.u32 s11, $0x2  }
0x13e: {  	s17 =	sshll.u32 s13, $0x2;
	s6 =	sshra.s32 s6, $0x2;
	s11 =	sand.u32 $0xFFFFFE00, s11  }
0x13f: {  	s4 =	sshra.s32 s4, $0x2;
	s17 =	sand.u32 $0xFFFFFE00, s17;
	s16 =	sshll.u32 s16, $0x2  }
0x140: {  	s4 =	sadd.s32 s12, s4;
	s9 =	sshll.u32 s9, $0x2;
	s16 =	sor.u32 s16, s17;
	[tilespmem:s12+$0x12100] =	vst v1;
	(v2sf) =	vpush v0, $0x5  }
0x141: {  	v1 =	vld [tilespmem:s4+$0x5900];
	s4 =	sor.u32 s9, s11;
	s9 =	sshra.s32 s16, $0x2;
	s11 =	sadd.s32 $0x10, s13  }
0x142: {  	s4 =	sshra.s32 s4, $0x2;
	s13 =	sand.u32 $0x7F, s11;
	s11 =	sshll.u32 s11, $0x2  }
0x143: {  	s11 =	sand.u32 $0xFFFFFE00, s11;
	s13 =	sshll.u32 s13, $0x2;
	s17 =	spop (v2sf)  }
0x144: {  	s11 =	sor.u32 s13, s11;
	s13 =	sand.u32 $0x7F, s17;
	s18 =	sshll.u32 s17, $0x2  }
0x145: {  	s16 =	sshra.s32 s11, $0x2;
	s11 =	sand.u32 $0xFFFFFE00, s18;
	s13 =	sshll.u32 s13, $0x2  }
0x146: {  	s6 =	sadd.s32 s12, s6;
	[tilespmem:s12+$0x12110] =	vst v1;
	s11 =	sor.u32 s13, s11;
	s13 =	sadd.s32 $0x10, s17;
	(v2sf) =	vpush v0, $0x6  }
0x147: {  	v1 =	vld [tilespmem:s6+$0x5980];
	s6 =	sshra.s32 s11, $0x2;
	s17 =	sand.u32 $0x7F, s13;
	s13 =	sshll.u32 s13, $0x2  }
0x148: {  	s11 =	sadd.s32 s12, s6;
	s6 =	sand.u32 $0xFFFFFE00, s13;
	s13 =	sshll.u32 s17, $0x2  }
0x149: {  	s6 =	sor.u32 s13, s6;
	s17 =	spop (v2sf)  }
0x14a: {  	s6 =	sshra.s32 s6, $0x2;
	s18 =	sand.u32 $0x7F, s17;
	s19 =	sshll.u32 s17, $0x2  }
0x14b: {  	s13 =	sadd.s32 s12, s6;
	s6 =	sand.u32 $0xFFFFFE00, s19;
	s18 =	sshll.u32 s18, $0x2  }
0x14c: {  	s4 =	sadd.s32 s12, s4;
	s17 =	sadd.s32 $0x10, s17;
	[tilespmem:s12+$0x12180] =	vst v1;
	s6 =	sor.u32 s18, s6;
	(v2sf) =	vpush v0, $0x7  }
0x14d: {  	v1 =	vld [tilespmem:s4+$0x5980];
	s4 =	sshra.s32 s6, $0x2;
	s6 =	sand.u32 $0x7F, s17;
	s17 =	sshll.u32 s17, $0x2  }
0x14e: {  	s4 =	sadd.s32 s12, s4;
	s17 =	sand.u32 $0xFFFFFE00, s17;
	s6 =	sshll.u32 s6, $0x2  }
0x14f: {  	s6 =	sor.u32 s6, s17;
	s17 =	spop (v2sf);
	(v2sf) =	vpush v0, $0x8  }
0x150: {  	s6 =	sshra.s32 s6, $0x2;
	s18 =	sand.u32 $0x7F, s17;
	s19 =	sshll.u32 s17, $0x2  }
0x151: {  	s6 =	sadd.s32 s12, s6;
	s19 =	sand.u32 $0xFFFFFE00, s19;
	s18 =	sshll.u32 s18, $0x2  }
0x152: {  	s9 =	sadd.s32 s12, s9;
	s17 =	sadd.s32 $0x10, s17;
	[tilespmem:s12+$0x12190] =	vst v1;
	s18 =	sor.u32 s18, s19  }
0x153: {  	v1 =	vld [tilespmem:s9+$0x5A00];
	s9 =	sshra.s32 s18, $0x2;
	s18 =	sand.u32 $0x7F, s17;
	s17 =	sshll.u32 s17, $0x2  }
0x154: {  	s9 =	sadd.s32 s12, s9;
	s17 =	sand.u32 $0xFFFFFE00, s17;
	s18 =	sshll.u32 s18, $0x2  }
0x155: {  	s17 =	sor.u32 s18, s17;
	s18 =	spop (v2sf)  }
0x156: {  	s17 =	sshra.s32 s17, $0x2;
	s19 =	sand.u32 $0x7F, s18;
	s20 =	sshll.u32 s18, $0x2  }
0x157: {  	s26 =	sadd.s32 s12, s17;
	s17 =	sand.u32 $0xFFFFFE00, s20;
	s19 =	sshll.u32 s19, $0x2;
	(v2sf) =	vpush v0, $0x9  }
0x158: {  	s16 =	sadd.s32 s12, s16;
	s18 =	sadd.s32 $0x10, s18;
	[tilespmem:s12+$0x12200] =	vst v1;
	s17 =	sor.u32 s19, s17  }
0x159: {  	v1 =	vld [tilespmem:s16+$0x5A00];
	s16 =	sshra.s32 s17, $0x2;
	s17 =	sand.u32 $0x7F, s18;
	s18 =	sshll.u32 s18, $0x2  }
0x15a: {  	s21 =	sadd.s32 s12, s16;
	s16 =	sand.u32 $0xFFFFFE00, s18;
	s17 =	sshll.u32 s17, $0x2;
	(v2sf) =	vpush v0, $0xA  }
0x15b: {  	s16 =	sor.u32 s17, s16;
	s17 =	spop (v2sf)  }
0x15c: {  	s16 =	sshra.s32 s16, $0x2;
	s19 =	sand.u32 $0x7F, s17;
	s20 =	sshll.u32 s17, $0x2  }
0x15d: {  	s18 =	sadd.s32 s12, s16;
	s16 =	sand.u32 $0xFFFFFE00, s20;
	s19 =	sshll.u32 s19, $0x2  }
0x15e: {  	s17 =	sadd.s32 $0x10, s17;
	[tilespmem:s12+$0x12210] =	vst v1;
	s16 =	sor.u32 s19, s16;
	s19 =	spop (v2sf)  }
0x15f: {  	v1 =	vld [tilespmem:s11+$0x5A80];
	s11 =	sshra.s32 s16, $0x2;
	s16 =	sand.u32 $0x7F, s17;
	s17 =	sshll.u32 s17, $0x2  }
0x160: {  	s11 =	sadd.s32 s12, s11;
	s17 =	sand.u32 $0xFFFFFE00, s17;
	s16 =	sshll.u32 s16, $0x2  }
0x161: {  	s20 =	sshll.u32 s19, $0x2;
	s16 =	sor.u32 s16, s17;
	s17 =	sand.u32 $0x7F, s19  }
0x162: {  	s20 =	sand.u32 $0xFFFFFE00, s20;
	s16 =	sshra.s32 s16, $0x2;
	s17 =	sshll.u32 s17, $0x2;
	(v2sf) =	vpush v0, $0xB  }
0x163: {  	s31 =	sadd.s32 s12, s16;
	s16 =	sor.u32 s17, s20;
	s17 =	sadd.s32 $0x10, s19  }
0x164: {  	[tilespmem:s12+$0x12280] =	vst v1;
	s16 =	sshra.s32 s16, $0x2;
	s19 =	sand.u32 $0x7F, s17;
	s17 =	sshll.u32 s17, $0x2  }
0x165: {  	v1 =	vld [tilespmem:s13+$0x5A80];
	s16 =	sadd.s32 s12, s16;
	s13 =	sand.u32 $0xFFFFFE00, s17;
	s17 =	sshll.u32 s19, $0x2;
	(v2sf) =	vpush v0, $0xC  }
0x166: {  	s13 =	sor.u32 s17, s13;
	s17 =	spop (v2sf)  }
0x167: {  	s13 =	sshra.s32 s13, $0x2;
	s20 =	sand.u32 $0x7F, s17;
	s22 =	sshll.u32 s17, $0x2  }
0x168: {  	s19 =	sadd.s32 s12, s13;
	s13 =	sand.u32 $0xFFFFFE00, s22;
	s20 =	sshll.u32 s20, $0x2  }
0x169: {  	s17 =	sadd.s32 $0x10, s17;
	s13 =	sor.u32 s20, s13;
	s22 =	spop (v2sf)  }
0x16a: {  	s23 =	sand.u32 $0x7F, s17;
	s17 =	sshll.u32 s17, $0x2;
	[tilespmem:s12+$0x12290] =	vst v1;
	s13 =	sshra.s32 s13, $0x2  }
0x16b: {  	v1 =	vld [tilespmem:s4+$0x5B00];
	s20 =	sadd.s32 s12, s13;
	s4 =	sand.u32 $0xFFFFFE00, s17;
	s13 =	sshll.u32 s23, $0x2  }
0x16c: {  	s17 =	sshll.u32 s22, $0x2;
	s4 =	sor.u32 s13, s4;
	s13 =	sand.u32 $0x7F, s22  }
0x16d: {  	s17 =	sand.u32 $0xFFFFFE00, s17;
	s4 =	sshra.s32 s4, $0x2;
	s13 =	sshll.u32 s13, $0x2;
	(v2sf) =	vpush v0, $0xD  }
0x16e: {  	s23 =	sadd.s32 s12, s4;
	s4 =	sor.u32 s13, s17;
	s13 =	sadd.s32 $0x10, s22  }
0x16f: {  	s4 =	sshra.s32 s4, $0x2;
	s17 =	sand.u32 $0x7F, s13;
	s13 =	sshll.u32 s13, $0x2  }
0x170: {  	[tilespmem:s12+$0x12300] =	vst v1;
	s24 =	sadd.s32 s12, s4;
	s4 =	sand.u32 $0xFFFFFE00, s13;
	s13 =	sshll.u32 s17, $0x2;
	(v2sf) =	vpush v0, $0xE  }
0x171: {  	v1 =	vld [tilespmem:s6+$0x5B00];
	s4 =	sor.u32 s13, s4;
	s6 =	spop (v2sf)  }
0x172: {  	s4 =	sshra.s32 s4, $0x2;
	s13 =	sand.u32 $0x7F, s6;
	s17 =	sshll.u32 s6, $0x2  }
0x173: {  	s25 =	sadd.s32 s12, s4;
	s4 =	sand.u32 $0xFFFFFE00, s17;
	s13 =	sshll.u32 s13, $0x2  }
0x174: {  	s6 =	sadd.s32 $0x10, s6;
	s4 =	sor.u32 s13, s4;
	s17 =	spop (v2sf)  }
0x175: {  	s22 =	sand.u32 $0x7F, s6;
	s6 =	sshll.u32 s6, $0x2;
	s4 =	sshra.s32 s4, $0x2  }
0x176: {  	[tilespmem:s12+$0x12310] =	vst v1;
	s13 =	sadd.s32 s12, s4;
	s4 =	sand.u32 $0xFFFFFE00, s6;
	s6 =	sshll.u32 s22, $0x2  }
0x177: {  	v1 =	vld [tilespmem:s9+$0x5B80];
	s4 =	sor.u32 s6, s4;
	s6 =	sand.u32 $0x7F, s17;
	s9 =	sshll.u32 s17, $0x2  }
0x178: {  	s4 =	sshra.s32 s4, $0x2;
	s22 =	sand.u32 $0xFFFFFE00, s9;
	s6 =	sshll.u32 s6, $0x2;
	(v2sf) =	vpush v0, $0xF  }
0x179: {  	s9 =	sadd.s32 s12, s4;
	s4 =	sor.u32 s6, s22;
	s6 =	sadd.s32 $0x10, s17  }
0x17a: {  	s4 =	sshra.s32 s4, $0x2;
	s22 =	sand.u32 $0x7F, s6;
	s6 =	sshll.u32 s6, $0x2  }
0x17b: {  	s17 =	sadd.s32 s12, s4;
	s4 =	sand.u32 $0xFFFFFE00, s6;
	s6 =	sshll.u32 s22, $0x2  }
0x17c: {  	[tilespmem:s12+$0x12380] =	vst v1;
	s4 =	sor.u32 s6, s4;
	s6 =	spop (v2sf)  }
0x17d: {  	v0 =	vld [tilespmem:s26+$0x5B80];
	s4 =	sshra.s32 s4, $0x2;
	s22 =	sand.u32 $0x7F, s6;
	s0 =	sshll.u32 s6, $0x2  }
0x17e: {  	s26 =	sadd.s32 s12, s4;
	s0 =	sand.u32 $0xFFFFFE00, s0;
	s4 =	sshll.u32 s22, $0x2  }
0x17f: {  	s0 =	sor.u32 s4, s0;
	s4 =	sadd.s32 $0x10, s6;
	s6 =	spop (v2sf)  }
0x180: {  	s0 =	sshra.s32 s0, $0x2;
	s29 =	sand.u32 $0x7F, s4;
	s4 =	sshll.u32 s4, $0x2  }
0x181: {  	s22 =	sadd.s32 s12, s0;
	s0 =	sand.u32 $0xFFFFFE00, s4;
	s4 =	sshll.u32 s29, $0x2  }
0x182: {  	s29 =	sshll.u32 s6, $0x2;
	[tilespmem:s12+$0x12390] =	vst v0;
	s0 =	sor.u32 s4, s0;
	s4 =	sand.u32 $0x7F, s6  }
0x183: {  	s29 =	sand.u32 $0xFFFFFE00, s29;
	v0 =	vld [tilespmem:s21+$0x5C00];
	s0 =	sshra.s32 s0, $0x2;
	s4 =	sshll.u32 s4, $0x2  }
0x184: {  	s21 =	sadd.s32 s12, s0;
	s0 =	sor.u32 s4, s29;
	s4 =	sadd.s32 $0x10, s6  }
0x185: {  	s0 =	sshra.s32 s0, $0x2;
	s29 =	sand.u32 $0x7F, s4;
	s4 =	sshll.u32 s4, $0x2  }
0x186: {  	s6 =	sadd.s32 s12, s0;
	s0 =	sand.u32 $0xFFFFFE00, s4;
	s4 =	sshll.u32 s29, $0x2  }
0x187: {  	s0 =	sor.u32 s4, s0;
	s4 =	spop (v2sf)  }
0x188: {  	[tilespmem:s12+$0x12400] =	vst v0;
	s0 =	sshra.s32 s0, $0x2;
	s29 =	sand.u32 $0x7F, s4;
	s2 =	sshll.u32 s4, $0x2  }
0x189: {  	v0 =	vld [tilespmem:s18+$0x5C00];
	s18 =	sadd.s32 s12, s0;
	s0 =	sand.u32 $0xFFFFFE00, s2;
	s2 =	sshll.u32 s29, $0x2  }
0x18a: {  	s0 =	sor.u32 s2, s0;
	s2 =	sadd.s32 $0x10, s4  }
0x18b: {  	s0 =	sshra.s32 s0, $0x2;
	s29 =	sand.u32 $0x7F, s2;
	s2 =	sshll.u32 s2, $0x2  }
0x18c: {  	s4 =	sadd.s32 s12, s0;
	s0 =	sand.u32 $0xFFFFFE00, s2;
	s2 =	sshll.u32 s29, $0x2  }
0x18d: {  	s0 =	sor.u32 s2, s0  }
0x18e: {  	[tilespmem:s12+$0x12410] =	vst v0;
	s0 =	sshra.s32 s0, $0x2  }
0x18f: {  	v0 =	vld [tilespmem:s11+$0x5C80];
	s11 =	sadd.s32 s12, s0;
	_ =	sdelay $0x4  }
0x190: {  	[tilespmem:s12+$0x12480] =	vst v0  }
0x191: {  	v0 =	vld [tilespmem:s31+$0x5C80];
	_ =	sdelay $0x4  }
0x192: {  	[tilespmem:s12+$0x12490] =	vst v0  }
0x193: {  	v0 =	vld [tilespmem:s16+$0x5D00];
	_ =	sdelay $0x4  }
0x194: {  	[tilespmem:s12+$0x12500] =	vst v0  }
0x195: {  	v0 =	vld [tilespmem:s19+$0x5D00];
	_ =	sdelay $0x4  }
0x196: {  	[tilespmem:s12+$0x12510] =	vst v0  }
0x197: {  	v0 =	vld [tilespmem:s20+$0x5D80];
	_ =	sdelay $0x4  }
0x198: {  	[tilespmem:s12+$0x12580] =	vst v0  }
0x199: {  	v0 =	vld [tilespmem:s23+$0x5D80];
	_ =	sdelay $0x4  }
0x19a: {  	[tilespmem:s12+$0x12590] =	vst v0  }
0x19b: {  	v0 =	vld [tilespmem:s24+$0x5E00];
	_ =	sdelay $0x4  }
0x19c: {  	[tilespmem:s12+$0x12600] =	vst v0  }
0x19d: {  	v0 =	vld [tilespmem:s25+$0x5E00];
	_ =	sdelay $0x4  }
0x19e: {  	[tilespmem:s12+$0x12610] =	vst v0  }
0x19f: {  	v0 =	vld [tilespmem:s13+$0x5E80];
	_ =	sdelay $0x4  }
0x1a0: {  	[tilespmem:s12+$0x12680] =	vst v0  }
0x1a1: {  	v0 =	vld [tilespmem:s9+$0x5E80];
	_ =	sdelay $0x4  }
0x1a2: {  	[tilespmem:s12+$0x12690] =	vst v0  }
0x1a3: {  	v0 =	vld [tilespmem:s17+$0x5F00];
	_ =	sdelay $0x4  }
0x1a4: {  	[tilespmem:s12+$0x12700] =	vst v0  }
0x1a5: {  	v0 =	vld [tilespmem:s26+$0x5F00];
	_ =	sdelay $0x4  }
0x1a6: {  	[tilespmem:s12+$0x12710] =	vst v0  }
0x1a7: {  	v0 =	vld [tilespmem:s22+$0x5F80];
	_ =	sdelay $0x4  }
0x1a8: {  	[tilespmem:s12+$0x12780] =	vst v0  }
0x1a9: {  	v0 =	vld [tilespmem:s21+$0x5F80];
	_ =	sdelay $0x4  }
0x1aa: {  	[tilespmem:s12+$0x12790] =	vst v0  }
0x1ab: {  	v0 =	vld [tilespmem:s6+$0x6000];
	_ =	sdelay $0x4  }
0x1ac: {  	[tilespmem:s12+$0x12800] =	vst v0  }
0x1ad: {  	v0 =	vld [tilespmem:s18+$0x6000];
	_ =	sdelay $0x4  }
0x1ae: {  	[tilespmem:s12+$0x12810] =	vst v0  }
0x1af: {  	v0 =	vld [tilespmem:s4+$0x6080];
	_ =	sdelay $0x1  }
.Ltmp1:
0x1b0: {  	(pc) =	sbr.rel @p0 .LBB2_6-.Ltmp1, $3  }
0x1b1: {  	_ =	sdelay $0x1  }
0x1b2: {  	[tilespmem:s12+$0x12880] =	vst v0  }
0x1b3: {  	v0 =	vld [tilespmem:s11+$0x6080]  }
0x1b4: {  	_ =	sdelay $0x3  }
0x1b5: {  	[tilespmem:s12+$0x12890] =	vst v0  }
0x1b6: {  	v0 =	vld [tilespmem:s15+$0x4D38];
	_ =	sdelay $0x4  }
0x1b7: {  	(v2sf) =	vpush v0, $0x0;
	_ =	sdelay $0xb  }
0x1b8: {  	(v2sf) =	vpush v0, $0x1;
	_ =	sdelay $0x2  }
0x1b9: {  	s0 =	spop (v2sf)  }
0x1ba: {  	v1 =	vld [tilespmem:s0+$0xB500];
	_ =	sdelay $0x4  }
0x1bb: {  	[tilespmem:$0x17D00] =	vst v1  }
0x1bc: {  	v1 =	vld [tilespmem:s0+$0xB510];
	_ =	sdelay $0x1  }
0x1bd: {  	(v2sf) =	vpush v0, $0x2;
	_ =	sdelay $0x2  }
0x1be: {  	s24 =	spop (v2sf);
	[tilespmem:$0x17D10] =	vst v1  }
0x1bf: {  	v1 =	vld [tilespmem:s24+$0xB580];
	_ =	sdelay $0x4  }
0x1c0: {  	[tilespmem:$0x17D80] =	vst v1  }
0x1c1: {  	v1 =	vld [tilespmem:s24+$0xB590];
	_ =	sdelay $0x1  }
0x1c2: {  	(v2sf) =	vpush v0, $0x3;
	_ =	sdelay $0x2  }
0x1c3: {  	s25 =	spop (v2sf);
	[tilespmem:$0x17D90] =	vst v1  }
0x1c4: {  	v1 =	vld [tilespmem:s25+$0xB600];
	_ =	sdelay $0x4  }
0x1c5: {  	[tilespmem:$0x17E00] =	vst v1  }
0x1c6: {  	v1 =	vld [tilespmem:s25+$0xB610];
	_ =	sdelay $0x1  }
0x1c7: {  	(v2sf) =	vpush v0, $0x4;
	_ =	sdelay $0x2  }
0x1c8: {  	s26 =	spop (v2sf);
	[tilespmem:$0x17E10] =	vst v1  }
0x1c9: {  	v1 =	vld [tilespmem:s26+$0xB680];
	_ =	sdelay $0x4  }
0x1ca: {  	[tilespmem:$0x17E80] =	vst v1  }
0x1cb: {  	v1 =	vld [tilespmem:s26+$0xB690];
	_ =	sdelay $0x1  }
0x1cc: {  	(v2sf) =	vpush v0, $0x5;
	_ =	sdelay $0x2  }
0x1cd: {  	s2 =	spop (v2sf);
	[tilespmem:$0x17E90] =	vst v1  }
0x1ce: {  	v1 =	vld [tilespmem:s2+$0xB700];
	_ =	sdelay $0x4  }
0x1cf: {  	[tilespmem:$0x17F00] =	vst v1  }
0x1d0: {  	v1 =	vld [tilespmem:s2+$0xB710];
	_ =	sdelay $0x1  }
0x1d1: {  	(v2sf) =	vpush v0, $0x6;
	_ =	sdelay $0x2  }
0x1d2: {  	s4 =	spop (v2sf);
	[tilespmem:$0x17F10] =	vst v1  }
0x1d3: {  	v1 =	vld [tilespmem:s4+$0xB780];
	_ =	sdelay $0x4  }
0x1d4: {  	[tilespmem:$0x17F80] =	vst v1  }
0x1d5: {  	v1 =	vld [tilespmem:s4+$0xB790];
	_ =	sdelay $0x1  }
0x1d6: {  	(v2sf) =	vpush v0, $0x7;
	_ =	sdelay $0x2  }
0x1d7: {  	s5 =	spop (v2sf);
	[tilespmem:$0x17F90] =	vst v1  }
0x1d8: {  	v1 =	vld [tilespmem:s5+$0xB800];
	_ =	sdelay $0x4  }
0x1d9: {  	[tilespmem:$0x18000] =	vst v1  }
0x1da: {  	v1 =	vld [tilespmem:s5+$0xB810];
	_ =	sdelay $0x1  }
0x1db: {  	(v2sf) =	vpush v0, $0x8;
	_ =	sdelay $0x2  }
0x1dc: {  	s6 =	spop (v2sf);
	[tilespmem:$0x18010] =	vst v1  }
0x1dd: {  	v1 =	vld [tilespmem:s6+$0xB880];
	_ =	sdelay $0x4  }
0x1de: {  	[tilespmem:$0x18080] =	vst v1  }
0x1df: {  	v1 =	vld [tilespmem:s6+$0xB890];
	_ =	sdelay $0x1  }
0x1e0: {  	(v2sf) =	vpush v0, $0x9;
	_ =	sdelay $0x2  }
0x1e1: {  	s9 =	spop (v2sf);
	[tilespmem:$0x18090] =	vst v1  }
0x1e2: {  	v1 =	vld [tilespmem:s9+$0xB900];
	_ =	sdelay $0x4  }
0x1e3: {  	[tilespmem:$0x18100] =	vst v1  }
0x1e4: {  	v1 =	vld [tilespmem:s9+$0xB910];
	_ =	sdelay $0x1  }
0x1e5: {  	(v2sf) =	vpush v0, $0xA;
	_ =	sdelay $0x2  }
0x1e6: {  	s10 =	spop (v2sf);
	[tilespmem:$0x18110] =	vst v1  }
0x1e7: {  	v1 =	vld [tilespmem:s10+$0xB980];
	_ =	sdelay $0x4  }
0x1e8: {  	[tilespmem:$0x18180] =	vst v1  }
0x1e9: {  	v1 =	vld [tilespmem:s10+$0xB990];
	_ =	sdelay $0x1  }
0x1ea: {  	(v2sf) =	vpush v0, $0xB;
	_ =	sdelay $0x2  }
0x1eb: {  	s11 =	spop (v2sf);
	[tilespmem:$0x18190] =	vst v1  }
0x1ec: {  	v1 =	vld [tilespmem:s11+$0xBA00];
	_ =	sdelay $0x4  }
0x1ed: {  	[tilespmem:$0x18200] =	vst v1  }
0x1ee: {  	v1 =	vld [tilespmem:s11+$0xBA10];
	_ =	sdelay $0x1  }
0x1ef: {  	(v2sf) =	vpush v0, $0xC;
	_ =	sdelay $0x2  }
0x1f0: {  	s12 =	spop (v2sf);
	[tilespmem:$0x18210] =	vst v1  }
0x1f1: {  	v1 =	vld [tilespmem:s12+$0xBA80];
	_ =	sdelay $0x4  }
0x1f2: {  	[tilespmem:$0x18280] =	vst v1  }
0x1f3: {  	v1 =	vld [tilespmem:s12+$0xBA90];
	_ =	sdelay $0x1  }
0x1f4: {  	(v2sf) =	vpush v0, $0xD;
	_ =	sdelay $0x2  }
0x1f5: {  	s13 =	spop (v2sf);
	[tilespmem:$0x18290] =	vst v1  }
0x1f6: {  	v1 =	vld [tilespmem:s13+$0xBB00];
	_ =	sdelay $0x4  }
0x1f7: {  	[tilespmem:$0x18300] =	vst v1  }
0x1f8: {  	v1 =	vld [tilespmem:s13+$0xBB10];
	_ =	sdelay $0x1  }
0x1f9: {  	(v2sf) =	vpush v0, $0xE;
	_ =	sdelay $0x2  }
0x1fa: {  	s15 =	spop (v2sf);
	[tilespmem:$0x18310] =	vst v1  }
0x1fb: {  	v1 =	vld [tilespmem:s15+$0xBB80];
	_ =	sdelay $0x4  }
0x1fc: {  	[tilespmem:$0x18380] =	vst v1  }
0x1fd: {  	v1 =	vld [tilespmem:s15+$0xBB90];
	_ =	sdelay $0x1  }
0x1fe: {  	(v2sf) =	vpush v0, $0xF;
	_ =	sdelay $0x2  }
0x1ff: {  	s16 =	spop (v2sf);
	[tilespmem:$0x18390] =	vst v1  }
0x200: {  	v0 =	vld [tilespmem:s16+$0xBC00];
	_ =	sdelay $0x4  }
0x201: {  	[tilespmem:$0x18400] =	vst v0  }
0x202: {  	v0 =	vld [tilespmem:s16+$0xBC10];
	_ =	sdelay $0x4  }
0x203: {  	s17 =	spop (v2sf);
	[tilespmem:$0x18410] =	vst v0  }
0x204: {  	v0 =	vld [tilespmem:s17+$0xBC80];
	_ =	sdelay $0x4  }
0x205: {  	[tilespmem:$0x18480] =	vst v0  }
0x206: {  	s18 =	sshll.u32 s1, $0x2;
	s19 =	rddreg [dreg:$0x4];
	v0 =	vld [tilespmem:s17+$0xBC90]  }
0x207: {  	s0 =	sadd.s32 s19, s18  }
0x208: {  	s1 =	smul.u32 $0x380, s0  }
0x209: {  	s20 =	rddreg [dreg:$0x7];
	s0 =	smul.u32 $0x1C00, s0  }
0x20a: {  	s29 =	simm.s32 $0x0;
	s4 =	rddreg [dreg:$0x5]  }
0x20b: {  	s0 =	sshrl.u32 s0, $0x3;
	s2 =	sadd.s32 s4, s1;
	s5 =	simm.s32 $0x12100;
	[tilespmem:$0x18490] =	vst v0  }
0x20c: {  	[hbm4b:s2+s29] =	stream.linear.scatter [tilespmem:s5], [sflag:$0x3], $0x1900, $0x38;
	[tilespmem:$0x1E900] =	vst v63  }
0x20d: {  	s21 =	simm.s32 $0x13A00;
	s1 =	sadd.s32 s1, s20;
	s0 =	sadd.s32 s4, s0  }
0x20e: {  	[hbm4b:s1+s29] =	stream.linear.scatter [tilespmem:s21], [sflag:$0x3], $0x1900, $0x38;
	[tilespmem:$0x1E900] =	vst v63  }
0x20f: {  	s23 =	simm.s32 $0x15300;
	s22 =	sadd.s32 $0x700, s0  }
0x210: {  	[hbm4b:s22+s29] =	stream.linear.scatter [tilespmem:s23], [sflag:$0x3], $0x1900, $0x38;
	[tilespmem:$0x1E900] =	vst v63  }
0x211: {  	p0 =	seq.s32 s3, $0x7;
	s24 =	simm.s32 $0x16C00;
	s0 =	sadd.s32 $0xA80, s0  }
0x212: {  	[hbm4b:s0+s29] =	stream.linear.scatter [tilespmem:s24], [sflag:$0x3], $0x1900, $0x38;
	[tilespmem:$0x1E900] =	vst v63  }
0x213: {  	s25 =	simm.s32 $0x2;
	s0 =	sshra.s32 @!p0 s14, $0x2  }
0x214: {  	s2 =	simm.s32 @!p0 $0x5900;
	s1 =	simm.s32 @!p0 $0xC8;
	s0 =	sadd.s32 @!p0 $0x2190, s0  }
0x215: {  	[tilespmem:s2], [sflag:$0x1] =	stream.indirect.gather @!p0 [hbm4b:s7+s1], $0x80, s0, s1, $0xb8;
	[tilespmem:$0x1E900] =	vst v63  }
0x216: {  	_ =	swait.ge [sflag:s25], $0x6400  }
0x217: {  	s26 =	rddreg [dreg:$0xb]  }
0x218: {  	s1 =	sor.u32 s26, s30  }
0x219: {  	[sflag:s25] =	ssyncset.done $0x0;
	p0 =	slt.u32 s1, $0x3  }
0x21a: {  	[sflag:s25] =	ssyncadd.s32 $0xFFFF9C00;
	s0 =	simm.s32 @!p0 $0x4  }
0x21b: {  	_ =	swait.ge @!p0 [sflag:s0], $0x1900  }
0x21c: {  	[sflag:s0] =	ssyncset.done @!p0 $0x0  }
0x21d: {  	[sflag:s0] =	ssyncadd.s32 @!p0 $0xFFFFE700  }
0x21e: {  	_ =	swait.ge @!p0 [sflag:s0], $0x1900  }
0x21f: {  	[sflag:s0] =	ssyncset.done @!p0 $0x0  }
0x220: {  	[sflag:s0] =	ssyncadd.s32 @!p0 $0xFFFFE700  }
0x221: {  	_ =	swait.ge @!p0 [sflag:s0], $0x1900  }
0x222: {  	[sflag:s0] =	ssyncset.done @!p0 $0x0  }
0x223: {  	[sflag:s0] =	ssyncadd.s32 @!p0 $0xFFFFE700  }
0x224: {  	_ =	swait.ge @!p0 [sflag:s0], $0x1900  }
0x225: {  	[sflag:s0] =	ssyncset.done @!p0 $0x0  }
0x226: {  	[sflag:s0] =	ssyncadd.s32 @!p0 $0xFFFFE700  }
0x227: {  	v0 =	vld [tilespmem:s28+$0x0];
	_ =	sdelay $0x4  }
0x228: {  	(v2sf) =	vpush v0, $0x0;
	_ =	sdelay $0xb  }
0x229: {  	(v2sf) =	vpush v0, $0x1;
	_ =	sdelay $0x2  }
0x22a: {  	s30 =	spop (v2sf)  }
0x22b: {  	s5 =	sand.u32 $0x7F, s30;
	s6 =	sshll.u32 s30, $0x2  }
0x22c: {  	s4 =	sand.u32 $0xFFFFFE00, s6;
	s2 =	sshll.u32 s5, $0x2  }
0x22d: {  	s2 =	sor.u32 s2, s4  }
0x22e: {  	s2 =	sshra.s32 s2, $0x2  }
0x22f: {  	s2 =	sadd.s32 $0x0, s2  }
0x230: {  	s0 =	sadd.s32 $0x10, s30;
	v1 =	vld [tilespmem:s2+$0xBD00]  }
0x231: {  	s31 =	smov.u32 s7;
	s7 =	sand.u32 $0x7F, s0;
	s0 =	sshll.u32 s0, $0x2  }
0x232: {  	s0 =	sand.u32 $0xFFFFFE00, s0;
	s2 =	sshll.u32 s7, $0x2  }
0x233: {  	(v2sf) =	vpush v0, $0x2;
	s0 =	sor.u32 s2, s0  }
0x234: {  	s12 =	simm.s32 $0x0;
	s0 =	sshra.s32 s0, $0x2  }
0x235: {  	s0 =	sadd.s32 $0x0, s0;
	[tilespmem:s12+$0x18500] =	vst v1  }
0x236: {  	s9 =	spop (v2sf);
	v1 =	vld [tilespmem:s0+$0xBD00]  }
0x237: {  	s10 =	sand.u32 $0x7F, s9;
	s11 =	sshll.u32 s9, $0x2  }
0x238: {  	s4 =	sand.u32 $0xFFFFFE00, s11;
	s0 =	sshll.u32 s10, $0x2  }
0x239: {  	s0 =	sor.u32 s0, s4  }
0x23a: {  	s0 =	sshra.s32 s0, $0x2  }
0x23b: {  	s0 =	sadd.s32 $0x0, s0;
	[tilespmem:s12+$0x18510] =	vst v1  }
0x23c: {  	s2 =	sadd.s32 $0x10, s9;
	v1 =	vld [tilespmem:s0+$0xBD80]  }
0x23d: {  	s13 =	sand.u32 $0x7F, s2;
	s2 =	sshll.u32 s2, $0x2  }
0x23e: {  	s2 =	sand.u32 $0xFFFFFE00, s2;
	s0 =	sshll.u32 s13, $0x2  }
0x23f: {  	(v2sf) =	vpush v0, $0x3;
	s0 =	sor.u32 s0, s2  }
0x240: {  	s0 =	sshra.s32 s0, $0x2  }
0x241: {  	s0 =	sadd.s32 $0x0, s0;
	[tilespmem:s12+$0x18580] =	vst v1  }
0x242: {  	s14 =	spop (v2sf);
	v1 =	vld [tilespmem:s0+$0xBD80]  }
0x243: {  	s15 =	sand.u32 $0x7F, s14;
	s16 =	sshll.u32 s14, $0x2  }
0x244: {  	s4 =	sand.u32 $0xFFFFFE00, s16;
	s0 =	sshll.u32 s15, $0x2  }
0x245: {  	s0 =	sor.u32 s0, s4  }
0x246: {  	s0 =	sshra.s32 s0, $0x2  }
0x247: {  	s0 =	sadd.s32 $0x0, s0;
	[tilespmem:s12+$0x18590] =	vst v1  }
0x248: {  	s2 =	sadd.s32 $0x10, s14;
	v1 =	vld [tilespmem:s0+$0xBE00]  }
0x249: {  	s17 =	sand.u32 $0x7F, s2;
	s2 =	sshll.u32 s2, $0x2  }
0x24a: {  	s2 =	sand.u32 $0xFFFFFE00, s2;
	s0 =	sshll.u32 s17, $0x2  }
0x24b: {  	(v2sf) =	vpush v0, $0x4;
	s0 =	sor.u32 s0, s2  }
0x24c: {  	s0 =	sshra.s32 s0, $0x2  }
0x24d: {  	s0 =	sadd.s32 $0x0, s0;
	[tilespmem:s12+$0x18600] =	vst v1  }
0x24e: {  	s18 =	spop (v2sf);
	v1 =	vld [tilespmem:s0+$0xBE00]  }
0x24f: {  	s19 =	sand.u32 $0x7F, s18;
	s20 =	sshll.u32 s18, $0x2  }
0x250: {  	s4 =	sand.u32 $0xFFFFFE00, s20;
	s0 =	sshll.u32 s19, $0x2  }
0x251: {  	s0 =	sor.u32 s0, s4  }
0x252: {  	s0 =	sshra.s32 s0, $0x2  }
0x253: {  	s0 =	sadd.s32 $0x0, s0;
	[tilespmem:s12+$0x18610] =	vst v1  }
0x254: {  	s2 =	sadd.s32 $0x10, s18;
	v1 =	vld [tilespmem:s0+$0xBE80]  }
0x255: {  	s21 =	sand.u32 $0x7F, s2;
	s2 =	sshll.u32 s2, $0x2  }
0x256: {  	s2 =	sand.u32 $0xFFFFFE00, s2;
	s0 =	sshll.u32 s21, $0x2  }
0x257: {  	(v2sf) =	vpush v0, $0x5;
	s0 =	sor.u32 s0, s2  }
0x258: {  	s0 =	sshra.s32 s0, $0x2  }
0x259: {  	s0 =	sadd.s32 $0x0, s0;
	[tilespmem:s12+$0x18680] =	vst v1  }
0x25a: {  	s22 =	spop (v2sf);
	v1 =	vld [tilespmem:s0+$0xBE80]  }
0x25b: {  	s23 =	sand.u32 $0x7F, s22;
	s24 =	sshll.u32 s22, $0x2  }
0x25c: {  	s4 =	sand.u32 $0xFFFFFE00, s24;
	s0 =	sshll.u32 s23, $0x2  }
0x25d: {  	s0 =	sor.u32 s0, s4  }
0x25e: {  	s0 =	sshra.s32 s0, $0x2  }
0x25f: {  	s0 =	sadd.s32 $0x0, s0;
	[tilespmem:s12+$0x18690] =	vst v1  }
0x260: {  	s2 =	sadd.s32 $0x10, s22;
	v1 =	vld [tilespmem:s0+$0xBF00]  }
0x261: {  	s25 =	sand.u32 $0x7F, s2;
	s2 =	sshll.u32 s2, $0x2  }
0x262: {  	s2 =	sand.u32 $0xFFFFFE00, s2;
	s0 =	sshll.u32 s25, $0x2  }
0x263: {  	(v2sf) =	vpush v0, $0x6;
	s0 =	sor.u32 s0, s2  }
0x264: {  	s0 =	sshra.s32 s0, $0x2  }
0x265: {  	s0 =	sadd.s32 $0x0, s0;
	[tilespmem:s12+$0x18700] =	vst v1  }
0x266: {  	s26 =	spop (v2sf);
	v1 =	vld [tilespmem:s0+$0xBF00]  }
0x267: {  	s30 =	sand.u32 $0x7F, s26;
	s5 =	sshll.u32 s26, $0x2  }
0x268: {  	s4 =	sand.u32 $0xFFFFFE00, s5;
	s0 =	sshll.u32 s30, $0x2  }
0x269: {  	s0 =	sor.u32 s0, s4  }
0x26a: {  	s0 =	sshra.s32 s0, $0x2  }
0x26b: {  	s0 =	sadd.s32 $0x0, s0;
	[tilespmem:s12+$0x18710] =	vst v1  }
0x26c: {  	s2 =	sadd.s32 $0x10, s26;
	v1 =	vld [tilespmem:s0+$0xBF80]  }
0x26d: {  	s6 =	sand.u32 $0x7F, s2;
	s2 =	sshll.u32 s2, $0x2  }
0x26e: {  	s2 =	sand.u32 $0xFFFFFE00, s2;
	s0 =	sshll.u32 s6, $0x2  }
0x26f: {  	(v2sf) =	vpush v0, $0x7;
	s0 =	sor.u32 s0, s2  }
0x270: {  	s0 =	sshra.s32 s0, $0x2  }
0x271: {  	s0 =	sadd.s32 $0x0, s0;
	[tilespmem:s12+$0x18780] =	vst v1  }
0x272: {  	s7 =	spop (v2sf);
	v1 =	vld [tilespmem:s0+$0xBF80]  }
0x273: {  	s9 =	sand.u32 $0x7F, s7;
	s10 =	sshll.u32 s7, $0x2  }
0x274: {  	s4 =	sand.u32 $0xFFFFFE00, s10;
	s0 =	sshll.u32 s9, $0x2  }
0x275: {  	s0 =	sor.u32 s0, s4  }
0x276: {  	s0 =	sshra.s32 s0, $0x2  }
0x277: {  	s0 =	sadd.s32 $0x0, s0;
	[tilespmem:s12+$0x18790] =	vst v1  }
0x278: {  	s2 =	sadd.s32 $0x10, s7;
	v1 =	vld [tilespmem:s0+$0xC000]  }
0x279: {  	s11 =	sand.u32 $0x7F, s2;
	s2 =	sshll.u32 s2, $0x2  }
0x27a: {  	s2 =	sand.u32 $0xFFFFFE00, s2;
	s0 =	sshll.u32 s11, $0x2  }
0x27b: {  	(v2sf) =	vpush v0, $0x8;
	s0 =	sor.u32 s0, s2  }
0x27c: {  	s0 =	sshra.s32 s0, $0x2  }
0x27d: {  	s0 =	sadd.s32 $0x0, s0;
	[tilespmem:s12+$0x18800] =	vst v1  }
0x27e: {  	s13 =	spop (v2sf);
	v1 =	vld [tilespmem:s0+$0xC000]  }
0x27f: {  	s14 =	sand.u32 $0x7F, s13;
	s15 =	sshll.u32 s13, $0x2  }
0x280: {  	s4 =	sand.u32 $0xFFFFFE00, s15;
	s0 =	sshll.u32 s14, $0x2  }
0x281: {  	s0 =	sor.u32 s0, s4  }
0x282: {  	s0 =	sshra.s32 s0, $0x2  }
0x283: {  	s0 =	sadd.s32 $0x0, s0;
	[tilespmem:s12+$0x18810] =	vst v1  }
0x284: {  	s2 =	sadd.s32 $0x10, s13;
	v1 =	vld [tilespmem:s0+$0xC080]  }
0x285: {  	s16 =	sand.u32 $0x7F, s2;
	s2 =	sshll.u32 s2, $0x2  }
0x286: {  	s2 =	sand.u32 $0xFFFFFE00, s2;
	s0 =	sshll.u32 s16, $0x2  }
0x287: {  	(v2sf) =	vpush v0, $0x9;
	s0 =	sor.u32 s0, s2  }
0x288: {  	s0 =	sshra.s32 s0, $0x2  }
0x289: {  	s0 =	sadd.s32 $0x0, s0;
	[tilespmem:s12+$0x18880] =	vst v1  }
0x28a: {  	s17 =	spop (v2sf);
	v1 =	vld [tilespmem:s0+$0xC080]  }
0x28b: {  	s18 =	sand.u32 $0x7F, s17;
	s19 =	sshll.u32 s17, $0x2  }
0x28c: {  	s4 =	sand.u32 $0xFFFFFE00, s19;
	s0 =	sshll.u32 s18, $0x2  }
0x28d: {  	s0 =	sor.u32 s0, s4  }
0x28e: {  	s0 =	sshra.s32 s0, $0x2  }
0x28f: {  	s0 =	sadd.s32 $0x0, s0;
	[tilespmem:s12+$0x18890] =	vst v1  }
0x290: {  	s2 =	sadd.s32 $0x10, s17;
	v1 =	vld [tilespmem:s0+$0xC100]  }
0x291: {  	s20 =	sand.u32 $0x7F, s2;
	s2 =	sshll.u32 s2, $0x2  }
0x292: {  	s2 =	sand.u32 $0xFFFFFE00, s2;
	s0 =	sshll.u32 s20, $0x2  }
0x293: {  	(v2sf) =	vpush v0, $0xA;
	s0 =	sor.u32 s0, s2  }
0x294: {  	s0 =	sshra.s32 s0, $0x2  }
0x295: {  	s0 =	sadd.s32 $0x0, s0;
	[tilespmem:s12+$0x18900] =	vst v1  }
0x296: {  	s21 =	spop (v2sf);
	v1 =	vld [tilespmem:s0+$0xC100]  }
0x297: {  	s22 =	sand.u32 $0x7F, s21;
	s23 =	sshll.u32 s21, $0x2  }
0x298: {  	s4 =	sand.u32 $0xFFFFFE00, s23;
	s0 =	sshll.u32 s22, $0x2  }
0x299: {  	s0 =	sor.u32 s0, s4  }
0x29a: {  	s0 =	sshra.s32 s0, $0x2  }
0x29b: {  	s0 =	sadd.s32 $0x0, s0;
	[tilespmem:s12+$0x18910] =	vst v1  }
0x29c: {  	s2 =	sadd.s32 $0x10, s21;
	v1 =	vld [tilespmem:s0+$0xC180]  }
0x29d: {  	s24 =	sand.u32 $0x7F, s2;
	s2 =	sshll.u32 s2, $0x2  }
0x29e: {  	s2 =	sand.u32 $0xFFFFFE00, s2;
	s0 =	sshll.u32 s24, $0x2  }
0x29f: {  	(v2sf) =	vpush v0, $0xB;
	s0 =	sor.u32 s0, s2  }
0x2a0: {  	s0 =	sshra.s32 s0, $0x2  }
0x2a1: {  	s0 =	sadd.s32 $0x0, s0;
	[tilespmem:s12+$0x18980] =	vst v1  }
0x2a2: {  	s25 =	spop (v2sf);
	v1 =	vld [tilespmem:s0+$0xC180]  }
0x2a3: {  	s26 =	sand.u32 $0x7F, s25;
	s30 =	sshll.u32 s25, $0x2  }
0x2a4: {  	s4 =	sand.u32 $0xFFFFFE00, s30;
	s0 =	sshll.u32 s26, $0x2  }
0x2a5: {  	s0 =	sor.u32 s0, s4  }
0x2a6: {  	s0 =	sshra.s32 s0, $0x2  }
0x2a7: {  	s0 =	sadd.s32 $0x0, s0;
	[tilespmem:s12+$0x18990] =	vst v1  }
0x2a8: {  	s2 =	sadd.s32 $0x10, s25;
	v1 =	vld [tilespmem:s0+$0xC200]  }
0x2a9: {  	s5 =	sand.u32 $0x7F, s2;
	s2 =	sshll.u32 s2, $0x2  }
0x2aa: {  	s2 =	sand.u32 $0xFFFFFE00, s2;
	s0 =	sshll.u32 s5, $0x2  }
0x2ab: {  	(v2sf) =	vpush v0, $0xC;
	s0 =	sor.u32 s0, s2  }
0x2ac: {  	s0 =	sshra.s32 s0, $0x2  }
0x2ad: {  	s0 =	sadd.s32 $0x0, s0;
	[tilespmem:s12+$0x18A00] =	vst v1  }
0x2ae: {  	s6 =	spop (v2sf);
	v1 =	vld [tilespmem:s0+$0xC200]  }
0x2af: {  	s7 =	sand.u32 $0x7F, s6;
	s9 =	sshll.u32 s6, $0x2  }
0x2b0: {  	s4 =	sand.u32 $0xFFFFFE00, s9;
	s0 =	sshll.u32 s7, $0x2  }
0x2b1: {  	s0 =	sor.u32 s0, s4  }
0x2b2: {  	s0 =	sshra.s32 s0, $0x2  }
0x2b3: {  	s0 =	sadd.s32 $0x0, s0;
	[tilespmem:s12+$0x18A10] =	vst v1  }
0x2b4: {  	s2 =	sadd.s32 $0x10, s6;
	v1 =	vld [tilespmem:s0+$0xC280]  }
0x2b5: {  	s10 =	sand.u32 $0x7F, s2;
	s2 =	sshll.u32 s2, $0x2  }
0x2b6: {  	s2 =	sand.u32 $0xFFFFFE00, s2;
	s0 =	sshll.u32 s10, $0x2  }
0x2b7: {  	(v2sf) =	vpush v0, $0xD;
	s0 =	sor.u32 s0, s2  }
0x2b8: {  	s0 =	sshra.s32 s0, $0x2  }
0x2b9: {  	s0 =	sadd.s32 $0x0, s0;
	[tilespmem:s12+$0x18A80] =	vst v1  }
0x2ba: {  	s11 =	spop (v2sf);
	v1 =	vld [tilespmem:s0+$0xC280]  }
0x2bb: {  	s13 =	sand.u32 $0x7F, s11;
	s14 =	sshll.u32 s11, $0x2  }
0x2bc: {  	s4 =	sand.u32 $0xFFFFFE00, s14;
	s0 =	sshll.u32 s13, $0x2  }
0x2bd: {  	s0 =	sor.u32 s0, s4  }
0x2be: {  	s0 =	sshra.s32 s0, $0x2  }
0x2bf: {  	s0 =	sadd.s32 $0x0, s0;
	[tilespmem:s12+$0x18A90] =	vst v1  }
0x2c0: {  	s2 =	sadd.s32 $0x10, s11;
	v1 =	vld [tilespmem:s0+$0xC300]  }
0x2c1: {  	s15 =	sand.u32 $0x7F, s2;
	s2 =	sshll.u32 s2, $0x2  }
0x2c2: {  	s2 =	sand.u32 $0xFFFFFE00, s2;
	s0 =	sshll.u32 s15, $0x2  }
0x2c3: {  	(v2sf) =	vpush v0, $0xE;
	s0 =	sor.u32 s0, s2  }
0x2c4: {  	s0 =	sshra.s32 s0, $0x2  }
0x2c5: {  	s0 =	sadd.s32 $0x0, s0;
	[tilespmem:s12+$0x18B00] =	vst v1  }
0x2c6: {  	s16 =	spop (v2sf);
	v1 =	vld [tilespmem:s0+$0xC300]  }
0x2c7: {  	s17 =	sand.u32 $0x7F, s16;
	s18 =	sshll.u32 s16, $0x2  }
0x2c8: {  	s4 =	sand.u32 $0xFFFFFE00, s18;
	s0 =	sshll.u32 s17, $0x2  }
0x2c9: {  	s0 =	sor.u32 s0, s4  }
0x2ca: {  	s0 =	sshra.s32 s0, $0x2  }
0x2cb: {  	s0 =	sadd.s32 $0x0, s0;
	[tilespmem:s12+$0x18B10] =	vst v1  }
0x2cc: {  	s2 =	sadd.s32 $0x10, s16;
	v1 =	vld [tilespmem:s0+$0xC380]  }
0x2cd: {  	s19 =	sand.u32 $0x7F, s2;
	s2 =	sshll.u32 s2, $0x2  }
0x2ce: {  	s2 =	sand.u32 $0xFFFFFE00, s2;
	s0 =	sshll.u32 s19, $0x2  }
0x2cf: {  	(v2sf) =	vpush v0, $0xF;
	s0 =	sor.u32 s0, s2  }
0x2d0: {  	s0 =	sshra.s32 s0, $0x2  }
0x2d1: {  	s0 =	sadd.s32 $0x0, s0;
	[tilespmem:s12+$0x18B80] =	vst v1  }
0x2d2: {  	s20 =	spop (v2sf);
	v0 =	vld [tilespmem:s0+$0xC380]  }
0x2d3: {  	s21 =	sand.u32 $0x7F, s20;
	s22 =	sshll.u32 s20, $0x2  }
0x2d4: {  	s4 =	sand.u32 $0xFFFFFE00, s22;
	s0 =	sshll.u32 s21, $0x2  }
0x2d5: {  	s0 =	sor.u32 s0, s4  }
0x2d6: {  	s0 =	sshra.s32 s0, $0x2  }
0x2d7: {  	s0 =	sadd.s32 $0x0, s0;
	[tilespmem:s12+$0x18B90] =	vst v0  }
0x2d8: {  	s2 =	sadd.s32 $0x10, s20;
	v0 =	vld [tilespmem:s0+$0xC400]  }
0x2d9: {  	s23 =	sand.u32 $0x7F, s2;
	s2 =	sshll.u32 s2, $0x2  }
0x2da: {  	s2 =	sand.u32 $0xFFFFFE00, s2;
	s0 =	sshll.u32 s23, $0x2  }
0x2db: {  	s0 =	sor.u32 s0, s2  }
0x2dc: {  	s0 =	sshra.s32 s0, $0x2  }
0x2dd: {  	s0 =	sadd.s32 $0x0, s0;
	[tilespmem:s12+$0x18C00] =	vst v0  }
0x2de: {  	s24 =	spop (v2sf);
	v0 =	vld [tilespmem:s0+$0xC400]  }
0x2df: {  	s25 =	sand.u32 $0x7F, s24;
	s26 =	sshll.u32 s24, $0x2  }
0x2e0: {  	s4 =	sand.u32 $0xFFFFFE00, s26;
	s0 =	sshll.u32 s25, $0x2  }
0x2e1: {  	s0 =	sor.u32 s0, s4  }
0x2e2: {  	s0 =	sshra.s32 s0, $0x2  }
0x2e3: {  	s0 =	sadd.s32 $0x0, s0;
	[tilespmem:s12+$0x18C10] =	vst v0  }
0x2e4: {  	s2 =	sadd.s32 $0x10, s24;
	v0 =	vld [tilespmem:s0+$0xC480]  }
0x2e5: {  	s30 =	sand.u32 $0x7F, s2;
	s2 =	sshll.u32 s2, $0x2  }
0x2e6: {  	s2 =	sand.u32 $0xFFFFFE00, s2;
	s0 =	sshll.u32 s30, $0x2  }
0x2e7: {  	s0 =	sor.u32 s0, s2  }
0x2e8: {  	s0 =	sshra.s32 s0, $0x2  }
0x2e9: {  	s0 =	sadd.s32 $0x0, s0;
	[tilespmem:s12+$0x18C80] =	vst v0  }
0x2ea: {  	s5 =	simm.s32 $0x2000;
	s10 =	smov.u32 s28;
	v0 =	vld [tilespmem:s0+$0xC480]  }
.LBB2_8:
0x2eb: {  	_ =	sdelay $0x2  }
0x2ec: {  	p0 =	sne.s32 s5, $0x16000  }
0x2ed: {  	s10 =	sadd.s32 $0x10, s10;
	s0 =	smov.u32 s5;
	s5 =	sadd.s32 $0x2000, s5;
	[tilespmem:s12+$0x18C90] =	vst v0  }
0x2ee: {  	v0 =	vld [tilespmem:s10+$0x0];
	_ =	sdelay $0x4  }
0x2ef: {  	(v2sf) =	vpush v0, $0x0;
	_ =	sdelay $0x3  }
0x2f0: {  	(v2sf) =	vpush v0, $0x1;
	_ =	sdelay $0x1  }
0x2f1: {  	(v2sf) =	vpush v0, $0x2;
	_ =	sdelay $0x7  }
0x2f2: {  	(v2sf) =	vpush v0, $0x3  }
0x2f3: {  	s12 =	sshra.s32 s0, $0x2;
	s0 =	spop (v2sf)  }
0x2f4: {  	s2 =	sand.u32 $0x7F, s0;
	s4 =	sshll.u32 s0, $0x2;
	s0 =	sadd.s32 $0x10, s0  }
0x2f5: {  	s4 =	sand.u32 $0xFFFFFE00, s4;
	s2 =	sshll.u32 s2, $0x2;
	s6 =	sand.u32 $0x7F, s0  }
0x2f6: {  	s0 =	sshll.u32 s0, $0x2;
	s2 =	sor.u32 s2, s4;
	s4 =	sshll.u32 s6, $0x2  }
0x2f7: {  	s0 =	sand.u32 $0xFFFFFE00, s0;
	s2 =	sshra.s32 s2, $0x2;
	s6 =	spop (v2sf)  }
0x2f8: {  	s0 =	sor.u32 s4, s0;
	s2 =	sadd.s32 s12, s2;
	s4 =	sand.u32 $0x7F, s6;
	(v2sf) =	vpush v0, $0x4  }
0x2f9: {  	v1 =	vld [tilespmem:s2+$0xBD00];
	s2 =	sshll.u32 s6, $0x2;
	s6 =	sadd.s32 $0x10, s6;
	s11 =	spop (v2sf)  }
0x2fa: {  	s4 =	sshll.u32 s4, $0x2;
	s2 =	sand.u32 $0xFFFFFE00, s2;
	s9 =	sand.u32 $0x7F, s11  }
0x2fb: {  	s2 =	sor.u32 s4, s2;
	s4 =	sand.u32 $0x7F, s6;
	s6 =	sshll.u32 s6, $0x2  }
0x2fc: {  	s13 =	sshll.u32 s11, $0x2;
	s2 =	sshra.s32 s2, $0x2;
	s6 =	sand.u32 $0xFFFFFE00, s6  }
0x2fd: {  	s0 =	sshra.s32 s0, $0x2;
	s13 =	sand.u32 $0xFFFFFE00, s13;
	s9 =	sshll.u32 s9, $0x2  }
0x2fe: {  	s0 =	sadd.s32 s12, s0;
	s4 =	sshll.u32 s4, $0x2;
	s9 =	sor.u32 s9, s13;
	[tilespmem:s12+$0x18500] =	vst v1;
	(v2sf) =	vpush v0, $0x5  }
0x2ff: {  	s9 =	sshra.s32 s9, $0x2;
	v1 =	vld [tilespmem:s0+$0xBD00];
	s0 =	sor.u32 s4, s6;
	s4 =	sadd.s32 $0x10, s11  }
0x300: {  	s0 =	sshra.s32 s0, $0x2;
	s6 =	sand.u32 $0x7F, s4;
	s4 =	sshll.u32 s4, $0x2  }
0x301: {  	s4 =	sand.u32 $0xFFFFFE00, s4;
	s6 =	sshll.u32 s6, $0x2;
	s11 =	spop (v2sf)  }
0x302: {  	s4 =	sor.u32 s6, s4;
	s6 =	sand.u32 $0x7F, s11;
	s13 =	sshll.u32 s11, $0x2  }
0x303: {  	s14 =	sshra.s32 s4, $0x2;
	s4 =	sand.u32 $0xFFFFFE00, s13;
	s6 =	sshll.u32 s6, $0x2  }
0x304: {  	s2 =	sadd.s32 s12, s2;
	[tilespmem:s12+$0x18510] =	vst v1;
	s4 =	sor.u32 s6, s4;
	s6 =	sadd.s32 $0x10, s11;
	(v2sf) =	vpush v0, $0x6  }
0x305: {  	v1 =	vld [tilespmem:s2+$0xBD80];
	s2 =	sshra.s32 s4, $0x2;
	s4 =	sand.u32 $0x7F, s6;
	s6 =	sshll.u32 s6, $0x2  }
0x306: {  	s11 =	sadd.s32 s12, s2;
	s2 =	sand.u32 $0xFFFFFE00, s6;
	s4 =	sshll.u32 s4, $0x2  }
0x307: {  	s2 =	sor.u32 s4, s2;
	s4 =	spop (v2sf)  }
0x308: {  	s2 =	sshra.s32 s2, $0x2;
	s6 =	sand.u32 $0x7F, s4;
	s15 =	sshll.u32 s4, $0x2  }
0x309: {  	s13 =	sadd.s32 s12, s2;
	s2 =	sand.u32 $0xFFFFFE00, s15;
	s6 =	sshll.u32 s6, $0x2  }
0x30a: {  	s0 =	sadd.s32 s12, s0;
	s4 =	sadd.s32 $0x10, s4;
	[tilespmem:s12+$0x18580] =	vst v1;
	s2 =	sor.u32 s6, s2;
	(v2sf) =	vpush v0, $0x7  }
0x30b: {  	s6 =	sshll.u32 s4, $0x2;
	v1 =	vld [tilespmem:s0+$0xBD80];
	s0 =	sshra.s32 s2, $0x2;
	s2 =	sand.u32 $0x7F, s4  }
0x30c: {  	s4 =	sadd.s32 s12, s0;
	s0 =	sand.u32 $0xFFFFFE00, s6;
	s2 =	sshll.u32 s2, $0x2  }
0x30d: {  	s0 =	sor.u32 s2, s0;
	s2 =	spop (v2sf);
	(v2sf) =	vpush v0, $0x8  }
0x30e: {  	s0 =	sshra.s32 s0, $0x2;
	s15 =	sand.u32 $0x7F, s2;
	s16 =	sshll.u32 s2, $0x2  }
0x30f: {  	s6 =	sadd.s32 s12, s0;
	s0 =	sand.u32 $0xFFFFFE00, s16;
	s15 =	sshll.u32 s15, $0x2  }
0x310: {  	s9 =	sadd.s32 s12, s9;
	s2 =	sadd.s32 $0x10, s2;
	[tilespmem:s12+$0x18590] =	vst v1;
	s0 =	sor.u32 s15, s0  }
0x311: {  	s15 =	sand.u32 $0x7F, s2;
	s2 =	sshll.u32 s2, $0x2;
	v1 =	vld [tilespmem:s9+$0xBE00];
	s0 =	sshra.s32 s0, $0x2  }
0x312: {  	s9 =	sadd.s32 s12, s0;
	s0 =	sand.u32 $0xFFFFFE00, s2;
	s2 =	sshll.u32 s15, $0x2  }
0x313: {  	s0 =	sor.u32 s2, s0;
	s2 =	spop (v2sf)  }
0x314: {  	s0 =	sshra.s32 s0, $0x2;
	s15 =	sand.u32 $0x7F, s2;
	s16 =	sshll.u32 s2, $0x2  }
0x315: {  	s25 =	sadd.s32 s12, s0;
	s0 =	sand.u32 $0xFFFFFE00, s16;
	s15 =	sshll.u32 s15, $0x2;
	(v2sf) =	vpush v0, $0x9  }
0x316: {  	s14 =	sadd.s32 s12, s14;
	s2 =	sadd.s32 $0x10, s2;
	[tilespmem:s12+$0x18600] =	vst v1;
	s0 =	sor.u32 s15, s0  }
0x317: {  	v1 =	vld [tilespmem:s14+$0xBE00];
	s0 =	sshra.s32 s0, $0x2;
	s14 =	sand.u32 $0x7F, s2;
	s2 =	sshll.u32 s2, $0x2  }
0x318: {  	s20 =	sadd.s32 s12, s0;
	s0 =	sand.u32 $0xFFFFFE00, s2;
	s2 =	sshll.u32 s14, $0x2;
	(v2sf) =	vpush v0, $0xA  }
0x319: {  	s0 =	sor.u32 s2, s0;
	s2 =	spop (v2sf)  }
0x31a: {  	s0 =	sshra.s32 s0, $0x2;
	s14 =	sand.u32 $0x7F, s2;
	s15 =	sshll.u32 s2, $0x2  }
0x31b: {  	s16 =	sadd.s32 s12, s0;
	s0 =	sand.u32 $0xFFFFFE00, s15;
	s14 =	sshll.u32 s14, $0x2  }
0x31c: {  	s2 =	sadd.s32 $0x10, s2;
	[tilespmem:s12+$0x18610] =	vst v1;
	s0 =	sor.u32 s14, s0;
	s15 =	spop (v2sf)  }
0x31d: {  	s14 =	sand.u32 $0x7F, s2;
	s2 =	sshll.u32 s2, $0x2;
	v1 =	vld [tilespmem:s11+$0xBE80];
	s0 =	sshra.s32 s0, $0x2  }
0x31e: {  	s11 =	sadd.s32 s12, s0;
	s0 =	sand.u32 $0xFFFFFE00, s2;
	s2 =	sshll.u32 s14, $0x2  }
0x31f: {  	s14 =	sshll.u32 s15, $0x2;
	s0 =	sor.u32 s2, s0;
	s2 =	sand.u32 $0x7F, s15  }
0x320: {  	s17 =	sand.u32 $0xFFFFFE00, s14;
	s0 =	sshra.s32 s0, $0x2;
	s2 =	sshll.u32 s2, $0x2;
	(v2sf) =	vpush v0, $0xB  }
0x321: {  	s14 =	sadd.s32 s12, s0;
	s0 =	sor.u32 s2, s17;
	s2 =	sadd.s32 $0x10, s15  }
0x322: {  	[tilespmem:s12+$0x18680] =	vst v1;
	s0 =	sshra.s32 s0, $0x2;
	s17 =	sand.u32 $0x7F, s2;
	s2 =	sshll.u32 s2, $0x2  }
0x323: {  	v1 =	vld [tilespmem:s13+$0xBE80];
	s15 =	sadd.s32 s12, s0;
	s0 =	sand.u32 $0xFFFFFE00, s2;
	s2 =	sshll.u32 s17, $0x2;
	(v2sf) =	vpush v0, $0xC  }
0x324: {  	s0 =	sor.u32 s2, s0;
	s2 =	spop (v2sf)  }
0x325: {  	s0 =	sshra.s32 s0, $0x2;
	s13 =	sand.u32 $0x7F, s2;
	s17 =	sshll.u32 s2, $0x2  }
0x326: {  	s18 =	sadd.s32 s12, s0;
	s0 =	sand.u32 $0xFFFFFE00, s17;
	s13 =	sshll.u32 s13, $0x2  }
0x327: {  	s2 =	sadd.s32 $0x10, s2;
	s0 =	sor.u32 s13, s0;
	s13 =	spop (v2sf)  }
0x328: {  	s17 =	sand.u32 $0x7F, s2;
	s2 =	sshll.u32 s2, $0x2;
	[tilespmem:s12+$0x18690] =	vst v1;
	s0 =	sshra.s32 s0, $0x2  }
0x329: {  	v1 =	vld [tilespmem:s4+$0xBF00];
	s19 =	sadd.s32 s12, s0;
	s0 =	sand.u32 $0xFFFFFE00, s2;
	s2 =	sshll.u32 s17, $0x2  }
0x32a: {  	s4 =	sshll.u32 s13, $0x2;
	s0 =	sor.u32 s2, s0;
	s2 =	sand.u32 $0x7F, s13  }
0x32b: {  	s4 =	sand.u32 $0xFFFFFE00, s4;
	s0 =	sshra.s32 s0, $0x2;
	s2 =	sshll.u32 s2, $0x2;
	(v2sf) =	vpush v0, $0xD  }
0x32c: {  	s21 =	sadd.s32 s12, s0;
	s0 =	sor.u32 s2, s4;
	s2 =	sadd.s32 $0x10, s13  }
0x32d: {  	s0 =	sshra.s32 s0, $0x2;
	s4 =	sand.u32 $0x7F, s2;
	s2 =	sshll.u32 s2, $0x2  }
0x32e: {  	[tilespmem:s12+$0x18700] =	vst v1;
	s23 =	sadd.s32 s12, s0;
	s0 =	sand.u32 $0xFFFFFE00, s2;
	s2 =	sshll.u32 s4, $0x2;
	(v2sf) =	vpush v0, $0xE  }
0x32f: {  	v1 =	vld [tilespmem:s6+$0xBF00];
	s0 =	sor.u32 s2, s0;
	s2 =	spop (v2sf)  }
0x330: {  	s0 =	sshra.s32 s0, $0x2;
	s4 =	sand.u32 $0x7F, s2;
	s6 =	sshll.u32 s2, $0x2  }
0x331: {  	s24 =	sadd.s32 s12, s0;
	s0 =	sand.u32 $0xFFFFFE00, s6;
	s4 =	sshll.u32 s4, $0x2  }
0x332: {  	s2 =	sadd.s32 $0x10, s2;
	s0 =	sor.u32 s4, s0;
	s4 =	spop (v2sf)  }
0x333: {  	s6 =	sand.u32 $0x7F, s2;
	s2 =	sshll.u32 s2, $0x2;
	s0 =	sshra.s32 s0, $0x2  }
0x334: {  	[tilespmem:s12+$0x18710] =	vst v1;
	s13 =	sadd.s32 s12, s0;
	s0 =	sand.u32 $0xFFFFFE00, s2;
	s2 =	sshll.u32 s6, $0x2  }
0x335: {  	s6 =	sshll.u32 s4, $0x2;
	v1 =	vld [tilespmem:s9+$0xBF80];
	s0 =	sor.u32 s2, s0;
	s2 =	sand.u32 $0x7F, s4  }
0x336: {  	s6 =	sand.u32 $0xFFFFFE00, s6;
	s0 =	sshra.s32 s0, $0x2;
	s2 =	sshll.u32 s2, $0x2;
	(v2sf) =	vpush v0, $0xF  }
0x337: {  	s9 =	sadd.s32 s12, s0;
	s0 =	sor.u32 s2, s6;
	s2 =	sadd.s32 $0x10, s4  }
0x338: {  	s0 =	sshra.s32 s0, $0x2;
	s4 =	sand.u32 $0x7F, s2;
	s2 =	sshll.u32 s2, $0x2  }
0x339: {  	s17 =	sadd.s32 s12, s0;
	s0 =	sand.u32 $0xFFFFFE00, s2;
	s2 =	sshll.u32 s4, $0x2  }
0x33a: {  	[tilespmem:s12+$0x18780] =	vst v1;
	s0 =	sor.u32 s2, s0;
	s2 =	spop (v2sf)  }
0x33b: {  	v0 =	vld [tilespmem:s25+$0xBF80];
	s0 =	sshra.s32 s0, $0x2;
	s4 =	sand.u32 $0x7F, s2;
	s6 =	sshll.u32 s2, $0x2  }
0x33c: {  	s25 =	sadd.s32 s12, s0;
	s0 =	sand.u32 $0xFFFFFE00, s6;
	s4 =	sshll.u32 s4, $0x2  }
0x33d: {  	s2 =	sadd.s32 $0x10, s2;
	s0 =	sor.u32 s4, s0;
	s4 =	spop (v2sf)  }
0x33e: {  	s6 =	sand.u32 $0x7F, s2;
	s2 =	sshll.u32 s2, $0x2;
	s0 =	sshra.s32 s0, $0x2  }
0x33f: {  	s22 =	sadd.s32 s12, s0;
	s0 =	sand.u32 $0xFFFFFE00, s2;
	s2 =	sshll.u32 s6, $0x2  }
0x340: {  	s6 =	sshll.u32 s4, $0x2;
	[tilespmem:s12+$0x18790] =	vst v0;
	s0 =	sor.u32 s2, s0;
	s2 =	sand.u32 $0x7F, s4  }
0x341: {  	v0 =	vld [tilespmem:s20+$0xC000];
	s0 =	sshra.s32 s0, $0x2;
	s20 =	sand.u32 $0xFFFFFE00, s6;
	s2 =	sshll.u32 s2, $0x2  }
0x342: {  	s6 =	sadd.s32 s12, s0;
	s0 =	sor.u32 s2, s20;
	s2 =	sadd.s32 $0x10, s4  }
0x343: {  	s0 =	sshra.s32 s0, $0x2;
	s4 =	sand.u32 $0x7F, s2;
	s2 =	sshll.u32 s2, $0x2  }
0x344: {  	s20 =	sadd.s32 s12, s0;
	s0 =	sand.u32 $0xFFFFFE00, s2;
	s2 =	sshll.u32 s4, $0x2  }
0x345: {  	s0 =	sor.u32 s2, s0;
	s2 =	spop (v2sf)  }
0x346: {  	[tilespmem:s12+$0x18800] =	vst v0;
	s0 =	sshra.s32 s0, $0x2;
	s4 =	sand.u32 $0x7F, s2;
	s26 =	sshll.u32 s2, $0x2  }
0x347: {  	v0 =	vld [tilespmem:s16+$0xC000];
	s16 =	sadd.s32 s12, s0;
	s0 =	sand.u32 $0xFFFFFE00, s26;
	s4 =	sshll.u32 s4, $0x2  }
0x348: {  	s2 =	sadd.s32 $0x10, s2;
	s0 =	sor.u32 s4, s0  }
0x349: {  	s26 =	sand.u32 $0x7F, s2;
	s2 =	sshll.u32 s2, $0x2;
	s0 =	sshra.s32 s0, $0x2  }
0x34a: {  	s4 =	sadd.s32 s12, s0;
	s0 =	sand.u32 $0xFFFFFE00, s2;
	s2 =	sshll.u32 s26, $0x2  }
0x34b: {  	s0 =	sor.u32 s2, s0  }
0x34c: {  	[tilespmem:s12+$0x18810] =	vst v0;
	s0 =	sshra.s32 s0, $0x2  }
0x34d: {  	v0 =	vld [tilespmem:s11+$0xC080];
	s11 =	sadd.s32 s12, s0;
	_ =	sdelay $0x4  }
0x34e: {  	[tilespmem:s12+$0x18880] =	vst v0  }
0x34f: {  	v0 =	vld [tilespmem:s14+$0xC080];
	_ =	sdelay $0x4  }
0x350: {  	[tilespmem:s12+$0x18890] =	vst v0  }
0x351: {  	v0 =	vld [tilespmem:s15+$0xC100];
	_ =	sdelay $0x4  }
0x352: {  	[tilespmem:s12+$0x18900] =	vst v0  }
0x353: {  	v0 =	vld [tilespmem:s18+$0xC100];
	_ =	sdelay $0x4  }
0x354: {  	[tilespmem:s12+$0x18910] =	vst v0  }
0x355: {  	v0 =	vld [tilespmem:s19+$0xC180];
	_ =	sdelay $0x4  }
0x356: {  	[tilespmem:s12+$0x18980] =	vst v0  }
0x357: {  	v0 =	vld [tilespmem:s21+$0xC180];
	_ =	sdelay $0x4  }
0x358: {  	[tilespmem:s12+$0x18990] =	vst v0  }
0x359: {  	v0 =	vld [tilespmem:s23+$0xC200];
	_ =	sdelay $0x4  }
0x35a: {  	[tilespmem:s12+$0x18A00] =	vst v0  }
0x35b: {  	v0 =	vld [tilespmem:s24+$0xC200];
	_ =	sdelay $0x4  }
0x35c: {  	[tilespmem:s12+$0x18A10] =	vst v0  }
0x35d: {  	v0 =	vld [tilespmem:s13+$0xC280];
	_ =	sdelay $0x4  }
0x35e: {  	[tilespmem:s12+$0x18A80] =	vst v0  }
0x35f: {  	v0 =	vld [tilespmem:s9+$0xC280];
	_ =	sdelay $0x4  }
0x360: {  	[tilespmem:s12+$0x18A90] =	vst v0  }
0x361: {  	v0 =	vld [tilespmem:s17+$0xC300];
	_ =	sdelay $0x4  }
0x362: {  	[tilespmem:s12+$0x18B00] =	vst v0  }
0x363: {  	v0 =	vld [tilespmem:s25+$0xC300];
	_ =	sdelay $0x4  }
0x364: {  	[tilespmem:s12+$0x18B10] =	vst v0  }
0x365: {  	v0 =	vld [tilespmem:s22+$0xC380];
	_ =	sdelay $0x4  }
0x366: {  	[tilespmem:s12+$0x18B80] =	vst v0  }
0x367: {  	v0 =	vld [tilespmem:s6+$0xC380];
	_ =	sdelay $0x4  }
0x368: {  	[tilespmem:s12+$0x18B90] =	vst v0  }
0x369: {  	v0 =	vld [tilespmem:s20+$0xC400];
	_ =	sdelay $0x4  }
0x36a: {  	[tilespmem:s12+$0x18C00] =	vst v0  }
0x36b: {  	v0 =	vld [tilespmem:s16+$0xC400];
	_ =	sdelay $0x4  }
0x36c: {  	[tilespmem:s12+$0x18C10] =	vst v0  }
0x36d: {  	v0 =	vld [tilespmem:s4+$0xC480];
	_ =	sdelay $0x1  }
.Ltmp2:
0x36e: {  	(pc) =	sbr.rel @p0 .LBB2_8-.Ltmp2, $3  }
0x36f: {  	_ =	sdelay $0x1  }
0x370: {  	[tilespmem:s12+$0x18C80] =	vst v0  }
0x371: {  	v0 =	vld [tilespmem:s11+$0xC480]  }
0x372: {  	_ =	sdelay $0x3  }
0x373: {  	s0 =	rddreg [dreg:$0xc];
	[tilespmem:s12+$0x18C90] =	vst v0  }
0x374: {  	v0 =	vld [tilespmem:s0+$0x4D38];
	_ =	sdelay $0x4  }
0x375: {  	(v2sf) =	vpush v0, $0x0;
	_ =	sdelay $0xb  }
0x376: {  	(v2sf) =	vpush v0, $0x1;
	_ =	sdelay $0x2  }
0x377: {  	s4 =	spop (v2sf)  }
0x378: {  	v1 =	vld [tilespmem:s4+$0x11900];
	_ =	sdelay $0x4  }
0x379: {  	[tilespmem:$0x1E100] =	vst v1  }
0x37a: {  	v1 =	vld [tilespmem:s4+$0x11910];
	_ =	sdelay $0x1  }
0x37b: {  	(v2sf) =	vpush v0, $0x2;
	_ =	sdelay $0x2  }
0x37c: {  	s5 =	spop (v2sf);
	[tilespmem:$0x1E110] =	vst v1  }
0x37d: {  	v1 =	vld [tilespmem:s5+$0x11980];
	_ =	sdelay $0x4  }
0x37e: {  	[tilespmem:$0x1E180] =	vst v1  }
0x37f: {  	v1 =	vld [tilespmem:s5+$0x11990];
	_ =	sdelay $0x1  }
0x380: {  	(v2sf) =	vpush v0, $0x3;
	_ =	sdelay $0x2  }
0x381: {  	s6 =	spop (v2sf);
	[tilespmem:$0x1E190] =	vst v1  }
0x382: {  	v1 =	vld [tilespmem:s6+$0x11A00];
	_ =	sdelay $0x4  }
0x383: {  	[tilespmem:$0x1E200] =	vst v1  }
0x384: {  	v1 =	vld [tilespmem:s6+$0x11A10];
	_ =	sdelay $0x1  }
0x385: {  	(v2sf) =	vpush v0, $0x4;
	_ =	sdelay $0x2  }
0x386: {  	s7 =	spop (v2sf);
	[tilespmem:$0x1E210] =	vst v1  }
0x387: {  	v1 =	vld [tilespmem:s7+$0x11A80];
	_ =	sdelay $0x4  }
0x388: {  	[tilespmem:$0x1E280] =	vst v1  }
0x389: {  	v1 =	vld [tilespmem:s7+$0x11A90];
	_ =	sdelay $0x1  }
0x38a: {  	(v2sf) =	vpush v0, $0x5;
	_ =	sdelay $0x2  }
0x38b: {  	s9 =	spop (v2sf);
	[tilespmem:$0x1E290] =	vst v1  }
0x38c: {  	v1 =	vld [tilespmem:s9+$0x11B00];
	_ =	sdelay $0x4  }
0x38d: {  	[tilespmem:$0x1E300] =	vst v1  }
0x38e: {  	v1 =	vld [tilespmem:s9+$0x11B10];
	_ =	sdelay $0x1  }
0x38f: {  	(v2sf) =	vpush v0, $0x6;
	_ =	sdelay $0x2  }
0x390: {  	s10 =	spop (v2sf);
	[tilespmem:$0x1E310] =	vst v1  }
0x391: {  	v1 =	vld [tilespmem:s10+$0x11B80];
	_ =	sdelay $0x4  }
0x392: {  	[tilespmem:$0x1E380] =	vst v1  }
0x393: {  	v1 =	vld [tilespmem:s10+$0x11B90];
	_ =	sdelay $0x1  }
0x394: {  	(v2sf) =	vpush v0, $0x7;
	_ =	sdelay $0x2  }
0x395: {  	s11 =	spop (v2sf);
	[tilespmem:$0x1E390] =	vst v1  }
0x396: {  	v1 =	vld [tilespmem:s11+$0x11C00];
	_ =	sdelay $0x4  }
0x397: {  	[tilespmem:$0x1E400] =	vst v1  }
0x398: {  	v1 =	vld [tilespmem:s11+$0x11C10];
	_ =	sdelay $0x1  }
0x399: {  	(v2sf) =	vpush v0, $0x8;
	_ =	sdelay $0x2  }
0x39a: {  	s12 =	spop (v2sf);
	[tilespmem:$0x1E410] =	vst v1  }
0x39b: {  	v1 =	vld [tilespmem:s12+$0x11C80];
	_ =	sdelay $0x4  }
0x39c: {  	[tilespmem:$0x1E480] =	vst v1  }
0x39d: {  	v1 =	vld [tilespmem:s12+$0x11C90];
	_ =	sdelay $0x1  }
0x39e: {  	(v2sf) =	vpush v0, $0x9;
	_ =	sdelay $0x2  }
0x39f: {  	s13 =	spop (v2sf);
	[tilespmem:$0x1E490] =	vst v1  }
0x3a0: {  	v1 =	vld [tilespmem:s13+$0x11D00];
	_ =	sdelay $0x4  }
0x3a1: {  	[tilespmem:$0x1E500] =	vst v1  }
0x3a2: {  	v1 =	vld [tilespmem:s13+$0x11D10];
	_ =	sdelay $0x1  }
0x3a3: {  	(v2sf) =	vpush v0, $0xA;
	_ =	sdelay $0x2  }
0x3a4: {  	s14 =	spop (v2sf);
	[tilespmem:$0x1E510] =	vst v1  }
0x3a5: {  	v1 =	vld [tilespmem:s14+$0x11D80];
	_ =	sdelay $0x4  }
0x3a6: {  	[tilespmem:$0x1E580] =	vst v1  }
0x3a7: {  	v1 =	vld [tilespmem:s14+$0x11D90];
	_ =	sdelay $0x1  }
0x3a8: {  	(v2sf) =	vpush v0, $0xB;
	_ =	sdelay $0x2  }
0x3a9: {  	s15 =	spop (v2sf);
	[tilespmem:$0x1E590] =	vst v1  }
0x3aa: {  	v1 =	vld [tilespmem:s15+$0x11E00];
	_ =	sdelay $0x4  }
0x3ab: {  	[tilespmem:$0x1E600] =	vst v1  }
0x3ac: {  	v1 =	vld [tilespmem:s15+$0x11E10];
	_ =	sdelay $0x1  }
0x3ad: {  	(v2sf) =	vpush v0, $0xC;
	_ =	sdelay $0x2  }
0x3ae: {  	s16 =	spop (v2sf);
	[tilespmem:$0x1E610] =	vst v1  }
0x3af: {  	v1 =	vld [tilespmem:s16+$0x11E80];
	_ =	sdelay $0x4  }
0x3b0: {  	[tilespmem:$0x1E680] =	vst v1  }
0x3b1: {  	v1 =	vld [tilespmem:s16+$0x11E90];
	_ =	sdelay $0x1  }
0x3b2: {  	(v2sf) =	vpush v0, $0xD;
	_ =	sdelay $0x2  }
0x3b3: {  	s17 =	spop (v2sf);
	[tilespmem:$0x1E690] =	vst v1  }
0x3b4: {  	v1 =	vld [tilespmem:s17+$0x11F00];
	_ =	sdelay $0x4  }
0x3b5: {  	[tilespmem:$0x1E700] =	vst v1  }
0x3b6: {  	v1 =	vld [tilespmem:s17+$0x11F10];
	_ =	sdelay $0x1  }
0x3b7: {  	(v2sf) =	vpush v0, $0xE;
	_ =	sdelay $0x2  }
0x3b8: {  	s18 =	spop (v2sf);
	[tilespmem:$0x1E710] =	vst v1  }
0x3b9: {  	v1 =	vld [tilespmem:s18+$0x11F80];
	_ =	sdelay $0x4  }
0x3ba: {  	[tilespmem:$0x1E780] =	vst v1  }
0x3bb: {  	v1 =	vld [tilespmem:s18+$0x11F90];
	_ =	sdelay $0x1  }
0x3bc: {  	(v2sf) =	vpush v0, $0xF;
	_ =	sdelay $0x2  }
0x3bd: {  	s19 =	spop (v2sf);
	[tilespmem:$0x1E790] =	vst v1  }
0x3be: {  	v63 =	vld [tilespmem:s19+$0x12000];
	_ =	sdelay $0x4  }
0x3bf: {  	[tilespmem:$0x1E800] =	vst v63  }
0x3c0: {  	v0 =	vld [tilespmem:s19+$0x12010];
	_ =	sdelay $0x4  }
0x3c1: {  	s20 =	spop (v2sf);
	[tilespmem:$0x1E810] =	vst v0  }
0x3c2: {  	v0 =	vld [tilespmem:s20+$0x12080];
	_ =	sdelay $0x4  }
0x3c3: {  	s21 =	sshll.u32 s1, $0x2;
	s22 =	rddreg [dreg:$0x4];
	[tilespmem:$0x1E880] =	vst v0  }
0x3c4: {  	s0 =	sadd.s32 s22, s21;
	v0 =	vld [tilespmem:s20+$0x12090]  }
0x3c5: {  	s1 =	smul.u32 $0x380, s0  }
0x3c6: {  	s0 =	smul.u32 $0x1C00, s0;
	_ =	sdelay $0x1  }
0x3c7: {  	s2 =	rddreg [dreg:$0x5];
	s3 =	sadd.s32 $0x1, s3;
	s0 =	sshrl.u32 s0, $0x3  }
0x3c8: {  	s1 =	sadd.s32 s2, s1;
	s0 =	sadd.s32 s2, s0;
	s4 =	simm.s32 $0x18500;
	[tilespmem:$0x1E890] =	vst v0  }
0x3c9: {  	[hbm4b:s1+s29] =	stream.linear.scatter [tilespmem:s4], [sflag:$0x4], $0x1900, $0x38;
	[tilespmem:$0x1E900] =	vst v63  }
0x3ca: {  	s24 =	simm.s32 $0x19E00;
	p0 =	sne.s32 s3, $0x8;
	s23 =	sadd.s32 $0x380, s0  }
0x3cb: {  	[hbm4b:s23+s29] =	stream.linear.scatter [tilespmem:s24], [sflag:$0x4], $0x1900, $0x38;
	[tilespmem:$0x1E900] =	vst v63  }
.Ltmp3:
0x3cc: {  	_ = 	snop;
	(pc) =	sbr.rel @p0 .LBB2_5-.Ltmp3, $4  }
0x3cd: {  	s26 =	simm.s32 $0x1B700;
	s30 =	simm.s32 $0x1D000;
	s25 =	sadd.s32 $0x700, s0  }
0x3ce: {  	[hbm4b:s25+s29] =	stream.linear.scatter [tilespmem:s26], [sflag:$0x4], $0x1900, $0x38;
	[tilespmem:$0x1E900] =	vst v63  }
0x3cf: {  	s8 =	sadd.s32 $0x190, s8;
	s28 =	sadd.s32 $0x190, s28;
	s0 =	sadd.s32 $0xA80, s0  }
0x3d0: {  	[hbm4b:s0+s29] =	stream.linear.scatter [tilespmem:s30], [sflag:$0x4], $0x1900, $0x38;
	[tilespmem:$0x1E900] =	vst v63  }
0x3d1: {  	s6 =	rddreg [dreg:$0xa]  }
0x3d2: {  	s6 =	sadd.s32 $0x1, s6  }
0x3d3: {  	p0 =	sne.s32 s6, $0x8  }
.Ltmp4:
0x3d4: {  	_ = 	snop;
	(pc) =	sbr.rel @p0 .LBB2_2-.Ltmp4, $1  }
0x3d5: {  	_ =	sdelay $0x3  }
0x3d6: {  	s0 =	simm.s32 $0x3  }
0x3d7: {  	_ =	swait.ge [sflag:s0], $0x1900  }
0x3d8: {  	[sflag:s0] =	ssyncset.done $0x0  }
0x3d9: {  	[sflag:s0] =	ssyncadd.s32 $0xFFFFE700  }
0x3da: {  	_ =	swait.ge [sflag:s0], $0x1900  }
0x3db: {  	[sflag:s0] =	ssyncset.done $0x0  }
0x3dc: {  	[sflag:s0] =	ssyncadd.s32 $0xFFFFE700  }
0x3dd: {  	_ =	swait.ge [sflag:s0], $0x1900  }
0x3de: {  	[sflag:s0] =	ssyncset.done $0x0  }
0x3df: {  	[sflag:s0] =	ssyncadd.s32 $0xFFFFE700  }
0x3e0: {  	_ =	swait.ge [sflag:s0], $0x1900  }
0x3e1: {  	[sflag:s0] =	ssyncset.done $0x0  }
0x3e2: {  	s1 =	simm.s32 $0x4;
	[sflag:s0] =	ssyncadd.s32 $0xFFFFE700  }
0x3e3: {  	_ =	swait.ge [sflag:s1], $0x1900  }
0x3e4: {  	[sflag:s1] =	ssyncset.done $0x0  }
0x3e5: {  	[sflag:s1] =	ssyncadd.s32 $0xFFFFE700  }
0x3e6: {  	_ =	swait.ge [sflag:s1], $0x1900  }
0x3e7: {  	[sflag:s1] =	ssyncset.done $0x0  }
0x3e8: {  	[sflag:s1] =	ssyncadd.s32 $0xFFFFE700  }
0x3e9: {  	_ =	swait.ge [sflag:s1], $0x1900  }
0x3ea: {  	[sflag:s1] =	ssyncset.done $0x0  }
0x3eb: {  	[sflag:s1] =	ssyncadd.s32 $0xFFFFE700  }
0x3ec: {  	_ =	swait.ge [sflag:s1], $0x1900  }
0x3ed: {  	s2 =	rddreg [dreg:$0x9]  }
0x3ee: {  	s30 =	rddreg [dreg:$0x8];
	s2 =	sadd.s32 $0x1, s2  }
0x3ef: {  	p0 =	sne.s32 s2, s30  }
.Ltmp5:
0x3f0: {  	_ = 	snop;
	(pc) =	sbr.rel @p0 .LBB2_1-.Ltmp5, $3  }
0x3f1: {  	_ =	sdelay $0x1  }
0x3f2: {  	[sflag:s1] =	ssyncset.done $0x0  }
0x3f3: {  	[sflag:s1] =	ssyncadd.s32 $0xFFFFE700  }
0x3f4: {  	_ =	sfence.sel $0x180000  }
0x3f5: {  	[bflag:$0x0] =	sbarrier.arrive $0xFFFF  }
0x3f6: {  	_ =	strace $0x90000047  }
0x3f7: {  	s0 =	stileid.u32;
	[bflag:$0x2] =	sbarrier.arrive $0xFFFF  }
0x3f8: {  	p0 =	sne.s32 s0, $0x0;
	s0 =	rddreg [dreg:$0x2]  }
0x3f9: {  	s0 =	sadd.s32 @!p0 $0x100000, s0  }
0x3fa: {  	[sflag:s0] =	ssyncadd.tile.s32 @!p0 $0x1;
	_ =	shalt  }
.Lfunc_end2:
_tile_overlayer_lowered:
.L_overlay_start_2:
0x3fb: {  	(tag) =	ssettag $0x2  }
0x3fc: {  	s0 =	rddreg [dreg:$0x0];
	s2 =	stileid.u32  }
0x3fd: {  	s1 =	rddreg [dreg:$0x1];
	p0 =	sne.s32 s2, $0x0  }
0x3fe: {  	s3 =	rddreg [dreg:$0x2];
	[bflag:$0x3] =	sbarrier.arrive $0xFFFF;
	s2 =	simm.s32 @!p0 $0x1C05  }
0x3ff: {  	[timem:s3], [sflag:s2] =	dma.local @!p0 [hbm:s0], s1  }
0x400: {  	s0 =	simm.s32 @!p0 $0x5  }
0x401: {  	_ =	swait.ge @!p0 [sflag:s0], s1  }
0x402: {  	s1 =	ssub.s32 @!p0 $0x0, s1;
	[sflag:s0] =	ssyncset.done @!p0 $0x0  }
0x403: {  	[sflag:s0] =	ssyncadd.s32 @!p0 s1  }
0x404: {  	[bflag:$0x3] =	sbarrier.arrive $0xFFFF  }
0x405: {  	_ =	shalt  }

</sc_bundles>
